<compile_context>
chip_gen: v7x
topology: tpu7x:2x2x1
jax: 0.10.2.dev20260603
libtpu: 0.0.44.dev20260713+nightly
codegen_flags: <defaults>
</compile_context>

<pallas_src>
import jax
import jax.numpy as jnp
import numpy as np
from jax import lax
from jax.experimental import pallas as pl
from jax.experimental.pallas import tpu as pltpu
from jax.experimental.pallas import tpu_sc as plsc

N = 10000
D = 128
E = 320000

NSC = 2
NT = 16
NW = NSC * NT
EPT = E // NW
K = 80
CH = EPT // K
N2 = 10240
RPT = N2 // NT
ZR = 128
LANES = 16
R = 2000


def _tc_transform():

    def body(x_ref, wl_ref, wr_ref, b_ref, xp_ref, r_ref):
        xb = x_ref[...]
        dn = (((1,), (1,)), ((), ()))
        xp_ref[...] = lax.dot_general(xb, wl_ref[...], dn,
                                      preferred_element_type=jnp.float32)
        r_ref[...] = lax.dot_general(xb, wr_ref[...], dn,
                                     preferred_element_type=jnp.float32) + b_ref[...]

    return pl.pallas_call(
        body,
        grid=(N // R,),
        in_specs=[
            pl.BlockSpec((R, D), lambda i: (i, 0)),
            pl.BlockSpec((D, D), lambda i: (0, 0)),
            pl.BlockSpec((D, D), lambda i: (0, 0)),
            pl.BlockSpec((1, D), lambda i: (0, 0)),
        ],
        out_specs=[
            pl.BlockSpec((R, D), lambda i: (i, 0)),
            pl.BlockSpec((R, D), lambda i: (i, 0)),
        ],
        out_shape=[jax.ShapeDtypeStruct((N, D), jnp.float32)] * 2,
    )


def _tc_combine_transform():

    def body(p0_ref, p1_ref, c0_ref, c1_ref, r_ref, m_ref, wl_ref, wr_ref,
             b_ref, xp_ref, rout_ref):
        cnt = c0_ref[:, 0:1] + c1_ref[:, 0:1]
        mean = (p0_ref[...] + p1_ref[...]) / jnp.maximum(cnt, 1.0)
        h = jnp.maximum((mean + r_ref[...]) * m_ref[...], 0.0)
        dn = (((1,), (1,)), ((), ()))
        xp_ref[...] = lax.dot_general(h, wl_ref[...], dn,
                                      preferred_element_type=jnp.float32)
        rout_ref[...] = lax.dot_general(h, wr_ref[...], dn,
                                        preferred_element_type=jnp.float32) + b_ref[...]

    return pl.pallas_call(
        body,
        grid=(N // R,),
        in_specs=[
            pl.BlockSpec((R, D), lambda i: (i, 0)),
            pl.BlockSpec((R, D), lambda i: (i, 0)),
            pl.BlockSpec((R, LANES), lambda i: (i, 0)),
            pl.BlockSpec((R, LANES), lambda i: (i, 0)),
            pl.BlockSpec((R, D), lambda i: (i, 0)),
            pl.BlockSpec((R, D), lambda i: (i, 0)),
            pl.BlockSpec((D, D), lambda i: (0, 0)),
            pl.BlockSpec((D, D), lambda i: (0, 0)),
            pl.BlockSpec((1, D), lambda i: (0, 0)),
        ],
        out_specs=[
            pl.BlockSpec((R, D), lambda i: (i, 0)),
            pl.BlockSpec((R, D), lambda i: (i, 0)),
        ],
        out_shape=[jax.ShapeDtypeStruct((N, D), jnp.float32)] * 2,
    )


def _tc_final():

    def body(p0_ref, p1_ref, c0_ref, c1_ref, r_ref, o_ref):
        cnt = c0_ref[:, 0:1] + c1_ref[:, 0:1]
        mean = (p0_ref[...] + p1_ref[...]) / jnp.maximum(cnt, 1.0)
        o_ref[...] = mean + r_ref[...]

    return pl.pallas_call(
        body,
        grid=(N // R,),
        in_specs=[
            pl.BlockSpec((R, D), lambda i: (i, 0)),
            pl.BlockSpec((R, D), lambda i: (i, 0)),
            pl.BlockSpec((R, LANES), lambda i: (i, 0)),
            pl.BlockSpec((R, LANES), lambda i: (i, 0)),
            pl.BlockSpec((R, D), lambda i: (i, 0)),
        ],
        out_specs=pl.BlockSpec((R, D), lambda i: (i, 0)),
        out_shape=jax.ShapeDtypeStruct((N, D), jnp.float32),
    )


def _zero_vmem_2d(buf, rows, cols):
    def zrow(i, carry):
        for j in range(cols // LANES):
            buf[i, pl.ds(j * LANES, LANES)] = jnp.zeros((LANES,), jnp.float32)
        return carry
    lax.fori_loop(0, rows, zrow, 0)


def _make_sc_aggregate():
    mesh = plsc.VectorSubcoreMesh(core_axis_name="c", subcore_axis_name="s")

    def body(xp_hbm, src_hbm, dst_hbm, out_hbm, src_v, dst_v, g0, g1,
             acc, sem0, sem1):
        c = lax.axis_index("c")
        s = lax.axis_index("s")
        g = c * NT + s
        base = s * RPT

        _zero_vmem_2d(g0, K, D)
        for t in range(RPT // K):
            pltpu.sync_copy(g0, acc.at[pl.ds(base + t * K, K)])
        pltpu.sync_copy(src_hbm.at[g], src_v)
        pltpu.sync_copy(dst_hbm.at[g], dst_v)
        plsc.subcore_barrier()

        pltpu.async_copy(xp_hbm.at[src_v.at[0]], g0, sem0)

        def pair(t, carry):
            a = 2 * t
            b = a + 1
            pltpu.async_copy(xp_hbm.at[src_v.at[b]], g1, sem1)
            pltpu.make_async_copy(xp_hbm.at[src_v.at[a]], g0, sem0).wait()
            pltpu.sync_copy(g0, acc.at[dst_v.at[a]], add=True)
            pltpu.async_copy(xp_hbm.at[src_v.at[b + 1]], g0, sem0)
            pltpu.make_async_copy(xp_hbm.at[src_v.at[b]], g1, sem1).wait()
            pltpu.sync_copy(g1, acc.at[dst_v.at[b]], add=True)
            return carry
        lax.fori_loop(0, (CH - 1) // 2, pair, 0)

        last = CH - 1
        pltpu.make_async_copy(xp_hbm.at[src_v.at[last]], g0, sem0).wait()
        pltpu.sync_copy(g0, acc.at[dst_v.at[last]], add=True)

        plsc.subcore_barrier()

        for t in range(RPT // ZR):
            rows = pl.ds(base + t * ZR, ZR)
            pltpu.sync_copy(acc.at[rows], out_hbm.at[c].at[rows])

    return pl.kernel(
        body,
        out_type=jax.ShapeDtypeStruct((NSC, N2, D), jnp.float32),
        mesh=mesh,
        compiler_params=pltpu.CompilerParams(use_tc_tiling_on_sc=False),
        scratch_types=[
            pltpu.VMEM((CH, K), jnp.int32),
            pltpu.VMEM((CH, K), jnp.int32),
            pltpu.VMEM((K, D), jnp.float32),
            pltpu.VMEM((K, D), jnp.float32),
            pltpu.VMEM_SHARED((N2, D), jnp.float32),
            pltpu.SemaphoreType.DMA,
            pltpu.SemaphoreType.DMA,
        ],
    )


def _make_sc_counts():
    mesh = plsc.VectorSubcoreMesh(core_axis_name="c", subcore_axis_name="s")

    def body(dst_hbm, out_hbm, dst_v, obuf, zbuf, cacc, sem):
        c = lax.axis_index("c")
        s = lax.axis_index("s")
        g = c * NT + s
        base = s * RPT

        _zero_vmem_2d(zbuf, ZR, LANES)
        for t in range(RPT // ZR):
            pltpu.sync_copy(zbuf, cacc.at[pl.ds(base + t * ZR, ZR)])

        def orow(i, carry):
            obuf[i, :] = jnp.ones((LANES,), jnp.float32)
            return carry
        lax.fori_loop(0, K, orow, 0)
        pltpu.sync_copy(dst_hbm.at[g], dst_v)
        plsc.subcore_barrier()

        def fire(j, carry):
            pltpu.async_copy(obuf, cacc.at[dst_v.at[j]], sem, add=True)
            return carry
        lax.fori_loop(0, CH, fire, 0)

        def drain(j, carry):
            pltpu.make_async_copy(obuf, cacc.at[dst_v.at[0]], sem).wait()
            return carry
        lax.fori_loop(0, CH, drain, 0)

        plsc.subcore_barrier()

        for t in range(RPT // ZR):
            rows = pl.ds(base + t * ZR, ZR)
            pltpu.sync_copy(cacc.at[rows], out_hbm.at[c].at[rows])

    return pl.kernel(
        body,
        out_type=jax.ShapeDtypeStruct((NSC, N2, LANES), jnp.float32),
        mesh=mesh,
        compiler_params=pltpu.CompilerParams(use_tc_tiling_on_sc=False),
        scratch_types=[
            pltpu.VMEM((CH, K), jnp.int32),
            pltpu.VMEM((K, LANES), jnp.float32),
            pltpu.VMEM((ZR, LANES), jnp.float32),
            pltpu.VMEM_SHARED((N2, LANES), jnp.float32),
            pltpu.SemaphoreType.DMA,
        ],
    )


def _np_threefry2x32(k1, k2, x0, x1):
    rot0 = (13, 15, 26, 6)
    rot1 = (17, 29, 16, 24)
    ks = [np.uint32(k1), np.uint32(k2),
          np.uint32(k1) ^ np.uint32(k2) ^ np.uint32(0x1BD11BDA)]
    x = [x0.astype(np.uint32), x1.astype(np.uint32)]

    def rotl(v, d):
        return (v << np.uint32(d)) | (v >> np.uint32(32 - d))

    def rounds(x, rots):
        for r in rots:
            x[0] = x[0] + x[1]
            x[1] = x[0] ^ rotl(x[1], r)
        return x

    x[0] = x[0] + ks[0]
    x[1] = x[1] + ks[1]
    for i, (rots, ka, kb) in enumerate(
            ((rot0, 1, 2), (rot1, 2, 0), (rot0, 0, 1),
             (rot1, 1, 2), (rot0, 2, 0))):
        x = rounds(x, rots)
        x[0] = x[0] + ks[ka]
        x[1] = x[1] + ks[kb] + np.uint32(i + 1)
    return x


def _dropout_scale(seed):
    n = N * D
    with np.errstate(over="ignore"):
        b1, b2 = _np_threefry2x32(0, seed, np.zeros((n,), np.uint32),
                                  np.arange(n, dtype=np.uint32))
        bits = (b1 ^ b2).reshape(N, D)
        fb = (bits >> np.uint32(9)) | np.uint32(0x3F800000)
        u = fb.view(np.float32) - np.float32(1.0)
    return (u < np.float32(0.5)).astype(np.float32) * np.float32(2.0)


_M1 = _dropout_scale(101)
_M2 = _dropout_scale(102)


def kernel(x, edge_index, Wl1, Wr1, b1, Wl2, Wr2, b2, Wl3, Wr3, b3):
    src3 = edge_index[0].reshape(NW, CH, K)
    dst3 = edge_index[1].reshape(NW, CH, K)
    b1r = b1.reshape(1, D)
    b2r = b2.reshape(1, D)
    b3r = b3.reshape(1, D)

    m1 = _M1
    m2 = _M2

    sc_counts = _make_sc_counts()
    sc_agg = _make_sc_aggregate()
    tc_transform = _tc_transform()
    tc_mid = _tc_combine_transform()
    tc_final = _tc_final()

    cnt = sc_counts(dst3)
    c0, c1 = cnt[0], cnt[1]
    xp1, r1 = tc_transform(x, Wl1, Wr1, b1r)
    p = sc_agg(xp1, src3, dst3)
    xp2, r2 = tc_mid(p[0], p[1], c0, c1, r1, m1, Wl2, Wr2, b2r)
    p = sc_agg(xp2, src3, dst3)
    xp3, r3 = tc_mid(p[0], p[1], c0, c1, r2, m2, Wl3, Wr3, b3r)
    p = sc_agg(xp3, src3, dst3)
    return tc_final(p[0], p[1], c0, c1, r3)

# --- scband reference (transcript-rebuilt; emitter-appended) ---
"""Pipeline reference for scband-gcn-layer-sage-36120674959517 (READ-ONLY COPY).

The authoritative reference and input builder live on the scoring server;
editing this copy changes nothing except your own understanding.
"""

import jax, jax.numpy as jnp
import numpy as np

N = 10000
E = 320000
D = 128


def setup_inputs(seed: int = 0) -> dict:
    key = jax.random.key(seed)
    ks = jax.random.split(key, 12)
    x = jax.random.normal(ks[0], (N, D), dtype=jnp.float32)
    edge_index = jax.random.randint(ks[1], (2, E), 0, N, dtype=jnp.int32)
    s = 1.0 / np.sqrt(D)
    Wl1 = jax.random.normal(ks[2], (D, D), dtype=jnp.float32) * s
    Wr1 = jax.random.normal(ks[3], (D, D), dtype=jnp.float32) * s
    b1 = jnp.zeros((D,), dtype=jnp.float32)
    Wl2 = jax.random.normal(ks[4], (D, D), dtype=jnp.float32) * s
    Wr2 = jax.random.normal(ks[5], (D, D), dtype=jnp.float32) * s
    b2 = jnp.zeros((D,), dtype=jnp.float32)
    Wl3 = jax.random.normal(ks[6], (D, D), dtype=jnp.float32) * s
    Wr3 = jax.random.normal(ks[7], (D, D), dtype=jnp.float32) * s
    b3 = jnp.zeros((D,), dtype=jnp.float32)
    return {"x": x, "edge_index": edge_index,
            "Wl1": Wl1, "Wr1": Wr1, "b1": b1,
            "Wl2": Wl2, "Wr2": Wr2, "b2": b2,
            "Wl3": Wl3, "Wr3": Wr3, "b3": b3}


def _sage_conv(x, edge_index, Wl, Wr, b):
    # PyG SAGEConv (aggr='mean', root_weight=True, normalize=False):
    # out_i = Wl @ mean_{j->i} x_j + Wr @ x_i + b
    src = edge_index[0]
    dst = edge_index[1]
    msg = x[src]  # gather over source nodes
    agg = jax.ops.segment_sum(msg, dst, num_segments=N)  # scatter-add by dst
    cnt = jax.ops.segment_sum(jnp.ones((msg.shape[0], 1), x.dtype), dst, num_segments=N)
    mean = agg / jnp.maximum(cnt, 1.0)
    return mean @ Wl.T + x @ Wr.T + b


def _dropout(x, seed, p=0.5):
    # F.dropout defaults to training=True, p=0.5 -> inverted dropout with fixed key
    keep = jax.random.bernoulli(jax.random.key(seed), 1.0 - p, x.shape)
    return jnp.where(keep, x / (1.0 - p), jnp.zeros_like(x))


def reference(x, edge_index, Wl1, Wr1, b1, Wl2, Wr2, b2, Wl3, Wr3, b3):
    h = _sage_conv(x, edge_index, Wl1, Wr1, b1)
    h = _dropout(h, 101)
    h = jax.nn.relu(h)
    h = _sage_conv(h, edge_index, Wl2, Wr2, b2)
    h = _dropout(h, 102)
    h = jax.nn.relu(h)
    h = _sage_conv(h, edge_index, Wl3, Wr3, b3)
    return h

if __name__ == "__main__":
    import jax
    _d = setup_inputs()
    print(jax.jit(kernel)(*tuple(_d.values())))

</pallas_src>

<mosaic_0001>
#map = affine_map<(d0, d1) -> (0, 0)>
#map1 = affine_map<(d0, d1) -> (0, 0, 0)>
module attributes {stable_mosaic.version = 14 : i64} {
  func.func @body(%arg0: i32, %arg1: i32, %arg2: memref<10000x128xf32, #tpu.memory_space<hbm>>, %arg3: memref<32x125x80xi32, #tpu.memory_space<hbm>>, %arg4: memref<32x125x80xi32, #tpu.memory_space<hbm>>, %arg5: memref<2x10240x128xf32, #tpu.memory_space<hbm>>, %arg6: memref<125x80xi32, #tpu.memory_space<vmem>>, %arg7: memref<125x80xi32, #tpu.memory_space<vmem>>, %arg8: memref<80x128xf32, #tpu.memory_space<vmem>>, %arg9: memref<80x128xf32, #tpu.memory_space<vmem>>, %arg10: memref<10240x128xf32, #tpu.memory_space<vmem_shared>>, %arg11: memref<!tpu.dma_semaphore, #tpu.memory_space<semaphore_mem>>, %arg12: memref<!tpu.dma_semaphore, #tpu.memory_space<semaphore_mem>>) attributes {dimension_semantics = [#tpu.dimension_semantics<core_parallel>, #tpu.dimension_semantics<subcore_parallel>], iteration_bounds = array<i64: 2, 16>, scalar_prefetch = 0 : i64, scratch_operands = 7 : i64, tpu.core_type = #tpu.core_type<sc_vector_subcore>, window_params = [{transform_indices = #map}, {transform_indices = #map1}, {transform_indices = #map1}, {transform_indices = #map1}]} {
    %mul3A = arith.constant 16 : i32
    %mul3A_0 = arith.muli %arg0, %mul3A : i32
    %add3A = arith.addi %mul3A_0, %arg1 : i32
    %mul3A_1 = arith.constant 640 : i32
    %mul3A_2 = arith.muli %arg1, %mul3A_1 : i32
    %scan3A = arith.constant 0 : i32
    %scan3A_3 = arith.constant 0 : i32
    %scan3A_4 = arith.constant 80 : i32
    %scan3A_5 = arith.addi %scan3A_3, %scan3A_4 : i32
    %scan3A_6 = arith.constant 1 : i32
    scf.for %scan3A_53 = %scan3A_3 to %scan3A_5 step %scan3A_6  : i32 {
      %broadcast_in_dim3A = arith.constant 0.000000e+00 : f32
      %broadcast_in_dim3A_54 = vector.broadcast %broadcast_in_dim3A : f32 to vector<16xf32>
      %swap3A = arith.index_cast %scan3A_53 : i32 to index
      %swap3A_55 = arith.constant 0 : index
      %swap3A_56 = tpu.vector_load %arg8[%swap3A, %swap3A_55] {strides = array<i32>} : memref<80x128xf32, #tpu.memory_space<vmem>>, vector<1x16xf32>,
      %swap3A_57 = vector.shape_cast %swap3A_56 : vector<1x16xf32> to vector<16xf32>
      %swap3A_58 = vector.shape_cast %broadcast_in_dim3A_54 : vector<16xf32> to vector<1x16xf32>
      tpu.vector_store %arg8[%swap3A, %swap3A_55], %swap3A_58 {strides = array<i32>} : memref<80x128xf32, #tpu.memory_space<vmem>>, vector<1x16xf32>,
      %broadcast_in_dim3A_59 = arith.constant 0.000000e+00 : f32
      %broadcast_in_dim3A_60 = vector.broadcast %broadcast_in_dim3A_59 : f32 to vector<16xf32>
      %swap3A_61 = arith.index_cast %scan3A_53 : i32 to index
      %swap3A_62 = arith.constant 16 : index
      %swap3A_63 = tpu.vector_load %arg8[%swap3A_61, %swap3A_62] {strides = array<i32>} : memref<80x128xf32, #tpu.memory_space<vmem>>, vector<1x16xf32>,
      %swap3A_64 = vector.shape_cast %swap3A_63 : vector<1x16xf32> to vector<16xf32>
      %swap3A_65 = vector.shape_cast %broadcast_in_dim3A_60 : vector<16xf32> to vector<1x16xf32>
      tpu.vector_store %arg8[%swap3A_61, %swap3A_62], %swap3A_65 {strides = array<i32>} : memref<80x128xf32, #tpu.memory_space<vmem>>, vector<1x16xf32>,
      %broadcast_in_dim3A_66 = arith.constant 0.000000e+00 : f32
      %broadcast_in_dim3A_67 = vector.broadcast %broadcast_in_dim3A_66 : f32 to vector<16xf32>
      %swap3A_68 = arith.index_cast %scan3A_53 : i32 to index
      %swap3A_69 = arith.constant 32 : index
      %swap3A_70 = tpu.vector_load %arg8[%swap3A_68, %swap3A_69] {strides = array<i32>} : memref<80x128xf32, #tpu.memory_space<vmem>>, vector<1x16xf32>,
      %swap3A_71 = vector.shape_cast %swap3A_70 : vector<1x16xf32> to vector<16xf32>
      %swap3A_72 = vector.shape_cast %broadcast_in_dim3A_67 : vector<16xf32> to vector<1x16xf32>
      tpu.vector_store %arg8[%swap3A_68, %swap3A_69], %swap3A_72 {strides = array<i32>} : memref<80x128xf32, #tpu.memory_space<vmem>>, vector<1x16xf32>,
      %broadcast_in_dim3A_73 = arith.constant 0.000000e+00 : f32
      %broadcast_in_dim3A_74 = vector.broadcast %broadcast_in_dim3A_73 : f32 to vector<16xf32>
      %swap3A_75 = arith.index_cast %scan3A_53 : i32 to index
      %swap3A_76 = arith.constant 48 : index
      %swap3A_77 = tpu.vector_load %arg8[%swap3A_75, %swap3A_76] {strides = array<i32>} : memref<80x128xf32, #tpu.memory_space<vmem>>, vector<1x16xf32>,
      %swap3A_78 = vector.shape_cast %swap3A_77 : vector<1x16xf32> to vector<16xf32>
      %swap3A_79 = vector.shape_cast %broadcast_in_dim3A_74 : vector<16xf32> to vector<1x16xf32>
      tpu.vector_store %arg8[%swap3A_75, %swap3A_76], %swap3A_79 {strides = array<i32>} : memref<80x128xf32, #tpu.memory_space<vmem>>, vector<1x16xf32>,
      %broadcast_in_dim3A_80 = arith.constant 0.000000e+00 : f32
      %broadcast_in_dim3A_81 = vector.broadcast %broadcast_in_dim3A_80 : f32 to vector<16xf32>
      %swap3A_82 = arith.index_cast %scan3A_53 : i32 to index
      %swap3A_83 = arith.constant 64 : index
      %swap3A_84 = tpu.vector_load %arg8[%swap3A_82, %swap3A_83] {strides = array<i32>} : memref<80x128xf32, #tpu.memory_space<vmem>>, vector<1x16xf32>,
      %swap3A_85 = vector.shape_cast %swap3A_84 : vector<1x16xf32> to vector<16xf32>
      %swap3A_86 = vector.shape_cast %broadcast_in_dim3A_81 : vector<16xf32> to vector<1x16xf32>
      tpu.vector_store %arg8[%swap3A_82, %swap3A_83], %swap3A_86 {strides = array<i32>} : memref<80x128xf32, #tpu.memory_space<vmem>>, vector<1x16xf32>,
      %broadcast_in_dim3A_87 = arith.constant 0.000000e+00 : f32
      %broadcast_in_dim3A_88 = vector.broadcast %broadcast_in_dim3A_87 : f32 to vector<16xf32>
      %swap3A_89 = arith.index_cast %scan3A_53 : i32 to index
      %swap3A_90 = arith.constant 80 : index
      %swap3A_91 = tpu.vector_load %arg8[%swap3A_89, %swap3A_90] {strides = array<i32>} : memref<80x128xf32, #tpu.memory_space<vmem>>, vector<1x16xf32>,
      %swap3A_92 = vector.shape_cast %swap3A_91 : vector<1x16xf32> to vector<16xf32>
      %swap3A_93 = vector.shape_cast %broadcast_in_dim3A_88 : vector<16xf32> to vector<1x16xf32>
      tpu.vector_store %arg8[%swap3A_89, %swap3A_90], %swap3A_93 {strides = array<i32>} : memref<80x128xf32, #tpu.memory_space<vmem>>, vector<1x16xf32>,
      %broadcast_in_dim3A_94 = arith.constant 0.000000e+00 : f32
      %broadcast_in_dim3A_95 = vector.broadcast %broadcast_in_dim3A_94 : f32 to vector<16xf32>
      %swap3A_96 = arith.index_cast %scan3A_53 : i32 to index
      %swap3A_97 = arith.constant 96 : index
      %swap3A_98 = tpu.vector_load %arg8[%swap3A_96, %swap3A_97] {strides = array<i32>} : memref<80x128xf32, #tpu.memory_space<vmem>>, vector<1x16xf32>,
      %swap3A_99 = vector.shape_cast %swap3A_98 : vector<1x16xf32> to vector<16xf32>
      %swap3A_100 = vector.shape_cast %broadcast_in_dim3A_95 : vector<16xf32> to vector<1x16xf32>
      tpu.vector_store %arg8[%swap3A_96, %swap3A_97], %swap3A_100 {strides = array<i32>} : memref<80x128xf32, #tpu.memory_space<vmem>>, vector<1x16xf32>,
      %broadcast_in_dim3A_101 = arith.constant 0.000000e+00 : f32
      %broadcast_in_dim3A_102 = vector.broadcast %broadcast_in_dim3A_101 : f32 to vector<16xf32>
      %swap3A_103 = arith.index_cast %scan3A_53 : i32 to index
      %swap3A_104 = arith.constant 112 : index
      %swap3A_105 = tpu.vector_load %arg8[%swap3A_103, %swap3A_104] {strides = array<i32>} : memref<80x128xf32, #tpu.memory_space<vmem>>, vector<1x16xf32>,
      %swap3A_106 = vector.shape_cast %swap3A_105 : vector<1x16xf32> to vector<16xf32>
      %swap3A_107 = vector.shape_cast %broadcast_in_dim3A_102 : vector<16xf32> to vector<1x16xf32>
      tpu.vector_store %arg8[%swap3A_103, %swap3A_104], %swap3A_107 {strides = array<i32>} : memref<80x128xf32, #tpu.memory_space<vmem>>, vector<1x16xf32>,
    }
    %scan3A_7 = arith.constant 80 : i32
    %add3A_8 = arith.constant 0 : i32
    %add3A_9 = arith.addi %mul3A_2, %add3A_8 : i32
    "tpu.region"() ({
      %run_scoped3A_53 = tpu.sem_alloc : memref<!tpu.dma_semaphore, #tpu.memory_space<semaphore_mem>>
      %dma_start3A_54 = arith.constant 0 : i32
      %dma_start3A_55 = tpu.memref_slice %arg10[%add3A_9, %dma_start3A_54] : memref<10240x128xf32, #tpu.memory_space<vmem_shared>> -> memref<80x128xf32, #tpu.memory_space<vmem_shared>>
      %dma_start3A_56 = arith.constant 0 : i32
      %dma_start3A_57 = tpu.memref_slice %arg10[%add3A_9, %dma_start3A_56] : memref<10240x128xf32, #tpu.memory_space<vmem_shared>> -> memref<80x128xf32, #tpu.memory_space<vmem_shared>>
      tpu.enqueue_dma source(%arg8 : memref<80x128xf32, #tpu.memory_space<vmem>>) target(%dma_start3A_57 : memref<80x128xf32, #tpu.memory_space<vmem_shared>>) target_semaphore(%run_scoped3A_53 : memref<!tpu.dma_semaphore, #tpu.memory_space<semaphore_mem>>)
      %dma_wait3A_58 = arith.constant 0 : i32
      %dma_wait3A_59 = tpu.memref_slice %arg10[%add3A_9, %dma_wait3A_58] : memref<10240x128xf32, #tpu.memory_space<vmem_shared>> -> memref<80x128xf32, #tpu.memory_space<vmem_shared>>
      %dma_wait3A_60 = arith.constant 0 : i32
      %dma_wait3A_61 = tpu.memref_slice %arg10[%add3A_9, %dma_wait3A_60] : memref<10240x128xf32, #tpu.memory_space<vmem_shared>> -> memref<80x128xf32, #tpu.memory_space<vmem_shared>>
      tpu.wait_dma2 semaphore(%run_scoped3A_53 : memref<!tpu.dma_semaphore, #tpu.memory_space<semaphore_mem>>) src(%arg8 : memref<80x128xf32, #tpu.memory_space<vmem>>) dst(%dma_wait3A_61 : memref<80x128xf32, #tpu.memory_space<vmem_shared>>)
      tpu.yield
    }) : () -> ()
    %add3A_10 = arith.constant 80 : i32
    %add3A_11 = arith.addi %mul3A_2, %add3A_10 : i32
    "tpu.region"() ({
      %run_scoped3A_53 = tpu.sem_alloc : memref<!tpu.dma_semaphore, #tpu.memory_space<semaphore_mem>>
      %dma_start3A_54 = arith.constant 0 : i32
      %dma_start3A_55 = tpu.memref_slice %arg10[%add3A_11, %dma_start3A_54] : memref<10240x128xf32, #tpu.memory_space<vmem_shared>> -> memref<80x128xf32, #tpu.memory_space<vmem_shared>>
      %dma_start3A_56 = arith.constant 0 : i32
      %dma_start3A_57 = tpu.memref_slice %arg10[%add3A_11, %dma_start3A_56] : memref<10240x128xf32, #tpu.memory_space<vmem_shared>> -> memref<80x128xf32, #tpu.memory_space<vmem_shared>>
      tpu.enqueue_dma source(%arg8 : memref<80x128xf32, #tpu.memory_space<vmem>>) target(%dma_start3A_57 : memref<80x128xf32, #tpu.memory_space<vmem_shared>>) target_semaphore(%run_scoped3A_53 : memref<!tpu.dma_semaphore, #tpu.memory_space<semaphore_mem>>)
      %dma_wait3A_58 = arith.constant 0 : i32
      %dma_wait3A_59 = tpu.memref_slice %arg10[%add3A_11, %dma_wait3A_58] : memref<10240x128xf32, #tpu.memory_space<vmem_shared>> -> memref<80x128xf32, #tpu.memory_space<vmem_shared>>
      %dma_wait3A_60 = arith.constant 0 : i32
      %dma_wait3A_61 = tpu.memref_slice %arg10[%add3A_11, %dma_wait3A_60] : memref<10240x128xf32, #tpu.memory_space<vmem_shared>> -> memref<80x128xf32, #tpu.memory_space<vmem_shared>>
      tpu.wait_dma2 semaphore(%run_scoped3A_53 : memref<!tpu.dma_semaphore, #tpu.memory_space<semaphore_mem>>) src(%arg8 : memref<80x128xf32, #tpu.memory_space<vmem>>) dst(%dma_wait3A_61 : memref<80x128xf32, #tpu.memory_space<vmem_shared>>)
      tpu.yield
    }) : () -> ()
    %add3A_12 = arith.constant 160 : i32
    %add3A_13 = arith.addi %mul3A_2, %add3A_12 : i32
    "tpu.region"() ({
      %run_scoped3A_53 = tpu.sem_alloc : memref<!tpu.dma_semaphore, #tpu.memory_space<semaphore_mem>>
      %dma_start3A_54 = arith.constant 0 : i32
      %dma_start3A_55 = tpu.memref_slice %arg10[%add3A_13, %dma_start3A_54] : memref<10240x128xf32, #tpu.memory_space<vmem_shared>> -> memref<80x128xf32, #tpu.memory_space<vmem_shared>>
      %dma_start3A_56 = arith.constant 0 : i32
      %dma_start3A_57 = tpu.memref_slice %arg10[%add3A_13, %dma_start3A_56] : memref<10240x128xf32, #tpu.memory_space<vmem_shared>> -> memref<80x128xf32, #tpu.memory_space<vmem_shared>>
      tpu.enqueue_dma source(%arg8 : memref<80x128xf32, #tpu.memory_space<vmem>>) target(%dma_start3A_57 : memref<80x128xf32, #tpu.memory_space<vmem_shared>>) target_semaphore(%run_scoped3A_53 : memref<!tpu.dma_semaphore, #tpu.memory_space<semaphore_mem>>)
      %dma_wait3A_58 = arith.constant 0 : i32
      %dma_wait3A_59 = tpu.memref_slice %arg10[%add3A_13, %dma_wait3A_58] : memref<10240x128xf32, #tpu.memory_space<vmem_shared>> -> memref<80x128xf32, #tpu.memory_space<vmem_shared>>
      %dma_wait3A_60 = arith.constant 0 : i32
      %dma_wait3A_61 = tpu.memref_slice %arg10[%add3A_13, %dma_wait3A_60] : memref<10240x128xf32, #tpu.memory_space<vmem_shared>> -> memref<80x128xf32, #tpu.memory_space<vmem_shared>>
      tpu.wait_dma2 semaphore(%run_scoped3A_53 : memref<!tpu.dma_semaphore, #tpu.memory_space<semaphore_mem>>) src(%arg8 : memref<80x128xf32, #tpu.memory_space<vmem>>) dst(%dma_wait3A_61 : memref<80x128xf32, #tpu.memory_space<vmem_shared>>)
      tpu.yield
    }) : () -> ()
    %add3A_14 = arith.constant 240 : i32
    %add3A_15 = arith.addi %mul3A_2, %add3A_14 : i32
    "tpu.region"() ({
      %run_scoped3A_53 = tpu.sem_alloc : memref<!tpu.dma_semaphore, #tpu.memory_space<semaphore_mem>>
      %dma_start3A_54 = arith.constant 0 : i32
      %dma_start3A_55 = tpu.memref_slice %arg10[%add3A_15, %dma_start3A_54] : memref<10240x128xf32, #tpu.memory_space<vmem_shared>> -> memref<80x128xf32, #tpu.memory_space<vmem_shared>>
      %dma_start3A_56 = arith.constant 0 : i32
      %dma_start3A_57 = tpu.memref_slice %arg10[%add3A_15, %dma_start3A_56] : memref<10240x128xf32, #tpu.memory_space<vmem_shared>> -> memref<80x128xf32, #tpu.memory_space<vmem_shared>>
      tpu.enqueue_dma source(%arg8 : memref<80x128xf32, #tpu.memory_space<vmem>>) target(%dma_start3A_57 : memref<80x128xf32, #tpu.memory_space<vmem_shared>>) target_semaphore(%run_scoped3A_53 : memref<!tpu.dma_semaphore, #tpu.memory_space<semaphore_mem>>)
      %dma_wait3A_58 = arith.constant 0 : i32
      %dma_wait3A_59 = tpu.memref_slice %arg10[%add3A_15, %dma_wait3A_58] : memref<10240x128xf32, #tpu.memory_space<vmem_shared>> -> memref<80x128xf32, #tpu.memory_space<vmem_shared>>
      %dma_wait3A_60 = arith.constant 0 : i32
      %dma_wait3A_61 = tpu.memref_slice %arg10[%add3A_15, %dma_wait3A_60] : memref<10240x128xf32, #tpu.memory_space<vmem_shared>> -> memref<80x128xf32, #tpu.memory_space<vmem_shared>>
      tpu.wait_dma2 semaphore(%run_scoped3A_53 : memref<!tpu.dma_semaphore, #tpu.memory_space<semaphore_mem>>) src(%arg8 : memref<80x128xf32, #tpu.memory_space<vmem>>) dst(%dma_wait3A_61 : memref<80x128xf32, #tpu.memory_space<vmem_shared>>)
      tpu.yield
    }) : () -> ()
    %add3A_16 = arith.constant 320 : i32
    %add3A_17 = arith.addi %mul3A_2, %add3A_16 : i32
    "tpu.region"() ({
      %run_scoped3A_53 = tpu.sem_alloc : memref<!tpu.dma_semaphore, #tpu.memory_space<semaphore_mem>>
      %dma_start3A_54 = arith.constant 0 : i32
      %dma_start3A_55 = tpu.memref_slice %arg10[%add3A_17, %dma_start3A_54] : memref<10240x128xf32, #tpu.memory_space<vmem_shared>> -> memref<80x128xf32, #tpu.memory_space<vmem_shared>>
      %dma_start3A_56 = arith.constant 0 : i32
      %dma_start3A_57 = tpu.memref_slice %arg10[%add3A_17, %dma_start3A_56] : memref<10240x128xf32, #tpu.memory_space<vmem_shared>> -> memref<80x128xf32, #tpu.memory_space<vmem_shared>>
      tpu.enqueue_dma source(%arg8 : memref<80x128xf32, #tpu.memory_space<vmem>>) target(%dma_start3A_57 : memref<80x128xf32, #tpu.memory_space<vmem_shared>>) target_semaphore(%run_scoped3A_53 : memref<!tpu.dma_semaphore, #tpu.memory_space<semaphore_mem>>)
      %dma_wait3A_58 = arith.constant 0 : i32
      %dma_wait3A_59 = tpu.memref_slice %arg10[%add3A_17, %dma_wait3A_58] : memref<10240x128xf32, #tpu.memory_space<vmem_shared>> -> memref<80x128xf32, #tpu.memory_space<vmem_shared>>
      %dma_wait3A_60 = arith.constant 0 : i32
      %dma_wait3A_61 = tpu.memref_slice %arg10[%add3A_17, %dma_wait3A_60] : memref<10240x128xf32, #tpu.memory_space<vmem_shared>> -> memref<80x128xf32, #tpu.memory_space<vmem_shared>>
      tpu.wait_dma2 semaphore(%run_scoped3A_53 : memref<!tpu.dma_semaphore, #tpu.memory_space<semaphore_mem>>) src(%arg8 : memref<80x128xf32, #tpu.memory_space<vmem>>) dst(%dma_wait3A_61 : memref<80x128xf32, #tpu.memory_space<vmem_shared>>)
      tpu.yield
    }) : () -> ()
    %add3A_18 = arith.constant 400 : i32
    %add3A_19 = arith.addi %mul3A_2, %add3A_18 : i32
    "tpu.region"() ({
      %run_scoped3A_53 = tpu.sem_alloc : memref<!tpu.dma_semaphore, #tpu.memory_space<semaphore_mem>>
      %dma_start3A_54 = arith.constant 0 : i32
      %dma_start3A_55 = tpu.memref_slice %arg10[%add3A_19, %dma_start3A_54] : memref<10240x128xf32, #tpu.memory_space<vmem_shared>> -> memref<80x128xf32, #tpu.memory_space<vmem_shared>>
      %dma_start3A_56 = arith.constant 0 : i32
      %dma_start3A_57 = tpu.memref_slice %arg10[%add3A_19, %dma_start3A_56] : memref<10240x128xf32, #tpu.memory_space<vmem_shared>> -> memref<80x128xf32, #tpu.memory_space<vmem_shared>>
      tpu.enqueue_dma source(%arg8 : memref<80x128xf32, #tpu.memory_space<vmem>>) target(%dma_start3A_57 : memref<80x128xf32, #tpu.memory_space<vmem_shared>>) target_semaphore(%run_scoped3A_53 : memref<!tpu.dma_semaphore, #tpu.memory_space<semaphore_mem>>)
      %dma_wait3A_58 = arith.constant 0 : i32
      %dma_wait3A_59 = tpu.memref_slice %arg10[%add3A_19, %dma_wait3A_58] : memref<10240x128xf32, #tpu.memory_space<vmem_shared>> -> memref<80x128xf32, #tpu.memory_space<vmem_shared>>
      %dma_wait3A_60 = arith.constant 0 : i32
      %dma_wait3A_61 = tpu.memref_slice %arg10[%add3A_19, %dma_wait3A_60] : memref<10240x128xf32, #tpu.memory_space<vmem_shared>> -> memref<80x128xf32, #tpu.memory_space<vmem_shared>>
      tpu.wait_dma2 semaphore(%run_scoped3A_53 : memref<!tpu.dma_semaphore, #tpu.memory_space<semaphore_mem>>) src(%arg8 : memref<80x128xf32, #tpu.memory_space<vmem>>) dst(%dma_wait3A_61 : memref<80x128xf32, #tpu.memory_space<vmem_shared>>)
      tpu.yield
    }) : () -> ()
    %add3A_20 = arith.constant 480 : i32
    %add3A_21 = arith.addi %mul3A_2, %add3A_20 : i32
    "tpu.region"() ({
      %run_scoped3A_53 = tpu.sem_alloc : memref<!tpu.dma_semaphore, #tpu.memory_space<semaphore_mem>>
      %dma_start3A_54 = arith.constant 0 : i32
      %dma_start3A_55 = tpu.memref_slice %arg10[%add3A_21, %dma_start3A_54] : memref<10240x128xf32, #tpu.memory_space<vmem_shared>> -> memref<80x128xf32, #tpu.memory_space<vmem_shared>>
      %dma_start3A_56 = arith.constant 0 : i32
      %dma_start3A_57 = tpu.memref_slice %arg10[%add3A_21, %dma_start3A_56] : memref<10240x128xf32, #tpu.memory_space<vmem_shared>> -> memref<80x128xf32, #tpu.memory_space<vmem_shared>>
      tpu.enqueue_dma source(%arg8 : memref<80x128xf32, #tpu.memory_space<vmem>>) target(%dma_start3A_57 : memref<80x128xf32, #tpu.memory_space<vmem_shared>>) target_semaphore(%run_scoped3A_53 : memref<!tpu.dma_semaphore, #tpu.memory_space<semaphore_mem>>)
      %dma_wait3A_58 = arith.constant 0 : i32
      %dma_wait3A_59 = tpu.memref_slice %arg10[%add3A_21, %dma_wait3A_58] : memref<10240x128xf32, #tpu.memory_space<vmem_shared>> -> memref<80x128xf32, #tpu.memory_space<vmem_shared>>
      %dma_wait3A_60 = arith.constant 0 : i32
      %dma_wait3A_61 = tpu.memref_slice %arg10[%add3A_21, %dma_wait3A_60] : memref<10240x128xf32, #tpu.memory_space<vmem_shared>> -> memref<80x128xf32, #tpu.memory_space<vmem_shared>>
      tpu.wait_dma2 semaphore(%run_scoped3A_53 : memref<!tpu.dma_semaphore, #tpu.memory_space<semaphore_mem>>) src(%arg8 : memref<80x128xf32, #tpu.memory_space<vmem>>) dst(%dma_wait3A_61 : memref<80x128xf32, #tpu.memory_space<vmem_shared>>)
      tpu.yield
    }) : () -> ()
    %add3A_22 = arith.constant 560 : i32
    %add3A_23 = arith.addi %mul3A_2, %add3A_22 : i32
    "tpu.region"() ({
      %run_scoped3A_53 = tpu.sem_alloc : memref<!tpu.dma_semaphore, #tpu.memory_space<semaphore_mem>>
      %dma_start3A_54 = arith.constant 0 : i32
      %dma_start3A_55 = tpu.memref_slice %arg10[%add3A_23, %dma_start3A_54] : memref<10240x128xf32, #tpu.memory_space<vmem_shared>> -> memref<80x128xf32, #tpu.memory_space<vmem_shared>>
      %dma_start3A_56 = arith.constant 0 : i32
      %dma_start3A_57 = tpu.memref_slice %arg10[%add3A_23, %dma_start3A_56] : memref<10240x128xf32, #tpu.memory_space<vmem_shared>> -> memref<80x128xf32, #tpu.memory_space<vmem_shared>>
      tpu.enqueue_dma source(%arg8 : memref<80x128xf32, #tpu.memory_space<vmem>>) target(%dma_start3A_57 : memref<80x128xf32, #tpu.memory_space<vmem_shared>>) target_semaphore(%run_scoped3A_53 : memref<!tpu.dma_semaphore, #tpu.memory_space<semaphore_mem>>)
      %dma_wait3A_58 = arith.constant 0 : i32
      %dma_wait3A_59 = tpu.memref_slice %arg10[%add3A_23, %dma_wait3A_58] : memref<10240x128xf32, #tpu.memory_space<vmem_shared>> -> memref<80x128xf32, #tpu.memory_space<vmem_shared>>
      %dma_wait3A_60 = arith.constant 0 : i32
      %dma_wait3A_61 = tpu.memref_slice %arg10[%add3A_23, %dma_wait3A_60] : memref<10240x128xf32, #tpu.memory_space<vmem_shared>> -> memref<80x128xf32, #tpu.memory_space<vmem_shared>>
      tpu.wait_dma2 semaphore(%run_scoped3A_53 : memref<!tpu.dma_semaphore, #tpu.memory_space<semaphore_mem>>) src(%arg8 : memref<80x128xf32, #tpu.memory_space<vmem>>) dst(%dma_wait3A_61 : memref<80x128xf32, #tpu.memory_space<vmem_shared>>)
      tpu.yield
    }) : () -> ()
    "tpu.region"() ({
      %run_scoped3A_53 = tpu.sem_alloc : memref<!tpu.dma_semaphore, #tpu.memory_space<semaphore_mem>>
      %dma_start3A_54 = arith.constant 0 : i32
      %dma_start3A_55 = arith.constant 0 : i32
      %dma_start3A_56 = tpu.memref_slice %arg3[%add3A, %dma_start3A_54, %dma_start3A_55] : memref<32x125x80xi32, #tpu.memory_space<hbm>> -> memref<1x125x80xi32, #tpu.memory_space<hbm>>
      %dma_start3A_57 = tpu.memref_squeeze %dma_start3A_56 : memref<1x125x80xi32, #tpu.memory_space<hbm>> -> memref<125x80xi32, #tpu.memory_space<hbm>>
      %dma_start3A_58 = arith.constant 0 : i32
      %dma_start3A_59 = arith.constant 0 : i32
      %dma_start3A_60 = tpu.memref_slice %arg3[%add3A, %dma_start3A_58, %dma_start3A_59] : memref<32x125x80xi32, #tpu.memory_space<hbm>> -> memref<1x125x80xi32, #tpu.memory_space<hbm>>
      %dma_start3A_61 = tpu.memref_squeeze %dma_start3A_60 : memref<1x125x80xi32, #tpu.memory_space<hbm>> -> memref<125x80xi32, #tpu.memory_space<hbm>>
      tpu.enqueue_dma source(%dma_start3A_61 : memref<125x80xi32, #tpu.memory_space<hbm>>) target(%arg6 : memref<125x80xi32, #tpu.memory_space<vmem>>) target_semaphore(%run_scoped3A_53 : memref<!tpu.dma_semaphore, #tpu.memory_space<semaphore_mem>>)
      %dma_wait3A_62 = arith.constant 0 : i32
      %dma_wait3A_63 = arith.constant 0 : i32
      %dma_wait3A_64 = tpu.memref_slice %arg3[%add3A, %dma_wait3A_62, %dma_wait3A_63] : memref<32x125x80xi32, #tpu.memory_space<hbm>> -> memref<1x125x80xi32, #tpu.memory_space<hbm>>
      %dma_wait3A_65 = tpu.memref_squeeze %dma_wait3A_64 : memref<1x125x80xi32, #tpu.memory_space<hbm>> -> memref<125x80xi32, #tpu.memory_space<hbm>>
      %dma_wait3A_66 = arith.constant 0 : i32
      %dma_wait3A_67 = arith.constant 0 : i32
      %dma_wait3A_68 = tpu.memref_slice %arg3[%add3A, %dma_wait3A_66, %dma_wait3A_67] : memref<32x125x80xi32, #tpu.memory_space<hbm>> -> memref<1x125x80xi32, #tpu.memory_space<hbm>>
      %dma_wait3A_69 = tpu.memref_squeeze %dma_wait3A_68 : memref<1x125x80xi32, #tpu.memory_space<hbm>> -> memref<125x80xi32, #tpu.memory_space<hbm>>
      tpu.wait_dma2 semaphore(%run_scoped3A_53 : memref<!tpu.dma_semaphore, #tpu.memory_space<semaphore_mem>>) src(%dma_wait3A_69 : memref<125x80xi32, #tpu.memory_space<hbm>>) dst(%arg6 : memref<125x80xi32, #tpu.memory_space<vmem>>)
      tpu.yield
    }) : () -> ()
    "tpu.region"() ({
      %run_scoped3A_53 = tpu.sem_alloc : memref<!tpu.dma_semaphore, #tpu.memory_space<semaphore_mem>>
      %dma_start3A_54 = arith.constant 0 : i32
      %dma_start3A_55 = arith.constant 0 : i32
      %dma_start3A_56 = tpu.memref_slice %arg4[%add3A, %dma_start3A_54, %dma_start3A_55] : memref<32x125x80xi32, #tpu.memory_space<hbm>> -> memref<1x125x80xi32, #tpu.memory_space<hbm>>
      %dma_start3A_57 = tpu.memref_squeeze %dma_start3A_56 : memref<1x125x80xi32, #tpu.memory_space<hbm>> -> memref<125x80xi32, #tpu.memory_space<hbm>>
      %dma_start3A_58 = arith.constant 0 : i32
      %dma_start3A_59 = arith.constant 0 : i32
      %dma_start3A_60 = tpu.memref_slice %arg4[%add3A, %dma_start3A_58, %dma_start3A_59] : memref<32x125x80xi32, #tpu.memory_space<hbm>> -> memref<1x125x80xi32, #tpu.memory_space<hbm>>
      %dma_start3A_61 = tpu.memref_squeeze %dma_start3A_60 : memref<1x125x80xi32, #tpu.memory_space<hbm>> -> memref<125x80xi32, #tpu.memory_space<hbm>>
      tpu.enqueue_dma source(%dma_start3A_61 : memref<125x80xi32, #tpu.memory_space<hbm>>) target(%arg7 : memref<125x80xi32, #tpu.memory_space<vmem>>) target_semaphore(%run_scoped3A_53 : memref<!tpu.dma_semaphore, #tpu.memory_space<semaphore_mem>>)
      %dma_wait3A_62 = arith.constant 0 : i32
      %dma_wait3A_63 = arith.constant 0 : i32
      %dma_wait3A_64 = tpu.memref_slice %arg4[%add3A, %dma_wait3A_62, %dma_wait3A_63] : memref<32x125x80xi32, #tpu.memory_space<hbm>> -> memref<1x125x80xi32, #tpu.memory_space<hbm>>
      %dma_wait3A_65 = tpu.memref_squeeze %dma_wait3A_64 : memref<1x125x80xi32, #tpu.memory_space<hbm>> -> memref<125x80xi32, #tpu.memory_space<hbm>>
      %dma_wait3A_66 = arith.constant 0 : i32
      %dma_wait3A_67 = arith.constant 0 : i32
      %dma_wait3A_68 = tpu.memref_slice %arg4[%add3A, %dma_wait3A_66, %dma_wait3A_67] : memref<32x125x80xi32, #tpu.memory_space<hbm>> -> memref<1x125x80xi32, #tpu.memory_space<hbm>>
      %dma_wait3A_69 = tpu.memref_squeeze %dma_wait3A_68 : memref<1x125x80xi32, #tpu.memory_space<hbm>> -> memref<125x80xi32, #tpu.memory_space<hbm>>
      tpu.wait_dma2 semaphore(%run_scoped3A_53 : memref<!tpu.dma_semaphore, #tpu.memory_space<semaphore_mem>>) src(%dma_wait3A_69 : memref<125x80xi32, #tpu.memory_space<hbm>>) dst(%arg7 : memref<125x80xi32, #tpu.memory_space<vmem>>)
      tpu.yield
    }) : () -> ()
    %barrier3A = arith.constant 0 : index
    tpu.barrier barrier_id(%barrier3A)
    %dma_start3A = arith.constant 0 : i32
    %dma_start3A_24 = arith.constant 0 : i32
    %dma_start3A_25 = tpu.memref_slice %arg6[%dma_start3A, %dma_start3A_24] : memref<125x80xi32, #tpu.memory_space<vmem>> -> memref<1x80xi32, #tpu.memory_space<vmem>>
    %dma_start3A_26 = tpu.memref_squeeze %dma_start3A_25 : memref<1x80xi32, #tpu.memory_space<vmem>> -> memref<80xi32, #tpu.memory_space<vmem>>
    %dma_start3A_27 = arith.constant 0 : i32
    %dma_start3A_28 = arith.constant 0 : i32
    %dma_start3A_29 = tpu.memref_slice %arg2[%dma_start3A_27, %dma_start3A_28] : memref<10000x128xf32, #tpu.memory_space<hbm>> -> memref<10000x128xf32, #tpu.memory_space<hbm>>
    tpu.enqueue_indirect_dma source(%dma_start3A_29 : memref<10000x128xf32, #tpu.memory_space<hbm>>) target(%arg8 : memref<80x128xf32, #tpu.memory_space<vmem>>) offsets(%dma_start3A_26 : memref<80xi32, #tpu.memory_space<vmem>>) semaphore(%arg11 : memref<!tpu.dma_semaphore, #tpu.memory_space<semaphore_mem>>)
    %scan3A_30 = arith.constant 0 : i32
    %scan3A_31 = arith.constant 0 : i32
    %scan3A_32 = arith.constant 62 : i32
    %scan3A_33 = arith.addi %scan3A_31, %scan3A_32 : i32
    %scan3A_34 = arith.constant 1 : i32
    scf.for %scan3A_53 = %scan3A_31 to %scan3A_33 step %scan3A_34  : i32 {
      %mul3A_54 = arith.constant 2 : i32
      %mul3A_55 = arith.muli %mul3A_54, %scan3A_53 : i32
      %add3A_56 = arith.constant 1 : i32
      %add3A_57 = arith.addi %mul3A_55, %add3A_56 : i32
      %dma_start3A_58 = arith.constant 0 : i32
      %dma_start3A_59 = tpu.memref_slice %arg6[%add3A_57, %dma_start3A_58] : memref<125x80xi32, #tpu.memory_space<vmem>> -> memref<1x80xi32, #tpu.memory_space<vmem>>
      %dma_start3A_60 = tpu.memref_squeeze %dma_start3A_59 : memref<1x80xi32, #tpu.memory_space<vmem>> -> memref<80xi32, #tpu.memory_space<vmem>>
      %dma_start3A_61 = arith.constant 0 : i32
      %dma_start3A_62 = arith.constant 0 : i32
      %dma_start3A_63 = tpu.memref_slice %arg2[%dma_start3A_61, %dma_start3A_62] : memref<10000x128xf32, #tpu.memory_space<hbm>> -> memref<10000x128xf32, #tpu.memory_space<hbm>>
      tpu.enqueue_indirect_dma source(%dma_start3A_63 : memref<10000x128xf32, #tpu.memory_space<hbm>>) target(%arg9 : memref<80x128xf32, #tpu.memory_space<vmem>>) offsets(%dma_start3A_60 : memref<80xi32, #tpu.memory_space<vmem>>) semaphore(%arg12 : memref<!tpu.dma_semaphore, #tpu.memory_space<semaphore_mem>>)
      %dma_wait3A_64 = arith.constant 0 : i32
      %dma_wait3A_65 = tpu.memref_slice %arg6[%mul3A_55, %dma_wait3A_64] : memref<125x80xi32, #tpu.memory_space<vmem>> -> memref<1x80xi32, #tpu.memory_space<vmem>>
      %dma_wait3A_66 = tpu.memref_squeeze %dma_wait3A_65 : memref<1x80xi32, #tpu.memory_space<vmem>> -> memref<80xi32, #tpu.memory_space<vmem>>
      %dma_wait3A_67 = arith.constant 0 : i32
      %dma_wait3A_68 = arith.constant 0 : i32
      %dma_wait3A_69 = tpu.memref_slice %arg2[%dma_wait3A_67, %dma_wait3A_68] : memref<10000x128xf32, #tpu.memory_space<hbm>> -> memref<10000x128xf32, #tpu.memory_space<hbm>>
      tpu.wait_indirect_dma semaphore(%arg11 : memref<!tpu.dma_semaphore, #tpu.memory_space<semaphore_mem>>) src(%dma_wait3A_69 : memref<10000x128xf32, #tpu.memory_space<hbm>>) dst(%arg8 : memref<80x128xf32, #tpu.memory_space<vmem>>)
      "tpu.region"() ({
        %run_scoped3A_84 = tpu.sem_alloc : memref<!tpu.dma_semaphore, #tpu.memory_space<semaphore_mem>>
        %dma_start3A_85 = arith.constant 0 : i32
        %dma_start3A_86 = tpu.memref_slice %arg7[%mul3A_55, %dma_start3A_85] : memref<125x80xi32, #tpu.memory_space<vmem>> -> memref<1x80xi32, #tpu.memory_space<vmem>>
        %dma_start3A_87 = tpu.memref_squeeze %dma_start3A_86 : memref<1x80xi32, #tpu.memory_space<vmem>> -> memref<80xi32, #tpu.memory_space<vmem>>
        %dma_start3A_88 = arith.constant 0 : i32
        %dma_start3A_89 = arith.constant 0 : i32
        %dma_start3A_90 = tpu.memref_slice %arg10[%dma_start3A_88, %dma_start3A_89] : memref<10240x128xf32, #tpu.memory_space<vmem_shared>> -> memref<10240x128xf32, #tpu.memory_space<vmem_shared>>
        tpu.enqueue_indirect_dma source(%arg8 : memref<80x128xf32, #tpu.memory_space<vmem>>) target(%dma_start3A_90 : memref<10240x128xf32, #tpu.memory_space<vmem_shared>>) offsets(%dma_start3A_87 : memref<80xi32, #tpu.memory_space<vmem>>) semaphore(%run_scoped3A_84 : memref<!tpu.dma_semaphore, #tpu.memory_space<semaphore_mem>>) {add = true}
        %dma_wait3A_91 = arith.constant 0 : i32
        %dma_wait3A_92 = tpu.memref_slice %arg7[%mul3A_55, %dma_wait3A_91] : memref<125x80xi32, #tpu.memory_space<vmem>> -> memref<1x80xi32, #tpu.memory_space<vmem>>
        %dma_wait3A_93 = tpu.memref_squeeze %dma_wait3A_92 : memref<1x80xi32, #tpu.memory_space<vmem>> -> memref<80xi32, #tpu.memory_space<vmem>>
        %dma_wait3A_94 = arith.constant 0 : i32
        %dma_wait3A_95 = arith.constant 0 : i32
        %dma_wait3A_96 = tpu.memref_slice %arg10[%dma_wait3A_94, %dma_wait3A_95] : memref<10240x128xf32, #tpu.memory_space<vmem_shared>> -> memref<10240x128xf32, #tpu.memory_space<vmem_shared>>
        tpu.wait_indirect_dma semaphore(%run_scoped3A_84 : memref<!tpu.dma_semaphore, #tpu.memory_space<semaphore_mem>>) src(%arg8 : memref<80x128xf32, #tpu.memory_space<vmem>>) dst(%dma_wait3A_96 : memref<10240x128xf32, #tpu.memory_space<vmem_shared>>)
        tpu.yield
      }) : () -> ()
      %add3A_70 = arith.constant 1 : i32
      %add3A_71 = arith.addi %add3A_57, %add3A_70 : i32
      %dma_start3A_72 = arith.constant 0 : i32
      %dma_start3A_73 = tpu.memref_slice %arg6[%add3A_71, %dma_start3A_72] : memref<125x80xi32, #tpu.memory_space<vmem>> -> memref<1x80xi32, #tpu.memory_space<vmem>>
      %dma_start3A_74 = tpu.memref_squeeze %dma_start3A_73 : memref<1x80xi32, #tpu.memory_space<vmem>> -> memref<80xi32, #tpu.memory_space<vmem>>
      %dma_start3A_75 = arith.constant 0 : i32
      %dma_start3A_76 = arith.constant 0 : i32
      %dma_start3A_77 = tpu.memref_slice %arg2[%dma_start3A_75, %dma_start3A_76] : memref<10000x128xf32, #tpu.memory_space<hbm>> -> memref<10000x128xf32, #tpu.memory_space<hbm>>
      tpu.enqueue_indirect_dma source(%dma_start3A_77 : memref<10000x128xf32, #tpu.memory_space<hbm>>) target(%arg8 : memref<80x128xf32, #tpu.memory_space<vmem>>) offsets(%dma_start3A_74 : memref<80xi32, #tpu.memory_space<vmem>>) semaphore(%arg11 : memref<!tpu.dma_semaphore, #tpu.memory_space<semaphore_mem>>)
      %dma_wait3A_78 = arith.constant 0 : i32
      %dma_wait3A_79 = tpu.memref_slice %arg6[%add3A_57, %dma_wait3A_78] : memref<125x80xi32, #tpu.memory_space<vmem>> -> memref<1x80xi32, #tpu.memory_space<vmem>>
      %dma_wait3A_80 = tpu.memref_squeeze %dma_wait3A_79 : memref<1x80xi32, #tpu.memory_space<vmem>> -> memref<80xi32, #tpu.memory_space<vmem>>
      %dma_wait3A_81 = arith.constant 0 : i32
      %dma_wait3A_82 = arith.constant 0 : i32
      %dma_wait3A_83 = tpu.memref_slice %arg2[%dma_wait3A_81, %dma_wait3A_82] : memref<10000x128xf32, #tpu.memory_space<hbm>> -> memref<10000x128xf32, #tpu.memory_space<hbm>>
      tpu.wait_indirect_dma semaphore(%arg12 : memref<!tpu.dma_semaphore, #tpu.memory_space<semaphore_mem>>) src(%dma_wait3A_83 : memref<10000x128xf32, #tpu.memory_space<hbm>>) dst(%arg9 : memref<80x128xf32, #tpu.memory_space<vmem>>)
      "tpu.region"() ({
        %run_scoped3A_84 = tpu.sem_alloc : memref<!tpu.dma_semaphore, #tpu.memory_space<semaphore_mem>>
        %dma_start3A_85 = arith.constant 0 : i32
        %dma_start3A_86 = tpu.memref_slice %arg7[%add3A_57, %dma_start3A_85] : memref<125x80xi32, #tpu.memory_space<vmem>> -> memref<1x80xi32, #tpu.memory_space<vmem>>
        %dma_start3A_87 = tpu.memref_squeeze %dma_start3A_86 : memref<1x80xi32, #tpu.memory_space<vmem>> -> memref<80xi32, #tpu.memory_space<vmem>>
        %dma_start3A_88 = arith.constant 0 : i32
        %dma_start3A_89 = arith.constant 0 : i32
        %dma_start3A_90 = tpu.memref_slice %arg10[%dma_start3A_88, %dma_start3A_89] : memref<10240x128xf32, #tpu.memory_space<vmem_shared>> -> memref<10240x128xf32, #tpu.memory_space<vmem_shared>>
        tpu.enqueue_indirect_dma source(%arg9 : memref<80x128xf32, #tpu.memory_space<vmem>>) target(%dma_start3A_90 : memref<10240x128xf32, #tpu.memory_space<vmem_shared>>) offsets(%dma_start3A_87 : memref<80xi32, #tpu.memory_space<vmem>>) semaphore(%run_scoped3A_84 : memref<!tpu.dma_semaphore, #tpu.memory_space<semaphore_mem>>) {add = true}
        %dma_wait3A_91 = arith.constant 0 : i32
        %dma_wait3A_92 = tpu.memref_slice %arg7[%add3A_57, %dma_wait3A_91] : memref<125x80xi32, #tpu.memory_space<vmem>> -> memref<1x80xi32, #tpu.memory_space<vmem>>
        %dma_wait3A_93 = tpu.memref_squeeze %dma_wait3A_92 : memref<1x80xi32, #tpu.memory_space<vmem>> -> memref<80xi32, #tpu.memory_space<vmem>>
        %dma_wait3A_94 = arith.constant 0 : i32
        %dma_wait3A_95 = arith.constant 0 : i32
        %dma_wait3A_96 = tpu.memref_slice %arg10[%dma_wait3A_94, %dma_wait3A_95] : memref<10240x128xf32, #tpu.memory_space<vmem_shared>> -> memref<10240x128xf32, #tpu.memory_space<vmem_shared>>
        tpu.wait_indirect_dma semaphore(%run_scoped3A_84 : memref<!tpu.dma_semaphore, #tpu.memory_space<semaphore_mem>>) src(%arg9 : memref<80x128xf32, #tpu.memory_space<vmem>>) dst(%dma_wait3A_96 : memref<10240x128xf32, #tpu.memory_space<vmem_shared>>)
        tpu.yield
      }) : () -> ()
    }
    %scan3A_35 = arith.constant 62 : i32
    %dma_wait3A = arith.constant 124 : i32
    %dma_wait3A_36 = arith.constant 0 : i32
    %dma_wait3A_37 = tpu.memref_slice %arg6[%dma_wait3A, %dma_wait3A_36] : memref<125x80xi32, #tpu.memory_space<vmem>> -> memref<1x80xi32, #tpu.memory_space<vmem>>
    %dma_wait3A_38 = tpu.memref_squeeze %dma_wait3A_37 : memref<1x80xi32, #tpu.memory_space<vmem>> -> memref<80xi32, #tpu.memory_space<vmem>>
    %dma_wait3A_39 = arith.constant 0 : i32
    %dma_wait3A_40 = arith.constant 0 : i32
    %dma_wait3A_41 = tpu.memref_slice %arg2[%dma_wait3A_39, %dma_wait3A_40] : memref<10000x128xf32, #tpu.memory_space<hbm>> -> memref<10000x128xf32, #tpu.memory_space<hbm>>
    tpu.wait_indirect_dma semaphore(%arg11 : memref<!tpu.dma_semaphore, #tpu.memory_space<semaphore_mem>>) src(%dma_wait3A_41 : memref<10000x128xf32, #tpu.memory_space<hbm>>) dst(%arg8 : memref<80x128xf32, #tpu.memory_space<vmem>>)
    %run_scoped3A = arith.constant 124 : i32
    "tpu.region"() ({
      %run_scoped3A_53 = tpu.sem_alloc : memref<!tpu.dma_semaphore, #tpu.memory_space<semaphore_mem>>
      %dma_start3A_54 = arith.constant 0 : i32
      %dma_start3A_55 = tpu.memref_slice %arg7[%run_scoped3A, %dma_start3A_54] : memref<125x80xi32, #tpu.memory_space<vmem>> -> memref<1x80xi32, #tpu.memory_space<vmem>>
      %dma_start3A_56 = tpu.memref_squeeze %dma_start3A_55 : memref<1x80xi32, #tpu.memory_space<vmem>> -> memref<80xi32, #tpu.memory_space<vmem>>
      %dma_start3A_57 = arith.constant 0 : i32
      %dma_start3A_58 = arith.constant 0 : i32
      %dma_start3A_59 = tpu.memref_slice %arg10[%dma_start3A_57, %dma_start3A_58] : memref<10240x128xf32, #tpu.memory_space<vmem_shared>> -> memref<10240x128xf32, #tpu.memory_space<vmem_shared>>
      tpu.enqueue_indirect_dma source(%arg8 : memref<80x128xf32, #tpu.memory_space<vmem>>) target(%dma_start3A_59 : memref<10240x128xf32, #tpu.memory_space<vmem_shared>>) offsets(%dma_start3A_56 : memref<80xi32, #tpu.memory_space<vmem>>) semaphore(%run_scoped3A_53 : memref<!tpu.dma_semaphore, #tpu.memory_space<semaphore_mem>>) {add = true}
      %dma_wait3A_60 = arith.constant 0 : i32
      %dma_wait3A_61 = tpu.memref_slice %arg7[%run_scoped3A, %dma_wait3A_60] : memref<125x80xi32, #tpu.memory_space<vmem>> -> memref<1x80xi32, #tpu.memory_space<vmem>>
      %dma_wait3A_62 = tpu.memref_squeeze %dma_wait3A_61 : memref<1x80xi32, #tpu.memory_space<vmem>> -> memref<80xi32, #tpu.memory_space<vmem>>
      %dma_wait3A_63 = arith.constant 0 : i32
      %dma_wait3A_64 = arith.constant 0 : i32
      %dma_wait3A_65 = tpu.memref_slice %arg10[%dma_wait3A_63, %dma_wait3A_64] : memref<10240x128xf32, #tpu.memory_space<vmem_shared>> -> memref<10240x128xf32, #tpu.memory_space<vmem_shared>>
      tpu.wait_indirect_dma semaphore(%run_scoped3A_53 : memref<!tpu.dma_semaphore, #tpu.memory_space<semaphore_mem>>) src(%arg8 : memref<80x128xf32, #tpu.memory_space<vmem>>) dst(%dma_wait3A_65 : memref<10240x128xf32, #tpu.memory_space<vmem_shared>>)
      tpu.yield
    }) : () -> ()
    %barrier3A_42 = arith.constant 0 : index
    tpu.barrier barrier_id(%barrier3A_42)
    %add3A_43 = arith.constant 0 : i32
    %add3A_44 = arith.addi %mul3A_2, %add3A_43 : i32
    "tpu.region"() ({
      %run_scoped3A_53 = tpu.sem_alloc : memref<!tpu.dma_semaphore, #tpu.memory_space<semaphore_mem>>
      %dma_start3A_54 = arith.constant 0 : i32
      %dma_start3A_55 = arith.constant 0 : i32
      %dma_start3A_56 = tpu.memref_slice %arg5[%arg0, %dma_start3A_54, %dma_start3A_55] : memref<2x10240x128xf32, #tpu.memory_space<hbm>> -> memref<1x10240x128xf32, #tpu.memory_space<hbm>>
      %dma_start3A_57 = tpu.memref_squeeze %dma_start3A_56 : memref<1x10240x128xf32, #tpu.memory_space<hbm>> -> memref<10240x128xf32, #tpu.memory_space<hbm>>
      %dma_start3A_58 = arith.constant 0 : i32
      %dma_start3A_59 = tpu.memref_slice %dma_start3A_57[%add3A_44, %dma_start3A_58] : memref<10240x128xf32, #tpu.memory_space<hbm>> -> memref<128x128xf32, #tpu.memory_space<hbm>>
      %dma_start3A_60 = arith.constant 0 : i32
      %dma_start3A_61 = tpu.memref_slice %arg10[%add3A_44, %dma_start3A_60] : memref<10240x128xf32, #tpu.memory_space<vmem_shared>> -> memref<128x128xf32, #tpu.memory_space<vmem_shared>>
      tpu.enqueue_dma source(%dma_start3A_61 : memref<128x128xf32, #tpu.memory_space<vmem_shared>>) target(%dma_start3A_59 : memref<128x128xf32, #tpu.memory_space<hbm>>) target_semaphore(%run_scoped3A_53 : memref<!tpu.dma_semaphore, #tpu.memory_space<semaphore_mem>>)
      %dma_wait3A_62 = arith.constant 0 : i32
      %dma_wait3A_63 = arith.constant 0 : i32
      %dma_wait3A_64 = tpu.memref_slice %arg5[%arg0, %dma_wait3A_62, %dma_wait3A_63] : memref<2x10240x128xf32, #tpu.memory_space<hbm>> -> memref<1x10240x128xf32, #tpu.memory_space<hbm>>
      %dma_wait3A_65 = tpu.memref_squeeze %dma_wait3A_64 : memref<1x10240x128xf32, #tpu.memory_space<hbm>> -> memref<10240x128xf32, #tpu.memory_space<hbm>>
      %dma_wait3A_66 = arith.constant 0 : i32
      %dma_wait3A_67 = tpu.memref_slice %dma_wait3A_65[%add3A_44, %dma_wait3A_66] : memref<10240x128xf32, #tpu.memory_space<hbm>> -> memref<128x128xf32, #tpu.memory_space<hbm>>
      %dma_wait3A_68 = arith.constant 0 : i32
      %dma_wait3A_69 = tpu.memref_slice %arg10[%add3A_44, %dma_wait3A_68] : memref<10240x128xf32, #tpu.memory_space<vmem_shared>> -> memref<128x128xf32, #tpu.memory_space<vmem_shared>>
      tpu.wait_dma2 semaphore(%run_scoped3A_53 : memref<!tpu.dma_semaphore, #tpu.memory_space<semaphore_mem>>) src(%dma_wait3A_69 : memref<128x128xf32, #tpu.memory_space<vmem_shared>>) dst(%dma_wait3A_67 : memref<128x128xf32, #tpu.memory_space<hbm>>)
      tpu.yield
    }) : () -> ()
    %add3A_45 = arith.constant 128 : i32
    %add3A_46 = arith.addi %mul3A_2, %add3A_45 : i32
    "tpu.region"() ({
      %run_scoped3A_53 = tpu.sem_alloc : memref<!tpu.dma_semaphore, #tpu.memory_space<semaphore_mem>>
      %dma_start3A_54 = arith.constant 0 : i32
      %dma_start3A_55 = arith.constant 0 : i32
      %dma_start3A_56 = tpu.memref_slice %arg5[%arg0, %dma_start3A_54, %dma_start3A_55] : memref<2x10240x128xf32, #tpu.memory_space<hbm>> -> memref<1x10240x128xf32, #tpu.memory_space<hbm>>
      %dma_start3A_57 = tpu.memref_squeeze %dma_start3A_56 : memref<1x10240x128xf32, #tpu.memory_space<hbm>> -> memref<10240x128xf32, #tpu.memory_space<hbm>>
      %dma_start3A_58 = arith.constant 0 : i32
      %dma_start3A_59 = tpu.memref_slice %dma_start3A_57[%add3A_46, %dma_start3A_58] : memref<10240x128xf32, #tpu.memory_space<hbm>> -> memref<128x128xf32, #tpu.memory_space<hbm>>
      %dma_start3A_60 = arith.constant 0 : i32
      %dma_start3A_61 = tpu.memref_slice %arg10[%add3A_46, %dma_start3A_60] : memref<10240x128xf32, #tpu.memory_space<vmem_shared>> -> memref<128x128xf32, #tpu.memory_space<vmem_shared>>
      tpu.enqueue_dma source(%dma_start3A_61 : memref<128x128xf32, #tpu.memory_space<vmem_shared>>) target(%dma_start3A_59 : memref<128x128xf32, #tpu.memory_space<hbm>>) target_semaphore(%run_scoped3A_53 : memref<!tpu.dma_semaphore, #tpu.memory_space<semaphore_mem>>)
      %dma_wait3A_62 = arith.constant 0 : i32
      %dma_wait3A_63 = arith.constant 0 : i32
      %dma_wait3A_64 = tpu.memref_slice %arg5[%arg0, %dma_wait3A_62, %dma_wait3A_63] : memref<2x10240x128xf32, #tpu.memory_space<hbm>> -> memref<1x10240x128xf32, #tpu.memory_space<hbm>>
      %dma_wait3A_65 = tpu.memref_squeeze %dma_wait3A_64 : memref<1x10240x128xf32, #tpu.memory_space<hbm>> -> memref<10240x128xf32, #tpu.memory_space<hbm>>
      %dma_wait3A_66 = arith.constant 0 : i32
      %dma_wait3A_67 = tpu.memref_slice %dma_wait3A_65[%add3A_46, %dma_wait3A_66] : memref<10240x128xf32, #tpu.memory_space<hbm>> -> memref<128x128xf32, #tpu.memory_space<hbm>>
      %dma_wait3A_68 = arith.constant 0 : i32
      %dma_wait3A_69 = tpu.memref_slice %arg10[%add3A_46, %dma_wait3A_68] : memref<10240x128xf32, #tpu.memory_space<vmem_shared>> -> memref<128x128xf32, #tpu.memory_space<vmem_shared>>
      tpu.wait_dma2 semaphore(%run_scoped3A_53 : memref<!tpu.dma_semaphore, #tpu.memory_space<semaphore_mem>>) src(%dma_wait3A_69 : memref<128x128xf32, #tpu.memory_space<vmem_shared>>) dst(%dma_wait3A_67 : memref<128x128xf32, #tpu.memory_space<hbm>>)
      tpu.yield
    }) : () -> ()
    %add3A_47 = arith.constant 256 : i32
    %add3A_48 = arith.addi %mul3A_2, %add3A_47 : i32
    "tpu.region"() ({
      %run_scoped3A_53 = tpu.sem_alloc : memref<!tpu.dma_semaphore, #tpu.memory_space<semaphore_mem>>
      %dma_start3A_54 = arith.constant 0 : i32
      %dma_start3A_55 = arith.constant 0 : i32
      %dma_start3A_56 = tpu.memref_slice %arg5[%arg0, %dma_start3A_54, %dma_start3A_55] : memref<2x10240x128xf32, #tpu.memory_space<hbm>> -> memref<1x10240x128xf32, #tpu.memory_space<hbm>>
      %dma_start3A_57 = tpu.memref_squeeze %dma_start3A_56 : memref<1x10240x128xf32, #tpu.memory_space<hbm>> -> memref<10240x128xf32, #tpu.memory_space<hbm>>
      %dma_start3A_58 = arith.constant 0 : i32
      %dma_start3A_59 = tpu.memref_slice %dma_start3A_57[%add3A_48, %dma_start3A_58] : memref<10240x128xf32, #tpu.memory_space<hbm>> -> memref<128x128xf32, #tpu.memory_space<hbm>>
      %dma_start3A_60 = arith.constant 0 : i32
      %dma_start3A_61 = tpu.memref_slice %arg10[%add3A_48, %dma_start3A_60] : memref<10240x128xf32, #tpu.memory_space<vmem_shared>> -> memref<128x128xf32, #tpu.memory_space<vmem_shared>>
      tpu.enqueue_dma source(%dma_start3A_61 : memref<128x128xf32, #tpu.memory_space<vmem_shared>>) target(%dma_start3A_59 : memref<128x128xf32, #tpu.memory_space<hbm>>) target_semaphore(%run_scoped3A_53 : memref<!tpu.dma_semaphore, #tpu.memory_space<semaphore_mem>>)
      %dma_wait3A_62 = arith.constant 0 : i32
      %dma_wait3A_63 = arith.constant 0 : i32
      %dma_wait3A_64 = tpu.memref_slice %arg5[%arg0, %dma_wait3A_62, %dma_wait3A_63] : memref<2x10240x128xf32, #tpu.memory_space<hbm>> -> memref<1x10240x128xf32, #tpu.memory_space<hbm>>
      %dma_wait3A_65 = tpu.memref_squeeze %dma_wait3A_64 : memref<1x10240x128xf32, #tpu.memory_space<hbm>> -> memref<10240x128xf32, #tpu.memory_space<hbm>>
      %dma_wait3A_66 = arith.constant 0 : i32
      %dma_wait3A_67 = tpu.memref_slice %dma_wait3A_65[%add3A_48, %dma_wait3A_66] : memref<10240x128xf32, #tpu.memory_space<hbm>> -> memref<128x128xf32, #tpu.memory_space<hbm>>
      %dma_wait3A_68 = arith.constant 0 : i32
      %dma_wait3A_69 = tpu.memref_slice %arg10[%add3A_48, %dma_wait3A_68] : memref<10240x128xf32, #tpu.memory_space<vmem_shared>> -> memref<128x128xf32, #tpu.memory_space<vmem_shared>>
      tpu.wait_dma2 semaphore(%run_scoped3A_53 : memref<!tpu.dma_semaphore, #tpu.memory_space<semaphore_mem>>) src(%dma_wait3A_69 : memref<128x128xf32, #tpu.memory_space<vmem_shared>>) dst(%dma_wait3A_67 : memref<128x128xf32, #tpu.memory_space<hbm>>)
      tpu.yield
    }) : () -> ()
    %add3A_49 = arith.constant 384 : i32
    %add3A_50 = arith.addi %mul3A_2, %add3A_49 : i32
    "tpu.region"() ({
      %run_scoped3A_53 = tpu.sem_alloc : memref<!tpu.dma_semaphore, #tpu.memory_space<semaphore_mem>>
      %dma_start3A_54 = arith.constant 0 : i32
      %dma_start3A_55 = arith.constant 0 : i32
      %dma_start3A_56 = tpu.memref_slice %arg5[%arg0, %dma_start3A_54, %dma_start3A_55] : memref<2x10240x128xf32, #tpu.memory_space<hbm>> -> memref<1x10240x128xf32, #tpu.memory_space<hbm>>
      %dma_start3A_57 = tpu.memref_squeeze %dma_start3A_56 : memref<1x10240x128xf32, #tpu.memory_space<hbm>> -> memref<10240x128xf32, #tpu.memory_space<hbm>>
      %dma_start3A_58 = arith.constant 0 : i32
      %dma_start3A_59 = tpu.memref_slice %dma_start3A_57[%add3A_50, %dma_start3A_58] : memref<10240x128xf32, #tpu.memory_space<hbm>> -> memref<128x128xf32, #tpu.memory_space<hbm>>
      %dma_start3A_60 = arith.constant 0 : i32
      %dma_start3A_61 = tpu.memref_slice %arg10[%add3A_50, %dma_start3A_60] : memref<10240x128xf32, #tpu.memory_space<vmem_shared>> -> memref<128x128xf32, #tpu.memory_space<vmem_shared>>
      tpu.enqueue_dma source(%dma_start3A_61 : memref<128x128xf32, #tpu.memory_space<vmem_shared>>) target(%dma_start3A_59 : memref<128x128xf32, #tpu.memory_space<hbm>>) target_semaphore(%run_scoped3A_53 : memref<!tpu.dma_semaphore, #tpu.memory_space<semaphore_mem>>)
      %dma_wait3A_62 = arith.constant 0 : i32
      %dma_wait3A_63 = arith.constant 0 : i32
      %dma_wait3A_64 = tpu.memref_slice %arg5[%arg0, %dma_wait3A_62, %dma_wait3A_63] : memref<2x10240x128xf32, #tpu.memory_space<hbm>> -> memref<1x10240x128xf32, #tpu.memory_space<hbm>>
      %dma_wait3A_65 = tpu.memref_squeeze %dma_wait3A_64 : memref<1x10240x128xf32, #tpu.memory_space<hbm>> -> memref<10240x128xf32, #tpu.memory_space<hbm>>
      %dma_wait3A_66 = arith.constant 0 : i32
      %dma_wait3A_67 = tpu.memref_slice %dma_wait3A_65[%add3A_50, %dma_wait3A_66] : memref<10240x128xf32, #tpu.memory_space<hbm>> -> memref<128x128xf32, #tpu.memory_space<hbm>>
      %dma_wait3A_68 = arith.constant 0 : i32
      %dma_wait3A_69 = tpu.memref_slice %arg10[%add3A_50, %dma_wait3A_68] : memref<10240x128xf32, #tpu.memory_space<vmem_shared>> -> memref<128x128xf32, #tpu.memory_space<vmem_shared>>
      tpu.wait_dma2 semaphore(%run_scoped3A_53 : memref<!tpu.dma_semaphore, #tpu.memory_space<semaphore_mem>>) src(%dma_wait3A_69 : memref<128x128xf32, #tpu.memory_space<vmem_shared>>) dst(%dma_wait3A_67 : memref<128x128xf32, #tpu.memory_space<hbm>>)
      tpu.yield
    }) : () -> ()
    %add3A_51 = arith.constant 512 : i32
    %add3A_52 = arith.addi %mul3A_2, %add3A_51 : i32
    "tpu.region"() ({
      %run_scoped3A_53 = tpu.sem_alloc : memref<!tpu.dma_semaphore, #tpu.memory_space<semaphore_mem>>
      %dma_start3A_54 = arith.constant 0 : i32
      %dma_start3A_55 = arith.constant 0 : i32
      %dma_start3A_56 = tpu.memref_slice %arg5[%arg0, %dma_start3A_54, %dma_start3A_55] : memref<2x10240x128xf32, #tpu.memory_space<hbm>> -> memref<1x10240x128xf32, #tpu.memory_space<hbm>>
      %dma_start3A_57 = tpu.memref_squeeze %dma_start3A_56 : memref<1x10240x128xf32, #tpu.memory_space<hbm>> -> memref<10240x128xf32, #tpu.memory_space<hbm>>
      %dma_start3A_58 = arith.constant 0 : i32
      %dma_start3A_59 = tpu.memref_slice %dma_start3A_57[%add3A_52, %dma_start3A_58] : memref<10240x128xf32, #tpu.memory_space<hbm>> -> memref<128x128xf32, #tpu.memory_space<hbm>>
      %dma_start3A_60 = arith.constant 0 : i32
      %dma_start3A_61 = tpu.memref_slice %arg10[%add3A_52, %dma_start3A_60] : memref<10240x128xf32, #tpu.memory_space<vmem_shared>> -> memref<128x128xf32, #tpu.memory_space<vmem_shared>>
      tpu.enqueue_dma source(%dma_start3A_61 : memref<128x128xf32, #tpu.memory_space<vmem_shared>>) target(%dma_start3A_59 : memref<128x128xf32, #tpu.memory_space<hbm>>) target_semaphore(%run_scoped3A_53 : memref<!tpu.dma_semaphore, #tpu.memory_space<semaphore_mem>>)
      %dma_wait3A_62 = arith.constant 0 : i32
      %dma_wait3A_63 = arith.constant 0 : i32
      %dma_wait3A_64 = tpu.memref_slice %arg5[%arg0, %dma_wait3A_62, %dma_wait3A_63] : memref<2x10240x128xf32, #tpu.memory_space<hbm>> -> memref<1x10240x128xf32, #tpu.memory_space<hbm>>
      %dma_wait3A_65 = tpu.memref_squeeze %dma_wait3A_64 : memref<1x10240x128xf32, #tpu.memory_space<hbm>> -> memref<10240x128xf32, #tpu.memory_space<hbm>>
      %dma_wait3A_66 = arith.constant 0 : i32
      %dma_wait3A_67 = tpu.memref_slice %dma_wait3A_65[%add3A_52, %dma_wait3A_66] : memref<10240x128xf32, #tpu.memory_space<hbm>> -> memref<128x128xf32, #tpu.memory_space<hbm>>
      %dma_wait3A_68 = arith.constant 0 : i32
      %dma_wait3A_69 = tpu.memref_slice %arg10[%add3A_52, %dma_wait3A_68] : memref<10240x128xf32, #tpu.memory_space<vmem_shared>> -> memref<128x128xf32, #tpu.memory_space<vmem_shared>>
      tpu.wait_dma2 semaphore(%run_scoped3A_53 : memref<!tpu.dma_semaphore, #tpu.memory_space<semaphore_mem>>) src(%dma_wait3A_69 : memref<128x128xf32, #tpu.memory_space<vmem_shared>>) dst(%dma_wait3A_67 : memref<128x128xf32, #tpu.memory_space<hbm>>)
      tpu.yield
    }) : () -> ()
    return
  }
}

#map = affine_map<(d0, d1) -> (0, 0)>
#map1 = affine_map<(d0, d1) -> (0, 0, 0)>
module attributes {stable_mosaic.version = 14 : i64} {
  func.func @body(%arg0: i32, %arg1: i32, %arg2: memref<10000x128xf32, #tpu.memory_space<hbm>>, %arg3: memref<32x125x80xi32, #tpu.memory_space<hbm>>, %arg4: memref<32x125x80xi32, #tpu.memory_space<hbm>>, %arg5: memref<2x10240x128xf32, #tpu.memory_space<hbm>>, %arg6: memref<125x80xi32, #tpu.memory_space<vmem>>, %arg7: memref<125x80xi32, #tpu.memory_space<vmem>>, %arg8: memref<80x128xf32, #tpu.memory_space<vmem>>, %arg9: memref<80x128xf32, #tpu.memory_space<vmem>>, %arg10: memref<10240x128xf32, #tpu.memory_space<vmem_shared>>, %arg11: memref<!tpu.dma_semaphore, #tpu.memory_space<semaphore_mem>>, %arg12: memref<!tpu.dma_semaphore, #tpu.memory_space<semaphore_mem>>) attributes {dimension_semantics = [#tpu.dimension_semantics<core_parallel>, #tpu.dimension_semantics<subcore_parallel>], iteration_bounds = array<i64: 2, 16>, scalar_prefetch = 0 : i64, scratch_operands = 7 : i64, tpu.core_type = #tpu.core_type<sc_vector_subcore>, window_params = [{transform_indices = #map}, {transform_indices = #map1}, {transform_indices = #map1}, {transform_indices = #map1}]} {
    %mul3A = arith.constant 16 : i32
    %mul3A_0 = arith.muli %arg0, %mul3A : i32
    %add3A = arith.addi %mul3A_0, %arg1 : i32
    %mul3A_1 = arith.constant 640 : i32
    %mul3A_2 = arith.muli %arg1, %mul3A_1 : i32
    %scan3A = arith.constant 0 : i32
    %scan3A_3 = arith.constant 0 : i32
    %scan3A_4 = arith.constant 80 : i32
    %scan3A_5 = arith.addi %scan3A_3, %scan3A_4 : i32
    %scan3A_6 = arith.constant 1 : i32
    scf.for %scan3A_53 = %scan3A_3 to %scan3A_5 step %scan3A_6  : i32 {
      %broadcast_in_dim3A = arith.constant 0.000000e+00 : f32
      %broadcast_in_dim3A_54 = vector.broadcast %broadcast_in_dim3A : f32 to vector<16xf32>
      %swap3A = arith.index_cast %scan3A_53 : i32 to index
      %swap3A_55 = arith.constant 0 : index
      %swap3A_56 = tpu.vector_load %arg8[%swap3A, %swap3A_55] {strides = array<i32>} : memref<80x128xf32, #tpu.memory_space<vmem>>, vector<1x16xf32>,
      %swap3A_57 = vector.shape_cast %swap3A_56 : vector<1x16xf32> to vector<16xf32>
      %swap3A_58 = vector.shape_cast %broadcast_in_dim3A_54 : vector<16xf32> to vector<1x16xf32>
      tpu.vector_store %arg8[%swap3A, %swap3A_55], %swap3A_58 {strides = array<i32>} : memref<80x128xf32, #tpu.memory_space<vmem>>, vector<1x16xf32>,
      %broadcast_in_dim3A_59 = arith.constant 0.000000e+00 : f32
      %broadcast_in_dim3A_60 = vector.broadcast %broadcast_in_dim3A_59 : f32 to vector<16xf32>
      %swap3A_61 = arith.index_cast %scan3A_53 : i32 to index
      %swap3A_62 = arith.constant 16 : index
      %swap3A_63 = tpu.vector_load %arg8[%swap3A_61, %swap3A_62] {strides = array<i32>} : memref<80x128xf32, #tpu.memory_space<vmem>>, vector<1x16xf32>,
      %swap3A_64 = vector.shape_cast %swap3A_63 : vector<1x16xf32> to vector<16xf32>
      %swap3A_65 = vector.shape_cast %broadcast_in_dim3A_60 : vector<16xf32> to vector<1x16xf32>
      tpu.vector_store %arg8[%swap3A_61, %swap3A_62], %swap3A_65 {strides = array<i32>} : memref<80x128xf32, #tpu.memory_space<vmem>>, vector<1x16xf32>,
      %broadcast_in_dim3A_66 = arith.constant 0.000000e+00 : f32
      %broadcast_in_dim3A_67 = vector.broadcast %broadcast_in_dim3A_66 : f32 to vector<16xf32>
      %swap3A_68 = arith.index_cast %scan3A_53 : i32 to index
      %swap3A_69 = arith.constant 32 : index
      %swap3A_70 = tpu.vector_load %arg8[%swap3A_68, %swap3A_69] {strides = array<i32>} : memref<80x128xf32, #tpu.memory_space<vmem>>, vector<1x16xf32>,
      %swap3A_71 = vector.shape_cast %swap3A_70 : vector<1x16xf32> to vector<16xf32>
      %swap3A_72 = vector.shape_cast %broadcast_in_dim3A_67 : vector<16xf32> to vector<1x16xf32>
      tpu.vector_store %arg8[%swap3A_68, %swap3A_69], %swap3A_72 {strides = array<i32>} : memref<80x128xf32, #tpu.memory_space<vmem>>, vector<1x16xf32>,
      %broadcast_in_dim3A_73 = arith.constant 0.000000e+00 : f32
      %broadcast_in_dim3A_74 = vector.broadcast %broadcast_in_dim3A_73 : f32 to vector<16xf32>
      %swap3A_75 = arith.index_cast %scan3A_53 : i32 to index
      %swap3A_76 = arith.constant 48 : index
      %swap3A_77 = tpu.vector_load %arg8[%swap3A_75, %swap3A_76] {strides = array<i32>} : memref<80x128xf32, #tpu.memory_space<vmem>>, vector<1x16xf32>,
      %swap3A_78 = vector.shape_cast %swap3A_77 : vector<1x16xf32> to vector<16xf32>
      %swap3A_79 = vector.shape_cast %broadcast_in_dim3A_74 : vector<16xf32> to vector<1x16xf32>
      tpu.vector_store %arg8[%swap3A_75, %swap3A_76], %swap3A_79 {strides = array<i32>} : memref<80x128xf32, #tpu.memory_space<vmem>>, vector<1x16xf32>,
      %broadcast_in_dim3A_80 = arith.constant 0.000000e+00 : f32
      %broadcast_in_dim3A_81 = vector.broadcast %broadcast_in_dim3A_80 : f32 to vector<16xf32>
      %swap3A_82 = arith.index_cast %scan3A_53 : i32 to index
      %swap3A_83 = arith.constant 64 : index
      %swap3A_84 = tpu.vector_load %arg8[%swap3A_82, %swap3A_83] {strides = array<i32>} : memref<80x128xf32, #tpu.memory_space<vmem>>, vector<1x16xf32>,
      %swap3A_85 = vector.shape_cast %swap3A_84 : vector<1x16xf32> to vector<16xf32>
      %swap3A_86 = vector.shape_cast %broadcast_in_dim3A_81 : vector<16xf32> to vector<1x16xf32>
      tpu.vector_store %arg8[%swap3A_82, %swap3A_83], %swap3A_86 {strides = array<i32>} : memref<80x128xf32, #tpu.memory_space<vmem>>, vector<1x16xf32>,
      %broadcast_in_dim3A_87 = arith.constant 0.000000e+00 : f32
      %broadcast_in_dim3A_88 = vector.broadcast %broadcast_in_dim3A_87 : f32 to vector<16xf32>
      %swap3A_89 = arith.index_cast %scan3A_53 : i32 to index
      %swap3A_90 = arith.constant 80 : index
      %swap3A_91 = tpu.vector_load %arg8[%swap3A_89, %swap3A_90] {strides = array<i32>} : memref<80x128xf32, #tpu.memory_space<vmem>>, vector<1x16xf32>,
      %swap3A_92 = vector.shape_cast %swap3A_91 : vector<1x16xf32> to vector<16xf32>
      %swap3A_93 = vector.shape_cast %broadcast_in_dim3A_88 : vector<16xf32> to vector<1x16xf32>
      tpu.vector_store %arg8[%swap3A_89, %swap3A_90], %swap3A_93 {strides = array<i32>} : memref<80x128xf32, #tpu.memory_space<vmem>>, vector<1x16xf32>,
      %broadcast_in_dim3A_94 = arith.constant 0.000000e+00 : f32
      %broadcast_in_dim3A_95 = vector.broadcast %broadcast_in_dim3A_94 : f32 to vector<16xf32>
      %swap3A_96 = arith.index_cast %scan3A_53 : i32 to index
      %swap3A_97 = arith.constant 96 : index
      %swap3A_98 = tpu.vector_load %arg8[%swap3A_96, %swap3A_97] {strides = array<i32>} : memref<80x128xf32, #tpu.memory_space<vmem>>, vector<1x16xf32>,
      %swap3A_99 = vector.shape_cast %swap3A_98 : vector<1x16xf32> to vector<16xf32>
      %swap3A_100 = vector.shape_cast %broadcast_in_dim3A_95 : vector<16xf32> to vector<1x16xf32>
      tpu.vector_store %arg8[%swap3A_96, %swap3A_97], %swap3A_100 {strides = array<i32>} : memref<80x128xf32, #tpu.memory_space<vmem>>, vector<1x16xf32>,
      %broadcast_in_dim3A_101 = arith.constant 0.000000e+00 : f32
      %broadcast_in_dim3A_102 = vector.broadcast %broadcast_in_dim3A_101 : f32 to vector<16xf32>
      %swap3A_103 = arith.index_cast %scan3A_53 : i32 to index
      %swap3A_104 = arith.constant 112 : index
      %swap3A_105 = tpu.vector_load %arg8[%swap3A_103, %swap3A_104] {strides = array<i32>} : memref<80x128xf32, #tpu.memory_space<vmem>>, vector<1x16xf32>,
      %swap3A_106 = vector.shape_cast %swap3A_105 : vector<1x16xf32> to vector<16xf32>
      %swap3A_107 = vector.shape_cast %broadcast_in_dim3A_102 : vector<16xf32> to vector<1x16xf32>
      tpu.vector_store %arg8[%swap3A_103, %swap3A_104], %swap3A_107 {strides = array<i32>} : memref<80x128xf32, #tpu.memory_space<vmem>>, vector<1x16xf32>,
    }
    %scan3A_7 = arith.constant 80 : i32
    %add3A_8 = arith.constant 0 : i32
    %add3A_9 = arith.addi %mul3A_2, %add3A_8 : i32
    "tpu.region"() ({
      %run_scoped3A_53 = tpu.sem_alloc : memref<!tpu.dma_semaphore, #tpu.memory_space<semaphore_mem>>
      %dma_start3A_54 = arith.constant 0 : i32
      %dma_start3A_55 = tpu.memref_slice %arg10[%add3A_9, %dma_start3A_54] : memref<10240x128xf32, #tpu.memory_space<vmem_shared>> -> memref<80x128xf32, #tpu.memory_space<vmem_shared>>
      %dma_start3A_56 = arith.constant 0 : i32
      %dma_start3A_57 = tpu.memref_slice %arg10[%add3A_9, %dma_start3A_56] : memref<10240x128xf32, #tpu.memory_space<vmem_shared>> -> memref<80x128xf32, #tpu.memory_space<vmem_shared>>
      tpu.enqueue_dma source(%arg8 : memref<80x128xf32, #tpu.memory_space<vmem>>) target(%dma_start3A_57 : memref<80x128xf32, #tpu.memory_space<vmem_shared>>) target_semaphore(%run_scoped3A_53 : memref<!tpu.dma_semaphore, #tpu.memory_space<semaphore_mem>>)
      %dma_wait3A_58 = arith.constant 0 : i32
      %dma_wait3A_59 = tpu.memref_slice %arg10[%add3A_9, %dma_wait3A_58] : memref<10240x128xf32, #tpu.memory_space<vmem_shared>> -> memref<80x128xf32, #tpu.memory_space<vmem_shared>>
      %dma_wait3A_60 = arith.constant 0 : i32
      %dma_wait3A_61 = tpu.memref_slice %arg10[%add3A_9, %dma_wait3A_60] : memref<10240x128xf32, #tpu.memory_space<vmem_shared>> -> memref<80x128xf32, #tpu.memory_space<vmem_shared>>
      tpu.wait_dma2 semaphore(%run_scoped3A_53 : memref<!tpu.dma_semaphore, #tpu.memory_space<semaphore_mem>>) src(%arg8 : memref<80x128xf32, #tpu.memory_space<vmem>>) dst(%dma_wait3A_61 : memref<80x128xf32, #tpu.memory_space<vmem_shared>>)
      tpu.yield
    }) : () -> ()
    %add3A_10 = arith.constant 80 : i32
    %add3A_11 = arith.addi %mul3A_2, %add3A_10 : i32
    "tpu.region"() ({
      %run_scoped3A_53 = tpu.sem_alloc : memref<!tpu.dma_semaphore, #tpu.memory_space<semaphore_mem>>
      %dma_start3A_54 = arith.constant 0 : i32
      %dma_start3A_55 = tpu.memref_slice %arg10[%add3A_11, %dma_start3A_54] : memref<10240x128xf32, #tpu.memory_space<vmem_shared>> -> memref<80x128xf32, #tpu.memory_space<vmem_shared>>
      %dma_start3A_56 = arith.constant 0 : i32
      %dma_start3A_57 = tpu.memref_slice %arg10[%add3A_11, %dma_start3A_56] : memref<10240x128xf32, #tpu.memory_space<vmem_shared>> -> memref<80x128xf32, #tpu.memory_space<vmem_shared>>
      tpu.enqueue_dma source(%arg8 : memref<80x128xf32, #tpu.memory_space<vmem>>) target(%dma_start3A_57 : memref<80x128xf32, #tpu.memory_space<vmem_shared>>) target_semaphore(%run_scoped3A_53 : memref<!tpu.dma_semaphore, #tpu.memory_space<semaphore_mem>>)
      %dma_wait3A_58 = arith.constant 0 : i32
      %dma_wait3A_59 = tpu.memref_slice %arg10[%add3A_11, %dma_wait3A_58] : memref<10240x128xf32, #tpu.memory_space<vmem_shared>> -> memref<80x128xf32, #tpu.memory_space<vmem_shared>>
      %dma_wait3A_60 = arith.constant 0 : i32
      %dma_wait3A_61 = tpu.memref_slice %arg10[%add3A_11, %dma_wait3A_60] : memref<10240x128xf32, #tpu.memory_space<vmem_shared>> -> memref<80x128xf32, #tpu.memory_space<vmem_shared>>
      tpu.wait_dma2 semaphore(%run_scoped3A_53 : memref<!tpu.dma_semaphore, #tpu.memory_space<semaphore_mem>>) src(%arg8 : memref<80x128xf32, #tpu.memory_space<vmem>>) dst(%dma_wait3A_61 : memref<80x128xf32, #tpu.memory_space<vmem_shared>>)
      tpu.yield
    }) : () -> ()
    %add3A_12 = arith.constant 160 : i32
    %add3A_13 = arith.addi %mul3A_2, %add3A_12 : i32
    "tpu.region"() ({
      %run_scoped3A_53 = tpu.sem_alloc : memref<!tpu.dma_semaphore, #tpu.memory_space<semaphore_mem>>
      %dma_start3A_54 = arith.constant 0 : i32
      %dma_start3A_55 = tpu.memref_slice %arg10[%add3A_13, %dma_start3A_54] : memref<10240x128xf32, #tpu.memory_space<vmem_shared>> -> memref<80x128xf32, #tpu.memory_space<vmem_shared>>
      %dma_start3A_56 = arith.constant 0 : i32
      %dma_start3A_57 = tpu.memref_slice %arg10[%add3A_13, %dma_start3A_56] : memref<10240x128xf32, #tpu.memory_space<vmem_shared>> -> memref<80x128xf32, #tpu.memory_space<vmem_shared>>
      tpu.enqueue_dma source(%arg8 : memref<80x128xf32, #tpu.memory_space<vmem>>) target(%dma_start3A_57 : memref<80x128xf32, #tpu.memory_space<vmem_shared>>) target_semaphore(%run_scoped3A_53 : memref<!tpu.dma_semaphore, #tpu.memory_space<semaphore_mem>>)
      %dma_wait3A_58 = arith.constant 0 : i32
      %dma_wait3A_59 = tpu.memref_slice %arg10[%add3A_13, %dma_wait3A_58] : memref<10240x128xf32, #tpu.memory_space<vmem_shared>> -> memref<80x128xf32, #tpu.memory_space<vmem_shared>>
      %dma_wait3A_60 = arith.constant 0 : i32
      %dma_wait3A_61 = tpu.memref_slice %arg10[%add3A_13, %dma_wait3A_60] : memref<10240x128xf32, #tpu.memory_space<vmem_shared>> -> memref<80x128xf32, #tpu.memory_space<vmem_shared>>
      tpu.wait_dma2 semaphore(%run_scoped3A_53 : memref<!tpu.dma_semaphore, #tpu.memory_space<semaphore_mem>>) src(%arg8 : memref<80x128xf32, #tpu.memory_space<vmem>>) dst(%dma_wait3A_61 : memref<80x128xf32, #tpu.memory_space<vmem_shared>>)
      tpu.yield
    }) : () -> ()
    %add3A_14 = arith.constant 240 : i32
    %add3A_15 = arith.addi %mul3A_2, %add3A_14 : i32
    "tpu.region"() ({
      %run_scoped3A_53 = tpu.sem_alloc : memref<!tpu.dma_semaphore, #tpu.memory_space<semaphore_mem>>
      %dma_start3A_54 = arith.constant 0 : i32
      %dma_start3A_55 = tpu.memref_slice %arg10[%add3A_15, %dma_start3A_54] : memref<10240x128xf32, #tpu.memory_space<vmem_shared>> -> memref<80x128xf32, #tpu.memory_space<vmem_shared>>
      %dma_start3A_56 = arith.constant 0 : i32
      %dma_start3A_57 = tpu.memref_slice %arg10[%add3A_15, %dma_start3A_56] : memref<10240x128xf32, #tpu.memory_space<vmem_shared>> -> memref<80x128xf32, #tpu.memory_space<vmem_shared>>
      tpu.enqueue_dma source(%arg8 : memref<80x128xf32, #tpu.memory_space<vmem>>) target(%dma_start3A_57 : memref<80x128xf32, #tpu.memory_space<vmem_shared>>) target_semaphore(%run_scoped3A_53 : memref<!tpu.dma_semaphore, #tpu.memory_space<semaphore_mem>>)
      %dma_wait3A_58 = arith.constant 0 : i32
      %dma_wait3A_59 = tpu.memref_slice %arg10[%add3A_15, %dma_wait3A_58] : memref<10240x128xf32, #tpu.memory_space<vmem_shared>> -> memref<80x128xf32, #tpu.memory_space<vmem_shared>>
      %dma_wait3A_60 = arith.constant 0 : i32
      %dma_wait3A_61 = tpu.memref_slice %arg10[%add3A_15, %dma_wait3A_60] : memref<10240x128xf32, #tpu.memory_space<vmem_shared>> -> memref<80x128xf32, #tpu.memory_space<vmem_shared>>
      tpu.wait_dma2 semaphore(%run_scoped3A_53 : memref<!tpu.dma_semaphore, #tpu.memory_space<semaphore_mem>>) src(%arg8 : memref<80x128xf32, #tpu.memory_space<vmem>>) dst(%dma_wait3A_61 : memref<80x128xf32, #tpu.memory_space<vmem_shared>>)
      tpu.yield
    }) : () -> ()
    %add3A_16 = arith.constant 320 : i32
    %add3A_17 = arith.addi %mul3A_2, %add3A_16 : i32
    "tpu.region"() ({
      %run_scoped3A_53 = tpu.sem_alloc : memref<!tpu.dma_semaphore, #tpu.memory_space<semaphore_mem>>
      %dma_start3A_54 = arith.constant 0 : i32
      %dma_start3A_55 = tpu.memref_slice %arg10[%add3A_17, %dma_start3A_54] : memref<10240x128xf32, #tpu.memory_space<vmem_shared>> -> memref<80x128xf32, #tpu.memory_space<vmem_shared>>
      %dma_start3A_56 = arith.constant 0 : i32
      %dma_start3A_57 = tpu.memref_slice %arg10[%add3A_17, %dma_start3A_56] : memref<10240x128xf32, #tpu.memory_space<vmem_shared>> -> memref<80x128xf32, #tpu.memory_space<vmem_shared>>
      tpu.enqueue_dma source(%arg8 : memref<80x128xf32, #tpu.memory_space<vmem>>) target(%dma_start3A_57 : memref<80x128xf32, #tpu.memory_space<vmem_shared>>) target_semaphore(%run_scoped3A_53 : memref<!tpu.dma_semaphore, #tpu.memory_space<semaphore_mem>>)
      %dma_wait3A_58 = arith.constant 0 : i32
      %dma_wait3A_59 = tpu.memref_slice %arg10[%add3A_17, %dma_wait3A_58] : memref<10240x128xf32, #tpu.memory_space<vmem_shared>> -> memref<80x128xf32, #tpu.memory_space<vmem_shared>>
      %dma_wait3A_60 = arith.constant 0 : i32
      %dma_wait3A_61 = tpu.memref_slice %arg10[%add3A_17, %dma_wait3A_60] : memref<10240x128xf32, #tpu.memory_space<vmem_shared>> -> memref<80x128xf32, #tpu.memory_space<vmem_shared>>
      tpu.wait_dma2 semaphore(%run_scoped3A_53 : memref<!tpu.dma_semaphore, #tpu.memory_space<semaphore_mem>>) src(%arg8 : memref<80x128xf32, #tpu.memory_space<vmem>>) dst(%dma_wait3A_61 : memref<80x128xf32, #tpu.memory_space<vmem_shared>>)
      tpu.yield
    }) : () -> ()
    %add3A_18 = arith.constant 400 : i32
    %add3A_19 = arith.addi %mul3A_2, %add3A_18 : i32
    "tpu.region"() ({
      %run_scoped3A_53 = tpu.sem_alloc : memref<!tpu.dma_semaphore, #tpu.memory_space<semaphore_mem>>
      %dma_start3A_54 = arith.constant 0 : i32
      %dma_start3A_55 = tpu.memref_slice %arg10[%add3A_19, %dma_start3A_54] : memref<10240x128xf32, #tpu.memory_space<vmem_shared>> -> memref<80x128xf32, #tpu.memory_space<vmem_shared>>
      %dma_start3A_56 = arith.constant 0 : i32
      %dma_start3A_57 = tpu.memref_slice %arg10[%add3A_19, %dma_start3A_56] : memref<10240x128xf32, #tpu.memory_space<vmem_shared>> -> memref<80x128xf32, #tpu.memory_space<vmem_shared>>
      tpu.enqueue_dma source(%arg8 : memref<80x128xf32, #tpu.memory_space<vmem>>) target(%dma_start3A_57 : memref<80x128xf32, #tpu.memory_space<vmem_shared>>) target_semaphore(%run_scoped3A_53 : memref<!tpu.dma_semaphore, #tpu.memory_space<semaphore_mem>>)
      %dma_wait3A_58 = arith.constant 0 : i32
      %dma_wait3A_59 = tpu.memref_slice %arg10[%add3A_19, %dma_wait3A_58] : memref<10240x128xf32, #tpu.memory_space<vmem_shared>> -> memref<80x128xf32, #tpu.memory_space<vmem_shared>>
      %dma_wait3A_60 = arith.constant 0 : i32
      %dma_wait3A_61 = tpu.memref_slice %arg10[%add3A_19, %dma_wait3A_60] : memref<10240x128xf32, #tpu.memory_space<vmem_shared>> -> memref<80x128xf32, #tpu.memory_space<vmem_shared>>
      tpu.wait_dma2 semaphore(%run_scoped3A_53 : memref<!tpu.dma_semaphore, #tpu.memory_space<semaphore_mem>>) src(%arg8 : memref<80x128xf32, #tpu.memory_space<vmem>>) dst(%dma_wait3A_61 : memref<80x128xf32, #tpu.memory_space<vmem_shared>>)
      tpu.yield
    }) : () -> ()
    %add3A_20 = arith.constant 480 : i32
    %add3A_21 = arith.addi %mul3A_2, %add3A_20 : i32
    "tpu.region"() ({
      %run_scoped3A_53 = tpu.sem_alloc : memref<!tpu.dma_semaphore, #tpu.memory_space<semaphore_mem>>
      %dma_start3A_54 = arith.constant 0 : i32
      %dma_start3A_55 = tpu.memref_slice %arg10[%add3A_21, %dma_start3A_54] : memref<10240x128xf32, #tpu.memory_space<vmem_shared>> -> memref<80x128xf32, #tpu.memory_space<vmem_shared>>
      %dma_start3A_56 = arith.constant 0 : i32
      %dma_start3A_57 = tpu.memref_slice %arg10[%add3A_21, %dma_start3A_56] : memref<10240x128xf32, #tpu.memory_space<vmem_shared>> -> memref<80x128xf32, #tpu.memory_space<vmem_shared>>
      tpu.enqueue_dma source(%arg8 : memref<80x128xf32, #tpu.memory_space<vmem>>) target(%dma_start3A_57 : memref<80x128xf32, #tpu.memory_space<vmem_shared>>) target_semaphore(%run_scoped3A_53 : memref<!tpu.dma_semaphore, #tpu.memory_space<semaphore_mem>>)
      %dma_wait3A_58 = arith.constant 0 : i32
      %dma_wait3A_59 = tpu.memref_slice %arg10[%add3A_21, %dma_wait3A_58] : memref<10240x128xf32, #tpu.memory_space<vmem_shared>> -> memref<80x128xf32, #tpu.memory_space<vmem_shared>>
      %dma_wait3A_60 = arith.constant 0 : i32
      %dma_wait3A_61 = tpu.memref_slice %arg10[%add3A_21, %dma_wait3A_60] : memref<10240x128xf32, #tpu.memory_space<vmem_shared>> -> memref<80x128xf32, #tpu.memory_space<vmem_shared>>
      tpu.wait_dma2 semaphore(%run_scoped3A_53 : memref<!tpu.dma_semaphore, #tpu.memory_space<semaphore_mem>>) src(%arg8 : memref<80x128xf32, #tpu.memory_space<vmem>>) dst(%dma_wait3A_61 : memref<80x128xf32, #tpu.memory_space<vmem_shared>>)
      tpu.yield
    }) : () -> ()
    %add3A_22 = arith.constant 560 : i32
    %add3A_23 = arith.addi %mul3A_2, %add3A_22 : i32
    "tpu.region"() ({
      %run_scoped3A_53 = tpu.sem_alloc : memref<!tpu.dma_semaphore, #tpu.memory_space<semaphore_mem>>
      %dma_start3A_54 = arith.constant 0 : i32
      %dma_start3A_55 = tpu.memref_slice %arg10[%add3A_23, %dma_start3A_54] : memref<10240x128xf32, #tpu.memory_space<vmem_shared>> -> memref<80x128xf32, #tpu.memory_space<vmem_shared>>
      %dma_start3A_56 = arith.constant 0 : i32
      %dma_start3A_57 = tpu.memref_slice %arg10[%add3A_23, %dma_start3A_56] : memref<10240x128xf32, #tpu.memory_space<vmem_shared>> -> memref<80x128xf32, #tpu.memory_space<vmem_shared>>
      tpu.enqueue_dma source(%arg8 : memref<80x128xf32, #tpu.memory_space<vmem>>) target(%dma_start3A_57 : memref<80x128xf32, #tpu.memory_space<vmem_shared>>) target_semaphore(%run_scoped3A_53 : memref<!tpu.dma_semaphore, #tpu.memory_space<semaphore_mem>>)
      %dma_wait3A_58 = arith.constant 0 : i32
      %dma_wait3A_59 = tpu.memref_slice %arg10[%add3A_23, %dma_wait3A_58] : memref<10240x128xf32, #tpu.memory_space<vmem_shared>> -> memref<80x128xf32, #tpu.memory_space<vmem_shared>>
      %dma_wait3A_60 = arith.constant 0 : i32
      %dma_wait3A_61 = tpu.memref_slice %arg10[%add3A_23, %dma_wait3A_60] : memref<10240x128xf32, #tpu.memory_space<vmem_shared>> -> memref<80x128xf32, #tpu.memory_space<vmem_shared>>
      tpu.wait_dma2 semaphore(%run_scoped3A_53 : memref<!tpu.dma_semaphore, #tpu.memory_space<semaphore_mem>>) src(%arg8 : memref<80x128xf32, #tpu.memory_space<vmem>>) dst(%dma_wait3A_61 : memref<80x128xf32, #tpu.memory_space<vmem_shared>>)
      tpu.yield
    }) : () -> ()
    "tpu.region"() ({
      %run_scoped3A_53 = tpu.sem_alloc : memref<!tpu.dma_semaphore, #tpu.memory_space<semaphore_mem>>
      %dma_start3A_54 = arith.constant 0 : i32
      %dma_start3A_55 = arith.constant 0 : i32
      %dma_start3A_56 = tpu.memref_slice %arg3[%add3A, %dma_start3A_54, %dma_start3A_55] : memref<32x125x80xi32, #tpu.memory_space<hbm>> -> memref<1x125x80xi32, #tpu.memory_space<hbm>>
      %dma_start3A_57 = tpu.memref_squeeze %dma_start3A_56 : memref<1x125x80xi32, #tpu.memory_space<hbm>> -> memref<125x80xi32, #tpu.memory_space<hbm>>
      %dma_start3A_58 = arith.constant 0 : i32
      %dma_start3A_59 = arith.constant 0 : i32
      %dma_start3A_60 = tpu.memref_slice %arg3[%add3A, %dma_start3A_58, %dma_start3A_59] : memref<32x125x80xi32, #tpu.memory_space<hbm>> -> memref<1x125x80xi32, #tpu.memory_space<hbm>>
      %dma_start3A_61 = tpu.memref_squeeze %dma_start3A_60 : memref<1x125x80xi32, #tpu.memory_space<hbm>> -> memref<125x80xi32, #tpu.memory_space<hbm>>
      tpu.enqueue_dma source(%dma_start3A_61 : memref<125x80xi32, #tpu.memory_space<hbm>>) target(%arg6 : memref<125x80xi32, #tpu.memory_space<vmem>>) target_semaphore(%run_scoped3A_53 : memref<!tpu.dma_semaphore, #tpu.memory_space<semaphore_mem>>)
      %dma_wait3A_62 = arith.constant 0 : i32
      %dma_wait3A_63 = arith.constant 0 : i32
      %dma_wait3A_64 = tpu.memref_slice %arg3[%add3A, %dma_wait3A_62, %dma_wait3A_63] : memref<32x125x80xi32, #tpu.memory_space<hbm>> -> memref<1x125x80xi32, #tpu.memory_space<hbm>>
      %dma_wait3A_65 = tpu.memref_squeeze %dma_wait3A_64 : memref<1x125x80xi32, #tpu.memory_space<hbm>> -> memref<125x80xi32, #tpu.memory_space<hbm>>
      %dma_wait3A_66 = arith.constant 0 : i32
      %dma_wait3A_67 = arith.constant 0 : i32
      %dma_wait3A_68 = tpu.memref_slice %arg3[%add3A, %dma_wait3A_66, %dma_wait3A_67] : memref<32x125x80xi32, #tpu.memory_space<hbm>> -> memref<1x125x80xi32, #tpu.memory_space<hbm>>
      %dma_wait3A_69 = tpu.memref_squeeze %dma_wait3A_68 : memref<1x125x80xi32, #tpu.memory_space<hbm>> -> memref<125x80xi32, #tpu.memory_space<hbm>>
      tpu.wait_dma2 semaphore(%run_scoped3A_53 : memref<!tpu.dma_semaphore, #tpu.memory_space<semaphore_mem>>) src(%dma_wait3A_69 : memref<125x80xi32, #tpu.memory_space<hbm>>) dst(%arg6 : memref<125x80xi32, #tpu.memory_space<vmem>>)
      tpu.yield
    }) : () -> ()
    "tpu.region"() ({
      %run_scoped3A_53 = tpu.sem_alloc : memref<!tpu.dma_semaphore, #tpu.memory_space<semaphore_mem>>
      %dma_start3A_54 = arith.constant 0 : i32
      %dma_start3A_55 = arith.constant 0 : i32
      %dma_start3A_56 = tpu.memref_slice %arg4[%add3A, %dma_start3A_54, %dma_start3A_55] : memref<32x125x80xi32, #tpu.memory_space<hbm>> -> memref<1x125x80xi32, #tpu.memory_space<hbm>>
      %dma_start3A_57 = tpu.memref_squeeze %dma_start3A_56 : memref<1x125x80xi32, #tpu.memory_space<hbm>> -> memref<125x80xi32, #tpu.memory_space<hbm>>
      %dma_start3A_58 = arith.constant 0 : i32
      %dma_start3A_59 = arith.constant 0 : i32
      %dma_start3A_60 = tpu.memref_slice %arg4[%add3A, %dma_start3A_58, %dma_start3A_59] : memref<32x125x80xi32, #tpu.memory_space<hbm>> -> memref<1x125x80xi32, #tpu.memory_space<hbm>>
      %dma_start3A_61 = tpu.memref_squeeze %dma_start3A_60 : memref<1x125x80xi32, #tpu.memory_space<hbm>> -> memref<125x80xi32, #tpu.memory_space<hbm>>
      tpu.enqueue_dma source(%dma_start3A_61 : memref<125x80xi32, #tpu.memory_space<hbm>>) target(%arg7 : memref<125x80xi32, #tpu.memory_space<vmem>>) target_semaphore(%run_scoped3A_53 : memref<!tpu.dma_semaphore, #tpu.memory_space<semaphore_mem>>)
      %dma_wait3A_62 = arith.constant 0 : i32
      %dma_wait3A_63 = arith.constant 0 : i32
      %dma_wait3A_64 = tpu.memref_slice %arg4[%add3A, %dma_wait3A_62, %dma_wait3A_63] : memref<32x125x80xi32, #tpu.memory_space<hbm>> -> memref<1x125x80xi32, #tpu.memory_space<hbm>>
      %dma_wait3A_65 = tpu.memref_squeeze %dma_wait3A_64 : memref<1x125x80xi32, #tpu.memory_space<hbm>> -> memref<125x80xi32, #tpu.memory_space<hbm>>
      %dma_wait3A_66 = arith.constant 0 : i32
      %dma_wait3A_67 = arith.constant 0 : i32
      %dma_wait3A_68 = tpu.memref_slice %arg4[%add3A, %dma_wait3A_66, %dma_wait3A_67] : memref<32x125x80xi32, #tpu.memory_space<hbm>> -> memref<1x125x80xi32, #tpu.memory_space<hbm>>
      %dma_wait3A_69 = tpu.memref_squeeze %dma_wait3A_68 : memref<1x125x80xi32, #tpu.memory_space<hbm>> -> memref<125x80xi32, #tpu.memory_space<hbm>>
      tpu.wait_dma2 semaphore(%run_scoped3A_53 : memref<!tpu.dma_semaphore, #tpu.memory_space<semaphore_mem>>) src(%dma_wait3A_69 : memref<125x80xi32, #tpu.memory_space<hbm>>) dst(%arg7 : memref<125x80xi32, #tpu.memory_space<vmem>>)
      tpu.yield
    }) : () -> ()
    %barrier3A = arith.constant 0 : index
    tpu.barrier barrier_id(%barrier3A)
    %dma_start3A = arith.constant 0 : i32
    %dma_start3A_24 = arith.constant 0 : i32
    %dma_start3A_25 = tpu.memref_slice %arg6[%dma_start3A, %dma_start3A_24] : memref<125x80xi32, #tpu.memory_space<vmem>> -> memref<1x80xi32, #tpu.memory_space<vmem>>
    %dma_start3A_26 = tpu.memref_squeeze %dma_start3A_25 : memref<1x80xi32, #tpu.memory_space<vmem>> -> memref<80xi32, #tpu.memory_space<vmem>>
    %dma_start3A_27 = arith.constant 0 : i32
    %dma_start3A_28 = arith.constant 0 : i32
    %dma_start3A_29 = tpu.memref_slice %arg2[%dma_start3A_27, %dma_start3A_28] : memref<10000x128xf32, #tpu.memory_space<hbm>> -> memref<10000x128xf32, #tpu.memory_space<hbm>>
    tpu.enqueue_indirect_dma source(%dma_start3A_29 : memref<10000x128xf32, #tpu.memory_space<hbm>>) target(%arg8 : memref<80x128xf32, #tpu.memory_space<vmem>>) offsets(%dma_start3A_26 : memref<80xi32, #tpu.memory_space<vmem>>) semaphore(%arg11 : memref<!tpu.dma_semaphore, #tpu.memory_space<semaphore_mem>>)
    %scan3A_30 = arith.constant 0 : i32
    %scan3A_31 = arith.constant 0 : i32
    %scan3A_32 = arith.constant 62 : i32
    %scan3A_33 = arith.addi %scan3A_31, %scan3A_32 : i32
    %scan3A_34 = arith.constant 1 : i32
    scf.for %scan3A_53 = %scan3A_31 to %scan3A_33 step %scan3A_34  : i32 {
      %mul3A_54 = arith.constant 2 : i32
      %mul3A_55 = arith.muli %mul3A_54, %scan3A_53 : i32
      %add3A_56 = arith.constant 1 : i32
      %add3A_57 = arith.addi %mul3A_55, %add3A_56 : i32
      %dma_start3A_58 = arith.constant 0 : i32
      %dma_start3A_59 = tpu.memref_slice %arg6[%add3A_57, %dma_start3A_58] : memref<125x80xi32, #tpu.memory_space<vmem>> -> memref<1x80xi32, #tpu.memory_space<vmem>>
      %dma_start3A_60 = tpu.memref_squeeze %dma_start3A_59 : memref<1x80xi32, #tpu.memory_space<vmem>> -> memref<80xi32, #tpu.memory_space<vmem>>
      %dma_start3A_61 = arith.constant 0 : i32
      %dma_start3A_62 = arith.constant 0 : i32
      %dma_start3A_63 = tpu.memref_slice %arg2[%dma_start3A_61, %dma_start3A_62] : memref<10000x128xf32, #tpu.memory_space<hbm>> -> memref<10000x128xf32, #tpu.memory_space<hbm>>
      tpu.enqueue_indirect_dma source(%dma_start3A_63 : memref<10000x128xf32, #tpu.memory_space<hbm>>) target(%arg9 : memref<80x128xf32, #tpu.memory_space<vmem>>) offsets(%dma_start3A_60 : memref<80xi32, #tpu.memory_space<vmem>>) semaphore(%arg12 : memref<!tpu.dma_semaphore, #tpu.memory_space<semaphore_mem>>)
      %dma_wait3A_64 = arith.constant 0 : i32
      %dma_wait3A_65 = tpu.memref_slice %arg6[%mul3A_55, %dma_wait3A_64] : memref<125x80xi32, #tpu.memory_space<vmem>> -> memref<1x80xi32, #tpu.memory_space<vmem>>
      %dma_wait3A_66 = tpu.memref_squeeze %dma_wait3A_65 : memref<1x80xi32, #tpu.memory_space<vmem>> -> memref<80xi32, #tpu.memory_space<vmem>>
      %dma_wait3A_67 = arith.constant 0 : i32
      %dma_wait3A_68 = arith.constant 0 : i32
      %dma_wait3A_69 = tpu.memref_slice %arg2[%dma_wait3A_67, %dma_wait3A_68] : memref<10000x128xf32, #tpu.memory_space<hbm>> -> memref<10000x128xf32, #tpu.memory_space<hbm>>
      tpu.wait_indirect_dma semaphore(%arg11 : memref<!tpu.dma_semaphore, #tpu.memory_space<semaphore_mem>>) src(%dma_wait3A_69 : memref<10000x128xf32, #tpu.memory_space<hbm>>) dst(%arg8 : memref<80x128xf32, #tpu.memory_space<vmem>>)
      "tpu.region"() ({
        %run_scoped3A_84 = tpu.sem_alloc : memref<!tpu.dma_semaphore, #tpu.memory_space<semaphore_mem>>
        %dma_start3A_85 = arith.constant 0 : i32
        %dma_start3A_86 = tpu.memref_slice %arg7[%mul3A_55, %dma_start3A_85] : memref<125x80xi32, #tpu.memory_space<vmem>> -> memref<1x80xi32, #tpu.memory_space<vmem>>
        %dma_start3A_87 = tpu.memref_squeeze %dma_start3A_86 : memref<1x80xi32, #tpu.memory_space<vmem>> -> memref<80xi32, #tpu.memory_space<vmem>>
        %dma_start3A_88 = arith.constant 0 : i32
        %dma_start3A_89 = arith.constant 0 : i32
        %dma_start3A_90 = tpu.memref_slice %arg10[%dma_start3A_88, %dma_start3A_89] : memref<10240x128xf32, #tpu.memory_space<vmem_shared>> -> memref<10240x128xf32, #tpu.memory_space<vmem_shared>>
        tpu.enqueue_indirect_dma source(%arg8 : memref<80x128xf32, #tpu.memory_space<vmem>>) target(%dma_start3A_90 : memref<10240x128xf32, #tpu.memory_space<vmem_shared>>) offsets(%dma_start3A_87 : memref<80xi32, #tpu.memory_space<vmem>>) semaphore(%run_scoped3A_84 : memref<!tpu.dma_semaphore, #tpu.memory_space<semaphore_mem>>) {add = true}
        %dma_wait3A_91 = arith.constant 0 : i32
        %dma_wait3A_92 = tpu.memref_slice %arg7[%mul3A_55, %dma_wait3A_91] : memref<125x80xi32, #tpu.memory_space<vmem>> -> memref<1x80xi32, #tpu.memory_space<vmem>>
        %dma_wait3A_93 = tpu.memref_squeeze %dma_wait3A_92 : memref<1x80xi32, #tpu.memory_space<vmem>> -> memref<80xi32, #tpu.memory_space<vmem>>
        %dma_wait3A_94 = arith.constant 0 : i32
        %dma_wait3A_95 = arith.constant 0 : i32
        %dma_wait3A_96 = tpu.memref_slice %arg10[%dma_wait3A_94, %dma_wait3A_95] : memref<10240x128xf32, #tpu.memory_space<vmem_shared>> -> memref<10240x128xf32, #tpu.memory_space<vmem_shared>>
        tpu.wait_indirect_dma semaphore(%run_scoped3A_84 : memref<!tpu.dma_semaphore, #tpu.memory_space<semaphore_mem>>) src(%arg8 : memref<80x128xf32, #tpu.memory_space<vmem>>) dst(%dma_wait3A_96 : memref<10240x128xf32, #tpu.memory_space<vmem_shared>>)
        tpu.yield
      }) : () -> ()
      %add3A_70 = arith.constant 1 : i32
      %add3A_71 = arith.addi %add3A_57, %add3A_70 : i32
      %dma_start3A_72 = arith.constant 0 : i32
      %dma_start3A_73 = tpu.memref_slice %arg6[%add3A_71, %dma_start3A_72] : memref<125x80xi32, #tpu.memory_space<vmem>> -> memref<1x80xi32, #tpu.memory_space<vmem>>
      %dma_start3A_74 = tpu.memref_squeeze %dma_start3A_73 : memref<1x80xi32, #tpu.memory_space<vmem>> -> memref<80xi32, #tpu.memory_space<vmem>>
      %dma_start3A_75 = arith.constant 0 : i32
      %dma_start3A_76 = arith.constant 0 : i32
      %dma_start3A_77 = tpu.memref_slice %arg2[%dma_start3A_75, %dma_start3A_76] : memref<10000x128xf32, #tpu.memory_space<hbm>> -> memref<10000x128xf32, #tpu.memory_space<hbm>>
      tpu.enqueue_indirect_dma source(%dma_start3A_77 : memref<10000x128xf32, #tpu.memory_space<hbm>>) target(%arg8 : memref<80x128xf32, #tpu.memory_space<vmem>>) offsets(%dma_start3A_74 : memref<80xi32, #tpu.memory_space<vmem>>) semaphore(%arg11 : memref<!tpu.dma_semaphore, #tpu.memory_space<semaphore_mem>>)
      %dma_wait3A_78 = arith.constant 0 : i32
      %dma_wait3A_79 = tpu.memref_slice %arg6[%add3A_57, %dma_wait3A_78] : memref<125x80xi32, #tpu.memory_space<vmem>> -> memref<1x80xi32, #tpu.memory_space<vmem>>
      %dma_wait3A_80 = tpu.memref_squeeze %dma_wait3A_79 : memref<1x80xi32, #tpu.memory_space<vmem>> -> memref<80xi32, #tpu.memory_space<vmem>>
      %dma_wait3A_81 = arith.constant 0 : i32
      %dma_wait3A_82 = arith.constant 0 : i32
      %dma_wait3A_83 = tpu.memref_slice %arg2[%dma_wait3A_81, %dma_wait3A_82] : memref<10000x128xf32, #tpu.memory_space<hbm>> -> memref<10000x128xf32, #tpu.memory_space<hbm>>
      tpu.wait_indirect_dma semaphore(%arg12 : memref<!tpu.dma_semaphore, #tpu.memory_space<semaphore_mem>>) src(%dma_wait3A_83 : memref<10000x128xf32, #tpu.memory_space<hbm>>) dst(%arg9 : memref<80x128xf32, #tpu.memory_space<vmem>>)
      "tpu.region"() ({
        %run_scoped3A_84 = tpu.sem_alloc : memref<!tpu.dma_semaphore, #tpu.memory_space<semaphore_mem>>
        %dma_start3A_85 = arith.constant 0 : i32
        %dma_start3A_86 = tpu.memref_slice %arg7[%add3A_57, %dma_start3A_85] : memref<125x80xi32, #tpu.memory_space<vmem>> -> memref<1x80xi32, #tpu.memory_space<vmem>>
        %dma_start3A_87 = tpu.memref_squeeze %dma_start3A_86 : memref<1x80xi32, #tpu.memory_space<vmem>> -> memref<80xi32, #tpu.memory_space<vmem>>
        %dma_start3A_88 = arith.constant 0 : i32
        %dma_start3A_89 = arith.constant 0 : i32
        %dma_start3A_90 = tpu.memref_slice %arg10[%dma_start3A_88, %dma_start3A_89] : memref<10240x128xf32, #tpu.memory_space<vmem_shared>> -> memref<10240x128xf32, #tpu.memory_space<vmem_shared>>
        tpu.enqueue_indirect_dma source(%arg9 : memref<80x128xf32, #tpu.memory_space<vmem>>) target(%dma_start3A_90 : memref<10240x128xf32, #tpu.memory_space<vmem_shared>>) offsets(%dma_start3A_87 : memref<80xi32, #tpu.memory_space<vmem>>) semaphore(%run_scoped3A_84 : memref<!tpu.dma_semaphore, #tpu.memory_space<semaphore_mem>>) {add = true}
        %dma_wait3A_91 = arith.constant 0 : i32
        %dma_wait3A_92 = tpu.memref_slice %arg7[%add3A_57, %dma_wait3A_91] : memref<125x80xi32, #tpu.memory_space<vmem>> -> memref<1x80xi32, #tpu.memory_space<vmem>>
        %dma_wait3A_93 = tpu.memref_squeeze %dma_wait3A_92 : memref<1x80xi32, #tpu.memory_space<vmem>> -> memref<80xi32, #tpu.memory_space<vmem>>
        %dma_wait3A_94 = arith.constant 0 : i32
        %dma_wait3A_95 = arith.constant 0 : i32
        %dma_wait3A_96 = tpu.memref_slice %arg10[%dma_wait3A_94, %dma_wait3A_95] : memref<10240x128xf32, #tpu.memory_space<vmem_shared>> -> memref<10240x128xf32, #tpu.memory_space<vmem_shared>>
        tpu.wait_indirect_dma semaphore(%run_scoped3A_84 : memref<!tpu.dma_semaphore, #tpu.memory_space<semaphore_mem>>) src(%arg9 : memref<80x128xf32, #tpu.memory_space<vmem>>) dst(%dma_wait3A_96 : memref<10240x128xf32, #tpu.memory_space<vmem_shared>>)
        tpu.yield
      }) : () -> ()
    }
    %scan3A_35 = arith.constant 62 : i32
    %dma_wait3A = arith.constant 124 : i32
    %dma_wait3A_36 = arith.constant 0 : i32
    %dma_wait3A_37 = tpu.memref_slice %arg6[%dma_wait3A, %dma_wait3A_36] : memref<125x80xi32, #tpu.memory_space<vmem>> -> memref<1x80xi32, #tpu.memory_space<vmem>>
    %dma_wait3A_38 = tpu.memref_squeeze %dma_wait3A_37 : memref<1x80xi32, #tpu.memory_space<vmem>> -> memref<80xi32, #tpu.memory_space<vmem>>
    %dma_wait3A_39 = arith.constant 0 : i32
    %dma_wait3A_40 = arith.constant 0 : i32
    %dma_wait3A_41 = tpu.memref_slice %arg2[%dma_wait3A_39, %dma_wait3A_40] : memref<10000x128xf32, #tpu.memory_space<hbm>> -> memref<10000x128xf32, #tpu.memory_space<hbm>>
    tpu.wait_indirect_dma semaphore(%arg11 : memref<!tpu.dma_semaphore, #tpu.memory_space<semaphore_mem>>) src(%dma_wait3A_41 : memref<10000x128xf32, #tpu.memory_space<hbm>>) dst(%arg8 : memref<80x128xf32, #tpu.memory_space<vmem>>)
    %run_scoped3A = arith.constant 124 : i32
    "tpu.region"() ({
      %run_scoped3A_53 = tpu.sem_alloc : memref<!tpu.dma_semaphore, #tpu.memory_space<semaphore_mem>>
      %dma_start3A_54 = arith.constant 0 : i32
      %dma_start3A_55 = tpu.memref_slice %arg7[%run_scoped3A, %dma_start3A_54] : memref<125x80xi32, #tpu.memory_space<vmem>> -> memref<1x80xi32, #tpu.memory_space<vmem>>
      %dma_start3A_56 = tpu.memref_squeeze %dma_start3A_55 : memref<1x80xi32, #tpu.memory_space<vmem>> -> memref<80xi32, #tpu.memory_space<vmem>>
      %dma_start3A_57 = arith.constant 0 : i32
      %dma_start3A_58 = arith.constant 0 : i32
      %dma_start3A_59 = tpu.memref_slice %arg10[%dma_start3A_57, %dma_start3A_58] : memref<10240x128xf32, #tpu.memory_space<vmem_shared>> -> memref<10240x128xf32, #tpu.memory_space<vmem_shared>>
      tpu.enqueue_indirect_dma source(%arg8 : memref<80x128xf32, #tpu.memory_space<vmem>>) target(%dma_start3A_59 : memref<10240x128xf32, #tpu.memory_space<vmem_shared>>) offsets(%dma_start3A_56 : memref<80xi32, #tpu.memory_space<vmem>>) semaphore(%run_scoped3A_53 : memref<!tpu.dma_semaphore, #tpu.memory_space<semaphore_mem>>) {add = true}
      %dma_wait3A_60 = arith.constant 0 : i32
      %dma_wait3A_61 = tpu.memref_slice %arg7[%run_scoped3A, %dma_wait3A_60] : memref<125x80xi32, #tpu.memory_space<vmem>> -> memref<1x80xi32, #tpu.memory_space<vmem>>
      %dma_wait3A_62 = tpu.memref_squeeze %dma_wait3A_61 : memref<1x80xi32, #tpu.memory_space<vmem>> -> memref<80xi32, #tpu.memory_space<vmem>>
      %dma_wait3A_63 = arith.constant 0 : i32
      %dma_wait3A_64 = arith.constant 0 : i32
      %dma_wait3A_65 = tpu.memref_slice %arg10[%dma_wait3A_63, %dma_wait3A_64] : memref<10240x128xf32, #tpu.memory_space<vmem_shared>> -> memref<10240x128xf32, #tpu.memory_space<vmem_shared>>
      tpu.wait_indirect_dma semaphore(%run_scoped3A_53 : memref<!tpu.dma_semaphore, #tpu.memory_space<semaphore_mem>>) src(%arg8 : memref<80x128xf32, #tpu.memory_space<vmem>>) dst(%dma_wait3A_65 : memref<10240x128xf32, #tpu.memory_space<vmem_shared>>)
      tpu.yield
    }) : () -> ()
    %barrier3A_42 = arith.constant 0 : index
    tpu.barrier barrier_id(%barrier3A_42)
    %add3A_43 = arith.constant 0 : i32
    %add3A_44 = arith.addi %mul3A_2, %add3A_43 : i32
    "tpu.region"() ({
      %run_scoped3A_53 = tpu.sem_alloc : memref<!tpu.dma_semaphore, #tpu.memory_space<semaphore_mem>>
      %dma_start3A_54 = arith.constant 0 : i32
      %dma_start3A_55 = arith.constant 0 : i32
      %dma_start3A_56 = tpu.memref_slice %arg5[%arg0, %dma_start3A_54, %dma_start3A_55] : memref<2x10240x128xf32, #tpu.memory_space<hbm>> -> memref<1x10240x128xf32, #tpu.memory_space<hbm>>
      %dma_start3A_57 = tpu.memref_squeeze %dma_start3A_56 : memref<1x10240x128xf32, #tpu.memory_space<hbm>> -> memref<10240x128xf32, #tpu.memory_space<hbm>>
      %dma_start3A_58 = arith.constant 0 : i32
      %dma_start3A_59 = tpu.memref_slice %dma_start3A_57[%add3A_44, %dma_start3A_58] : memref<10240x128xf32, #tpu.memory_space<hbm>> -> memref<128x128xf32, #tpu.memory_space<hbm>>
      %dma_start3A_60 = arith.constant 0 : i32
      %dma_start3A_61 = tpu.memref_slice %arg10[%add3A_44, %dma_start3A_60] : memref<10240x128xf32, #tpu.memory_space<vmem_shared>> -> memref<128x128xf32, #tpu.memory_space<vmem_shared>>
      tpu.enqueue_dma source(%dma_start3A_61 : memref<128x128xf32, #tpu.memory_space<vmem_shared>>) target(%dma_start3A_59 : memref<128x128xf32, #tpu.memory_space<hbm>>) target_semaphore(%run_scoped3A_53 : memref<!tpu.dma_semaphore, #tpu.memory_space<semaphore_mem>>)
      %dma_wait3A_62 = arith.constant 0 : i32
      %dma_wait3A_63 = arith.constant 0 : i32
      %dma_wait3A_64 = tpu.memref_slice %arg5[%arg0, %dma_wait3A_62, %dma_wait3A_63] : memref<2x10240x128xf32, #tpu.memory_space<hbm>> -> memref<1x10240x128xf32, #tpu.memory_space<hbm>>
      %dma_wait3A_65 = tpu.memref_squeeze %dma_wait3A_64 : memref<1x10240x128xf32, #tpu.memory_space<hbm>> -> memref<10240x128xf32, #tpu.memory_space<hbm>>
      %dma_wait3A_66 = arith.constant 0 : i32
      %dma_wait3A_67 = tpu.memref_slice %dma_wait3A_65[%add3A_44, %dma_wait3A_66] : memref<10240x128xf32, #tpu.memory_space<hbm>> -> memref<128x128xf32, #tpu.memory_space<hbm>>
      %dma_wait3A_68 = arith.constant 0 : i32
      %dma_wait3A_69 = tpu.memref_slice %arg10[%add3A_44, %dma_wait3A_68] : memref<10240x128xf32, #tpu.memory_space<vmem_shared>> -> memref<128x128xf32, #tpu.memory_space<vmem_shared>>
      tpu.wait_dma2 semaphore(%run_scoped3A_53 : memref<!tpu.dma_semaphore, #tpu.memory_space<semaphore_mem>>) src(%dma_wait3A_69 : memref<128x128xf32, #tpu.memory_space<vmem_shared>>) dst(%dma_wait3A_67 : memref<128x128xf32, #tpu.memory_space<hbm>>)
      tpu.yield
    }) : () -> ()
    %add3A_45 = arith.constant 128 : i32
    %add3A_46 = arith.addi %mul3A_2, %add3A_45 : i32
    "tpu.region"() ({
      %run_scoped3A_53 = tpu.sem_alloc : memref<!tpu.dma_semaphore, #tpu.memory_space<semaphore_mem>>
      %dma_start3A_54 = arith.constant 0 : i32
      %dma_start3A_55 = arith.constant 0 : i32
      %dma_start3A_56 = tpu.memref_slice %arg5[%arg0, %dma_start3A_54, %dma_start3A_55] : memref<2x10240x128xf32, #tpu.memory_space<hbm>> -> memref<1x10240x128xf32, #tpu.memory_space<hbm>>
      %dma_start3A_57 = tpu.memref_squeeze %dma_start3A_56 : memref<1x10240x128xf32, #tpu.memory_space<hbm>> -> memref<10240x128xf32, #tpu.memory_space<hbm>>
      %dma_start3A_58 = arith.constant 0 : i32
      %dma_start3A_59 = tpu.memref_slice %dma_start3A_57[%add3A_46, %dma_start3A_58] : memref<10240x128xf32, #tpu.memory_space<hbm>> -> memref<128x128xf32, #tpu.memory_space<hbm>>
      %dma_start3A_60 = arith.constant 0 : i32
      %dma_start3A_61 = tpu.memref_slice %arg10[%add3A_46, %dma_start3A_60] : memref<10240x128xf32, #tpu.memory_space<vmem_shared>> -> memref<128x128xf32, #tpu.memory_space<vmem_shared>>
      tpu.enqueue_dma source(%dma_start3A_61 : memref<128x128xf32, #tpu.memory_space<vmem_shared>>) target(%dma_start3A_59 : memref<128x128xf32, #tpu.memory_space<hbm>>) target_semaphore(%run_scoped3A_53 : memref<!tpu.dma_semaphore, #tpu.memory_space<semaphore_mem>>)
      %dma_wait3A_62 = arith.constant 0 : i32
      %dma_wait3A_63 = arith.constant 0 : i32
      %dma_wait3A_64 = tpu.memref_slice %arg5[%arg0, %dma_wait3A_62, %dma_wait3A_63] : memref<2x10240x128xf32, #tpu.memory_space<hbm>> -> memref<1x10240x128xf32, #tpu.memory_space<hbm>>
      %dma_wait3A_65 = tpu.memref_squeeze %dma_wait3A_64 : memref<1x10240x128xf32, #tpu.memory_space<hbm>> -> memref<10240x128xf32, #tpu.memory_space<hbm>>
      %dma_wait3A_66 = arith.constant 0 : i32
      %dma_wait3A_67 = tpu.memref_slice %dma_wait3A_65[%add3A_46, %dma_wait3A_66] : memref<10240x128xf32, #tpu.memory_space<hbm>> -> memref<128x128xf32, #tpu.memory_space<hbm>>
      %dma_wait3A_68 = arith.constant 0 : i32
      %dma_wait3A_69 = tpu.memref_slice %arg10[%add3A_46, %dma_wait3A_68] : memref<10240x128xf32, #tpu.memory_space<vmem_shared>> -> memref<128x128xf32, #tpu.memory_space<vmem_shared>>
      tpu.wait_dma2 semaphore(%run_scoped3A_53 : memref<!tpu.dma_semaphore, #tpu.memory_space<semaphore_mem>>) src(%dma_wait3A_69 : memref<128x128xf32, #tpu.memory_space<vmem_shared>>) dst(%dma_wait3A_67 : memref<128x128xf32, #tpu.memory_space<hbm>>)
      tpu.yield
    }) : () -> ()
    %add3A_47 = arith.constant 256 : i32
    %add3A_48 = arith.addi %mul3A_2, %add3A_47 : i32
    "tpu.region"() ({
      %run_scoped3A_53 = tpu.sem_alloc : memref<!tpu.dma_semaphore, #tpu.memory_space<semaphore_mem>>
      %dma_start3A_54 = arith.constant 0 : i32
      %dma_start3A_55 = arith.constant 0 : i32
      %dma_start3A_56 = tpu.memref_slice %arg5[%arg0, %dma_start3A_54, %dma_start3A_55] : memref<2x10240x128xf32, #tpu.memory_space<hbm>> -> memref<1x10240x128xf32, #tpu.memory_space<hbm>>
      %dma_start3A_57 = tpu.memref_squeeze %dma_start3A_56 : memref<1x10240x128xf32, #tpu.memory_space<hbm>> -> memref<10240x128xf32, #tpu.memory_space<hbm>>
      %dma_start3A_58 = arith.constant 0 : i32
      %dma_start3A_59 = tpu.memref_slice %dma_start3A_57[%add3A_48, %dma_start3A_58] : memref<10240x128xf32, #tpu.memory_space<hbm>> -> memref<128x128xf32, #tpu.memory_space<hbm>>
      %dma_start3A_60 = arith.constant 0 : i32
      %dma_start3A_61 = tpu.memref_slice %arg10[%add3A_48, %dma_start3A_60] : memref<10240x128xf32, #tpu.memory_space<vmem_shared>> -> memref<128x128xf32, #tpu.memory_space<vmem_shared>>
      tpu.enqueue_dma source(%dma_start3A_61 : memref<128x128xf32, #tpu.memory_space<vmem_shared>>) target(%dma_start3A_59 : memref<128x128xf32, #tpu.memory_space<hbm>>) target_semaphore(%run_scoped3A_53 : memref<!tpu.dma_semaphore, #tpu.memory_space<semaphore_mem>>)
      %dma_wait3A_62 = arith.constant 0 : i32
      %dma_wait3A_63 = arith.constant 0 : i32
      %dma_wait3A_64 = tpu.memref_slice %arg5[%arg0, %dma_wait3A_62, %dma_wait3A_63] : memref<2x10240x128xf32, #tpu.memory_space<hbm>> -> memref<1x10240x128xf32, #tpu.memory_space<hbm>>
      %dma_wait3A_65 = tpu.memref_squeeze %dma_wait3A_64 : memref<1x10240x128xf32, #tpu.memory_space<hbm>> -> memref<10240x128xf32, #tpu.memory_space<hbm>>
      %dma_wait3A_66 = arith.constant 0 : i32
      %dma_wait3A_67 = tpu.memref_slice %dma_wait3A_65[%add3A_48, %dma_wait3A_66] : memref<10240x128xf32, #tpu.memory_space<hbm>> -> memref<128x128xf32, #tpu.memory_space<hbm>>
      %dma_wait3A_68 = arith.constant 0 : i32
      %dma_wait3A_69 = tpu.memref_slice %arg10[%add3A_48, %dma_wait3A_68] : memref<10240x128xf32, #tpu.memory_space<vmem_shared>> -> memref<128x128xf32, #tpu.memory_space<vmem_shared>>
      tpu.wait_dma2 semaphore(%run_scoped3A_53 : memref<!tpu.dma_semaphore, #tpu.memory_space<semaphore_mem>>) src(%dma_wait3A_69 : memref<128x128xf32, #tpu.memory_space<vmem_shared>>) dst(%dma_wait3A_67 : memref<128x128xf32, #tpu.memory_space<hbm>>)
      tpu.yield
    }) : () -> ()
    %add3A_49 = arith.constant 384 : i32
    %add3A_50 = arith.addi %mul3A_2, %add3A_49 : i32
    "tpu.region"() ({
      %run_scoped3A_53 = tpu.sem_alloc : memref<!tpu.dma_semaphore, #tpu.memory_space<semaphore_mem>>
      %dma_start3A_54 = arith.constant 0 : i32
      %dma_start3A_55 = arith.constant 0 : i32
      %dma_start3A_56 = tpu.memref_slice %arg5[%arg0, %dma_start3A_54, %dma_start3A_55] : memref<2x10240x128xf32, #tpu.memory_space<hbm>> -> memref<1x10240x128xf32, #tpu.memory_space<hbm>>
      %dma_start3A_57 = tpu.memref_squeeze %dma_start3A_56 : memref<1x10240x128xf32, #tpu.memory_space<hbm>> -> memref<10240x128xf32, #tpu.memory_space<hbm>>
      %dma_start3A_58 = arith.constant 0 : i32
      %dma_start3A_59 = tpu.memref_slice %dma_start3A_57[%add3A_50, %dma_start3A_58] : memref<10240x128xf32, #tpu.memory_space<hbm>> -> memref<128x128xf32, #tpu.memory_space<hbm>>
      %dma_start3A_60 = arith.constant 0 : i32
      %dma_start3A_61 = tpu.memref_slice %arg10[%add3A_50, %dma_start3A_60] : memref<10240x128xf32, #tpu.memory_space<vmem_shared>> -> memref<128x128xf32, #tpu.memory_space<vmem_shared>>
      tpu.enqueue_dma source(%dma_start3A_61 : memref<128x128xf32, #tpu.memory_space<vmem_shared>>) target(%dma_start3A_59 : memref<128x128xf32, #tpu.memory_space<hbm>>) target_semaphore(%run_scoped3A_53 : memref<!tpu.dma_semaphore, #tpu.memory_space<semaphore_mem>>)
      %dma_wait3A_62 = arith.constant 0 : i32
      %dma_wait3A_63 = arith.constant 0 : i32
      %dma_wait3A_64 = tpu.memref_slice %arg5[%arg0, %dma_wait3A_62, %dma_wait3A_63] : memref<2x10240x128xf32, #tpu.memory_space<hbm>> -> memref<1x10240x128xf32, #tpu.memory_space<hbm>>
      %dma_wait3A_65 = tpu.memref_squeeze %dma_wait3A_64 : memref<1x10240x128xf32, #tpu.memory_space<hbm>> -> memref<10240x128xf32, #tpu.memory_space<hbm>>
      %dma_wait3A_66 = arith.constant 0 : i32
      %dma_wait3A_67 = tpu.memref_slice %dma_wait3A_65[%add3A_50, %dma_wait3A_66] : memref<10240x128xf32, #tpu.memory_space<hbm>> -> memref<128x128xf32, #tpu.memory_space<hbm>>
      %dma_wait3A_68 = arith.constant 0 : i32
      %dma_wait3A_69 = tpu.memref_slice %arg10[%add3A_50, %dma_wait3A_68] : memref<10240x128xf32, #tpu.memory_space<vmem_shared>> -> memref<128x128xf32, #tpu.memory_space<vmem_shared>>
      tpu.wait_dma2 semaphore(%run_scoped3A_53 : memref<!tpu.dma_semaphore, #tpu.memory_space<semaphore_mem>>) src(%dma_wait3A_69 : memref<128x128xf32, #tpu.memory_space<vmem_shared>>) dst(%dma_wait3A_67 : memref<128x128xf32, #tpu.memory_space<hbm>>)
      tpu.yield
    }) : () -> ()
    %add3A_51 = arith.constant 512 : i32
    %add3A_52 = arith.addi %mul3A_2, %add3A_51 : i32
    "tpu.region"() ({
      %run_scoped3A_53 = tpu.sem_alloc : memref<!tpu.dma_semaphore, #tpu.memory_space<semaphore_mem>>
      %dma_start3A_54 = arith.constant 0 : i32
      %dma_start3A_55 = arith.constant 0 : i32
      %dma_start3A_56 = tpu.memref_slice %arg5[%arg0, %dma_start3A_54, %dma_start3A_55] : memref<2x10240x128xf32, #tpu.memory_space<hbm>> -> memref<1x10240x128xf32, #tpu.memory_space<hbm>>
      %dma_start3A_57 = tpu.memref_squeeze %dma_start3A_56 : memref<1x10240x128xf32, #tpu.memory_space<hbm>> -> memref<10240x128xf32, #tpu.memory_space<hbm>>
      %dma_start3A_58 = arith.constant 0 : i32
      %dma_start3A_59 = tpu.memref_slice %dma_start3A_57[%add3A_52, %dma_start3A_58] : memref<10240x128xf32, #tpu.memory_space<hbm>> -> memref<128x128xf32, #tpu.memory_space<hbm>>
      %dma_start3A_60 = arith.constant 0 : i32
      %dma_start3A_61 = tpu.memref_slice %arg10[%add3A_52, %dma_start3A_60] : memref<10240x128xf32, #tpu.memory_space<vmem_shared>> -> memref<128x128xf32, #tpu.memory_space<vmem_shared>>
      tpu.enqueue_dma source(%dma_start3A_61 : memref<128x128xf32, #tpu.memory_space<vmem_shared>>) target(%dma_start3A_59 : memref<128x128xf32, #tpu.memory_space<hbm>>) target_semaphore(%run_scoped3A_53 : memref<!tpu.dma_semaphore, #tpu.memory_space<semaphore_mem>>)
      %dma_wait3A_62 = arith.constant 0 : i32
      %dma_wait3A_63 = arith.constant 0 : i32
      %dma_wait3A_64 = tpu.memref_slice %arg5[%arg0, %dma_wait3A_62, %dma_wait3A_63] : memref<2x10240x128xf32, #tpu.memory_space<hbm>> -> memref<1x10240x128xf32, #tpu.memory_space<hbm>>
      %dma_wait3A_65 = tpu.memref_squeeze %dma_wait3A_64 : memref<1x10240x128xf32, #tpu.memory_space<hbm>> -> memref<10240x128xf32, #tpu.memory_space<hbm>>
      %dma_wait3A_66 = arith.constant 0 : i32
      %dma_wait3A_67 = tpu.memref_slice %dma_wait3A_65[%add3A_52, %dma_wait3A_66] : memref<10240x128xf32, #tpu.memory_space<hbm>> -> memref<128x128xf32, #tpu.memory_space<hbm>>
      %dma_wait3A_68 = arith.constant 0 : i32
      %dma_wait3A_69 = tpu.memref_slice %arg10[%add3A_52, %dma_wait3A_68] : memref<10240x128xf32, #tpu.memory_space<vmem_shared>> -> memref<128x128xf32, #tpu.memory_space<vmem_shared>>
      tpu.wait_dma2 semaphore(%run_scoped3A_53 : memref<!tpu.dma_semaphore, #tpu.memory_space<semaphore_mem>>) src(%dma_wait3A_69 : memref<128x128xf32, #tpu.memory_space<vmem_shared>>) dst(%dma_wait3A_67 : memref<128x128xf32, #tpu.memory_space<hbm>>)
      tpu.yield
    }) : () -> ()
    return
  }
}

#map = affine_map<(d0, d1) -> (0, 0, 0)>
module attributes {stable_mosaic.version = 14 : i64} {
  func.func @body(%arg0: i32, %arg1: i32, %arg2: memref<32x125x80xi32, #tpu.memory_space<hbm>>, %arg3: memref<2x10240x16xf32, #tpu.memory_space<hbm>>, %arg4: memref<125x80xi32, #tpu.memory_space<vmem>>, %arg5: memref<80x16xf32, #tpu.memory_space<vmem>>, %arg6: memref<128x16xf32, #tpu.memory_space<vmem>>, %arg7: memref<10240x16xf32, #tpu.memory_space<vmem_shared>>, %arg8: memref<!tpu.dma_semaphore, #tpu.memory_space<semaphore_mem>>) attributes {dimension_semantics = [#tpu.dimension_semantics<core_parallel>, #tpu.dimension_semantics<subcore_parallel>], iteration_bounds = array<i64: 2, 16>, scalar_prefetch = 0 : i64, scratch_operands = 5 : i64, tpu.core_type = #tpu.core_type<sc_vector_subcore>, window_params = [{transform_indices = #map}, {transform_indices = #map}]} {
    %mul3A = arith.constant 16 : i32
    %mul3A_0 = arith.muli %arg0, %mul3A : i32
    %add3A = arith.addi %mul3A_0, %arg1 : i32
    %mul3A_1 = arith.constant 640 : i32
    %mul3A_2 = arith.muli %arg1, %mul3A_1 : i32
    %scan3A = arith.constant 0 : i32
    %scan3A_3 = arith.constant 0 : i32
    %scan3A_4 = arith.constant 128 : i32
    %scan3A_5 = arith.addi %scan3A_3, %scan3A_4 : i32
    %scan3A_6 = arith.constant 1 : i32
    scf.for %scan3A_47 = %scan3A_3 to %scan3A_5 step %scan3A_6  : i32 {
      %broadcast_in_dim3A = arith.constant 0.000000e+00 : f32
      %broadcast_in_dim3A_48 = vector.broadcast %broadcast_in_dim3A : f32 to vector<16xf32>
      %swap3A = arith.index_cast %scan3A_47 : i32 to index
      %swap3A_49 = arith.constant 0 : index
      %swap3A_50 = tpu.vector_load %arg6[%swap3A, %swap3A_49] {strides = array<i32>} : memref<128x16xf32, #tpu.memory_space<vmem>>, vector<1x16xf32>,
      %swap3A_51 = vector.shape_cast %swap3A_50 : vector<1x16xf32> to vector<16xf32>
      %swap3A_52 = vector.shape_cast %broadcast_in_dim3A_48 : vector<16xf32> to vector<1x16xf32>
      tpu.vector_store %arg6[%swap3A, %swap3A_49], %swap3A_52 {strides = array<i32>} : memref<128x16xf32, #tpu.memory_space<vmem>>, vector<1x16xf32>,
    }
    %scan3A_7 = arith.constant 128 : i32
    %add3A_8 = arith.constant 0 : i32
    %add3A_9 = arith.addi %mul3A_2, %add3A_8 : i32
    "tpu.region"() ({
      %run_scoped3A = tpu.sem_alloc : memref<!tpu.dma_semaphore, #tpu.memory_space<semaphore_mem>>
      %dma_start3A = arith.constant 0 : i32
      %dma_start3A_47 = tpu.memref_slice %arg7[%add3A_9, %dma_start3A] : memref<10240x16xf32, #tpu.memory_space<vmem_shared>> -> memref<128x16xf32, #tpu.memory_space<vmem_shared>>
      %dma_start3A_48 = arith.constant 0 : i32
      %dma_start3A_49 = tpu.memref_slice %arg7[%add3A_9, %dma_start3A_48] : memref<10240x16xf32, #tpu.memory_space<vmem_shared>> -> memref<128x16xf32, #tpu.memory_space<vmem_shared>>
      tpu.enqueue_dma source(%arg6 : memref<128x16xf32, #tpu.memory_space<vmem>>) target(%dma_start3A_49 : memref<128x16xf32, #tpu.memory_space<vmem_shared>>) target_semaphore(%run_scoped3A : memref<!tpu.dma_semaphore, #tpu.memory_space<semaphore_mem>>)
      %dma_wait3A = arith.constant 0 : i32
      %dma_wait3A_50 = tpu.memref_slice %arg7[%add3A_9, %dma_wait3A] : memref<10240x16xf32, #tpu.memory_space<vmem_shared>> -> memref<128x16xf32, #tpu.memory_space<vmem_shared>>
      %dma_wait3A_51 = arith.constant 0 : i32
      %dma_wait3A_52 = tpu.memref_slice %arg7[%add3A_9, %dma_wait3A_51] : memref<10240x16xf32, #tpu.memory_space<vmem_shared>> -> memref<128x16xf32, #tpu.memory_space<vmem_shared>>
      tpu.wait_dma2 semaphore(%run_scoped3A : memref<!tpu.dma_semaphore, #tpu.memory_space<semaphore_mem>>) src(%arg6 : memref<128x16xf32, #tpu.memory_space<vmem>>) dst(%dma_wait3A_52 : memref<128x16xf32, #tpu.memory_space<vmem_shared>>)
      tpu.yield
    }) : () -> ()
    %add3A_10 = arith.constant 128 : i32
    %add3A_11 = arith.addi %mul3A_2, %add3A_10 : i32
    "tpu.region"() ({
      %run_scoped3A = tpu.sem_alloc : memref<!tpu.dma_semaphore, #tpu.memory_space<semaphore_mem>>
      %dma_start3A = arith.constant 0 : i32
      %dma_start3A_47 = tpu.memref_slice %arg7[%add3A_11, %dma_start3A] : memref<10240x16xf32, #tpu.memory_space<vmem_shared>> -> memref<128x16xf32, #tpu.memory_space<vmem_shared>>
      %dma_start3A_48 = arith.constant 0 : i32
      %dma_start3A_49 = tpu.memref_slice %arg7[%add3A_11, %dma_start3A_48] : memref<10240x16xf32, #tpu.memory_space<vmem_shared>> -> memref<128x16xf32, #tpu.memory_space<vmem_shared>>
      tpu.enqueue_dma source(%arg6 : memref<128x16xf32, #tpu.memory_space<vmem>>) target(%dma_start3A_49 : memref<128x16xf32, #tpu.memory_space<vmem_shared>>) target_semaphore(%run_scoped3A : memref<!tpu.dma_semaphore, #tpu.memory_space<semaphore_mem>>)
      %dma_wait3A = arith.constant 0 : i32
      %dma_wait3A_50 = tpu.memref_slice %arg7[%add3A_11, %dma_wait3A] : memref<10240x16xf32, #tpu.memory_space<vmem_shared>> -> memref<128x16xf32, #tpu.memory_space<vmem_shared>>
      %dma_wait3A_51 = arith.constant 0 : i32
      %dma_wait3A_52 = tpu.memref_slice %arg7[%add3A_11, %dma_wait3A_51] : memref<10240x16xf32, #tpu.memory_space<vmem_shared>> -> memref<128x16xf32, #tpu.memory_space<vmem_shared>>
      tpu.wait_dma2 semaphore(%run_scoped3A : memref<!tpu.dma_semaphore, #tpu.memory_space<semaphore_mem>>) src(%arg6 : memref<128x16xf32, #tpu.memory_space<vmem>>) dst(%dma_wait3A_52 : memref<128x16xf32, #tpu.memory_space<vmem_shared>>)
      tpu.yield
    }) : () -> ()
    %add3A_12 = arith.constant 256 : i32
    %add3A_13 = arith.addi %mul3A_2, %add3A_12 : i32
    "tpu.region"() ({
      %run_scoped3A = tpu.sem_alloc : memref<!tpu.dma_semaphore, #tpu.memory_space<semaphore_mem>>
      %dma_start3A = arith.constant 0 : i32
      %dma_start3A_47 = tpu.memref_slice %arg7[%add3A_13, %dma_start3A] : memref<10240x16xf32, #tpu.memory_space<vmem_shared>> -> memref<128x16xf32, #tpu.memory_space<vmem_shared>>
      %dma_start3A_48 = arith.constant 0 : i32
      %dma_start3A_49 = tpu.memref_slice %arg7[%add3A_13, %dma_start3A_48] : memref<10240x16xf32, #tpu.memory_space<vmem_shared>> -> memref<128x16xf32, #tpu.memory_space<vmem_shared>>
      tpu.enqueue_dma source(%arg6 : memref<128x16xf32, #tpu.memory_space<vmem>>) target(%dma_start3A_49 : memref<128x16xf32, #tpu.memory_space<vmem_shared>>) target_semaphore(%run_scoped3A : memref<!tpu.dma_semaphore, #tpu.memory_space<semaphore_mem>>)
      %dma_wait3A = arith.constant 0 : i32
      %dma_wait3A_50 = tpu.memref_slice %arg7[%add3A_13, %dma_wait3A] : memref<10240x16xf32, #tpu.memory_space<vmem_shared>> -> memref<128x16xf32, #tpu.memory_space<vmem_shared>>
      %dma_wait3A_51 = arith.constant 0 : i32
      %dma_wait3A_52 = tpu.memref_slice %arg7[%add3A_13, %dma_wait3A_51] : memref<10240x16xf32, #tpu.memory_space<vmem_shared>> -> memref<128x16xf32, #tpu.memory_space<vmem_shared>>
      tpu.wait_dma2 semaphore(%run_scoped3A : memref<!tpu.dma_semaphore, #tpu.memory_space<semaphore_mem>>) src(%arg6 : memref<128x16xf32, #tpu.memory_space<vmem>>) dst(%dma_wait3A_52 : memref<128x16xf32, #tpu.memory_space<vmem_shared>>)
      tpu.yield
    }) : () -> ()
    %add3A_14 = arith.constant 384 : i32
    %add3A_15 = arith.addi %mul3A_2, %add3A_14 : i32
    "tpu.region"() ({
      %run_scoped3A = tpu.sem_alloc : memref<!tpu.dma_semaphore, #tpu.memory_space<semaphore_mem>>
      %dma_start3A = arith.constant 0 : i32
      %dma_start3A_47 = tpu.memref_slice %arg7[%add3A_15, %dma_start3A] : memref<10240x16xf32, #tpu.memory_space<vmem_shared>> -> memref<128x16xf32, #tpu.memory_space<vmem_shared>>
      %dma_start3A_48 = arith.constant 0 : i32
      %dma_start3A_49 = tpu.memref_slice %arg7[%add3A_15, %dma_start3A_48] : memref<10240x16xf32, #tpu.memory_space<vmem_shared>> -> memref<128x16xf32, #tpu.memory_space<vmem_shared>>
      tpu.enqueue_dma source(%arg6 : memref<128x16xf32, #tpu.memory_space<vmem>>) target(%dma_start3A_49 : memref<128x16xf32, #tpu.memory_space<vmem_shared>>) target_semaphore(%run_scoped3A : memref<!tpu.dma_semaphore, #tpu.memory_space<semaphore_mem>>)
      %dma_wait3A = arith.constant 0 : i32
      %dma_wait3A_50 = tpu.memref_slice %arg7[%add3A_15, %dma_wait3A] : memref<10240x16xf32, #tpu.memory_space<vmem_shared>> -> memref<128x16xf32, #tpu.memory_space<vmem_shared>>
      %dma_wait3A_51 = arith.constant 0 : i32
      %dma_wait3A_52 = tpu.memref_slice %arg7[%add3A_15, %dma_wait3A_51] : memref<10240x16xf32, #tpu.memory_space<vmem_shared>> -> memref<128x16xf32, #tpu.memory_space<vmem_shared>>
      tpu.wait_dma2 semaphore(%run_scoped3A : memref<!tpu.dma_semaphore, #tpu.memory_space<semaphore_mem>>) src(%arg6 : memref<128x16xf32, #tpu.memory_space<vmem>>) dst(%dma_wait3A_52 : memref<128x16xf32, #tpu.memory_space<vmem_shared>>)
      tpu.yield
    }) : () -> ()
    %add3A_16 = arith.constant 512 : i32
    %add3A_17 = arith.addi %mul3A_2, %add3A_16 : i32
    "tpu.region"() ({
      %run_scoped3A = tpu.sem_alloc : memref<!tpu.dma_semaphore, #tpu.memory_space<semaphore_mem>>
      %dma_start3A = arith.constant 0 : i32
      %dma_start3A_47 = tpu.memref_slice %arg7[%add3A_17, %dma_start3A] : memref<10240x16xf32, #tpu.memory_space<vmem_shared>> -> memref<128x16xf32, #tpu.memory_space<vmem_shared>>
      %dma_start3A_48 = arith.constant 0 : i32
      %dma_start3A_49 = tpu.memref_slice %arg7[%add3A_17, %dma_start3A_48] : memref<10240x16xf32, #tpu.memory_space<vmem_shared>> -> memref<128x16xf32, #tpu.memory_space<vmem_shared>>
      tpu.enqueue_dma source(%arg6 : memref<128x16xf32, #tpu.memory_space<vmem>>) target(%dma_start3A_49 : memref<128x16xf32, #tpu.memory_space<vmem_shared>>) target_semaphore(%run_scoped3A : memref<!tpu.dma_semaphore, #tpu.memory_space<semaphore_mem>>)
      %dma_wait3A = arith.constant 0 : i32
      %dma_wait3A_50 = tpu.memref_slice %arg7[%add3A_17, %dma_wait3A] : memref<10240x16xf32, #tpu.memory_space<vmem_shared>> -> memref<128x16xf32, #tpu.memory_space<vmem_shared>>
      %dma_wait3A_51 = arith.constant 0 : i32
      %dma_wait3A_52 = tpu.memref_slice %arg7[%add3A_17, %dma_wait3A_51] : memref<10240x16xf32, #tpu.memory_space<vmem_shared>> -> memref<128x16xf32, #tpu.memory_space<vmem_shared>>
      tpu.wait_dma2 semaphore(%run_scoped3A : memref<!tpu.dma_semaphore, #tpu.memory_space<semaphore_mem>>) src(%arg6 : memref<128x16xf32, #tpu.memory_space<vmem>>) dst(%dma_wait3A_52 : memref<128x16xf32, #tpu.memory_space<vmem_shared>>)
      tpu.yield
    }) : () -> ()
    %scan3A_18 = arith.constant 0 : i32
    %scan3A_19 = arith.constant 0 : i32
    %scan3A_20 = arith.constant 80 : i32
    %scan3A_21 = arith.addi %scan3A_19, %scan3A_20 : i32
    %scan3A_22 = arith.constant 1 : i32
    scf.for %scan3A_47 = %scan3A_19 to %scan3A_21 step %scan3A_22  : i32 {
      %broadcast_in_dim3A = arith.constant 1.000000e+00 : f32
      %broadcast_in_dim3A_48 = vector.broadcast %broadcast_in_dim3A : f32 to vector<16xf32>
      %swap3A = arith.index_cast %scan3A_47 : i32 to index
      %swap3A_49 = arith.constant 0 : index
      %swap3A_50 = tpu.vector_load %arg5[%swap3A, %swap3A_49] {strides = array<i32>} : memref<80x16xf32, #tpu.memory_space<vmem>>, vector<1x16xf32>,
      %swap3A_51 = vector.shape_cast %swap3A_50 : vector<1x16xf32> to vector<16xf32>
      %swap3A_52 = vector.shape_cast %broadcast_in_dim3A_48 : vector<16xf32> to vector<1x16xf32>
      tpu.vector_store %arg5[%swap3A, %swap3A_49], %swap3A_52 {strides = array<i32>} : memref<80x16xf32, #tpu.memory_space<vmem>>, vector<1x16xf32>,
    }
    %scan3A_23 = arith.constant 80 : i32
    "tpu.region"() ({
      %run_scoped3A = tpu.sem_alloc : memref<!tpu.dma_semaphore, #tpu.memory_space<semaphore_mem>>
      %dma_start3A = arith.constant 0 : i32
      %dma_start3A_47 = arith.constant 0 : i32
      %dma_start3A_48 = tpu.memref_slice %arg2[%add3A, %dma_start3A, %dma_start3A_47] : memref<32x125x80xi32, #tpu.memory_space<hbm>> -> memref<1x125x80xi32, #tpu.memory_space<hbm>>
      %dma_start3A_49 = tpu.memref_squeeze %dma_start3A_48 : memref<1x125x80xi32, #tpu.memory_space<hbm>> -> memref<125x80xi32, #tpu.memory_space<hbm>>
      %dma_start3A_50 = arith.constant 0 : i32
      %dma_start3A_51 = arith.constant 0 : i32
      %dma_start3A_52 = tpu.memref_slice %arg2[%add3A, %dma_start3A_50, %dma_start3A_51] : memref<32x125x80xi32, #tpu.memory_space<hbm>> -> memref<1x125x80xi32, #tpu.memory_space<hbm>>
      %dma_start3A_53 = tpu.memref_squeeze %dma_start3A_52 : memref<1x125x80xi32, #tpu.memory_space<hbm>> -> memref<125x80xi32, #tpu.memory_space<hbm>>
      tpu.enqueue_dma source(%dma_start3A_53 : memref<125x80xi32, #tpu.memory_space<hbm>>) target(%arg4 : memref<125x80xi32, #tpu.memory_space<vmem>>) target_semaphore(%run_scoped3A : memref<!tpu.dma_semaphore, #tpu.memory_space<semaphore_mem>>)
      %dma_wait3A = arith.constant 0 : i32
      %dma_wait3A_54 = arith.constant 0 : i32
      %dma_wait3A_55 = tpu.memref_slice %arg2[%add3A, %dma_wait3A, %dma_wait3A_54] : memref<32x125x80xi32, #tpu.memory_space<hbm>> -> memref<1x125x80xi32, #tpu.memory_space<hbm>>
      %dma_wait3A_56 = tpu.memref_squeeze %dma_wait3A_55 : memref<1x125x80xi32, #tpu.memory_space<hbm>> -> memref<125x80xi32, #tpu.memory_space<hbm>>
      %dma_wait3A_57 = arith.constant 0 : i32
      %dma_wait3A_58 = arith.constant 0 : i32
      %dma_wait3A_59 = tpu.memref_slice %arg2[%add3A, %dma_wait3A_57, %dma_wait3A_58] : memref<32x125x80xi32, #tpu.memory_space<hbm>> -> memref<1x125x80xi32, #tpu.memory_space<hbm>>
      %dma_wait3A_60 = tpu.memref_squeeze %dma_wait3A_59 : memref<1x125x80xi32, #tpu.memory_space<hbm>> -> memref<125x80xi32, #tpu.memory_space<hbm>>
      tpu.wait_dma2 semaphore(%run_scoped3A : memref<!tpu.dma_semaphore, #tpu.memory_space<semaphore_mem>>) src(%dma_wait3A_60 : memref<125x80xi32, #tpu.memory_space<hbm>>) dst(%arg4 : memref<125x80xi32, #tpu.memory_space<vmem>>)
      tpu.yield
    }) : () -> ()
    %barrier3A = arith.constant 0 : index
    tpu.barrier barrier_id(%barrier3A)
    %scan3A_24 = arith.constant 0 : i32
    %scan3A_25 = arith.constant 0 : i32
    %scan3A_26 = arith.constant 125 : i32
    %scan3A_27 = arith.addi %scan3A_25, %scan3A_26 : i32
    %scan3A_28 = arith.constant 1 : i32
    scf.for %scan3A_47 = %scan3A_25 to %scan3A_27 step %scan3A_28  : i32 {
      %dma_start3A = arith.constant 0 : i32
      %dma_start3A_48 = tpu.memref_slice %arg4[%scan3A_47, %dma_start3A] : memref<125x80xi32, #tpu.memory_space<vmem>> -> memref<1x80xi32, #tpu.memory_space<vmem>>
      %dma_start3A_49 = tpu.memref_squeeze %dma_start3A_48 : memref<1x80xi32, #tpu.memory_space<vmem>> -> memref<80xi32, #tpu.memory_space<vmem>>
      %dma_start3A_50 = arith.constant 0 : i32
      %dma_start3A_51 = arith.constant 0 : i32
      %dma_start3A_52 = tpu.memref_slice %arg7[%dma_start3A_50, %dma_start3A_51] : memref<10240x16xf32, #tpu.memory_space<vmem_shared>> -> memref<10240x16xf32, #tpu.memory_space<vmem_shared>>
      tpu.enqueue_indirect_dma source(%arg5 : memref<80x16xf32, #tpu.memory_space<vmem>>) target(%dma_start3A_52 : memref<10240x16xf32, #tpu.memory_space<vmem_shared>>) offsets(%dma_start3A_49 : memref<80xi32, #tpu.memory_space<vmem>>) semaphore(%arg8 : memref<!tpu.dma_semaphore, #tpu.memory_space<semaphore_mem>>) {add = true}
    }
    %scan3A_29 = arith.constant 125 : i32
    %scan3A_30 = arith.constant 0 : i32
    %scan3A_31 = arith.constant 0 : i32
    %scan3A_32 = arith.constant 125 : i32
    %scan3A_33 = arith.addi %scan3A_31, %scan3A_32 : i32
    %scan3A_34 = arith.constant 1 : i32
    scf.for %scan3A_47 = %scan3A_31 to %scan3A_33 step %scan3A_34  : i32 {
      %dma_wait3A = arith.constant 0 : i32
      %dma_wait3A_48 = arith.constant 0 : i32
      %dma_wait3A_49 = tpu.memref_slice %arg4[%dma_wait3A, %dma_wait3A_48] : memref<125x80xi32, #tpu.memory_space<vmem>> -> memref<1x80xi32, #tpu.memory_space<vmem>>
      %dma_wait3A_50 = tpu.memref_squeeze %dma_wait3A_49 : memref<1x80xi32, #tpu.memory_space<vmem>> -> memref<80xi32, #tpu.memory_space<vmem>>
      %dma_wait3A_51 = arith.constant 0 : i32
      %dma_wait3A_52 = arith.constant 0 : i32
      %dma_wait3A_53 = tpu.memref_slice %arg7[%dma_wait3A_51, %dma_wait3A_52] : memref<10240x16xf32, #tpu.memory_space<vmem_shared>> -> memref<10240x16xf32, #tpu.memory_space<vmem_shared>>
      tpu.wait_indirect_dma semaphore(%arg8 : memref<!tpu.dma_semaphore, #tpu.memory_space<semaphore_mem>>) src(%arg5 : memref<80x16xf32, #tpu.memory_space<vmem>>) dst(%dma_wait3A_53 : memref<10240x16xf32, #tpu.memory_space<vmem_shared>>)
    }
    %scan3A_35 = arith.constant 125 : i32
    %barrier3A_36 = arith.constant 0 : index
    tpu.barrier barrier_id(%barrier3A_36)
    %add3A_37 = arith.constant 0 : i32
    %add3A_38 = arith.addi %mul3A_2, %add3A_37 : i32
    "tpu.region"() ({
      %run_scoped3A = tpu.sem_alloc : memref<!tpu.dma_semaphore, #tpu.memory_space<semaphore_mem>>
      %dma_start3A = arith.constant 0 : i32
      %dma_start3A_47 = arith.constant 0 : i32
      %dma_start3A_48 = tpu.memref_slice %arg3[%arg0, %dma_start3A, %dma_start3A_47] : memref<2x10240x16xf32, #tpu.memory_space<hbm>> -> memref<1x10240x16xf32, #tpu.memory_space<hbm>>
      %dma_start3A_49 = tpu.memref_squeeze %dma_start3A_48 : memref<1x10240x16xf32, #tpu.memory_space<hbm>> -> memref<10240x16xf32, #tpu.memory_space<hbm>>
      %dma_start3A_50 = arith.constant 0 : i32
      %dma_start3A_51 = tpu.memref_slice %dma_start3A_49[%add3A_38, %dma_start3A_50] : memref<10240x16xf32, #tpu.memory_space<hbm>> -> memref<128x16xf32, #tpu.memory_space<hbm>>
      %dma_start3A_52 = arith.constant 0 : i32
      %dma_start3A_53 = tpu.memref_slice %arg7[%add3A_38, %dma_start3A_52] : memref<10240x16xf32, #tpu.memory_space<vmem_shared>> -> memref<128x16xf32, #tpu.memory_space<vmem_shared>>
      tpu.enqueue_dma source(%dma_start3A_53 : memref<128x16xf32, #tpu.memory_space<vmem_shared>>) target(%dma_start3A_51 : memref<128x16xf32, #tpu.memory_space<hbm>>) target_semaphore(%run_scoped3A : memref<!tpu.dma_semaphore, #tpu.memory_space<semaphore_mem>>)
      %dma_wait3A = arith.constant 0 : i32
      %dma_wait3A_54 = arith.constant 0 : i32
      %dma_wait3A_55 = tpu.memref_slice %arg3[%arg0, %dma_wait3A, %dma_wait3A_54] : memref<2x10240x16xf32, #tpu.memory_space<hbm>> -> memref<1x10240x16xf32, #tpu.memory_space<hbm>>
      %dma_wait3A_56 = tpu.memref_squeeze %dma_wait3A_55 : memref<1x10240x16xf32, #tpu.memory_space<hbm>> -> memref<10240x16xf32, #tpu.memory_space<hbm>>
      %dma_wait3A_57 = arith.constant 0 : i32
      %dma_wait3A_58 = tpu.memref_slice %dma_wait3A_56[%add3A_38, %dma_wait3A_57] : memref<10240x16xf32, #tpu.memory_space<hbm>> -> memref<128x16xf32, #tpu.memory_space<hbm>>
      %dma_wait3A_59 = arith.constant 0 : i32
      %dma_wait3A_60 = tpu.memref_slice %arg7[%add3A_38, %dma_wait3A_59] : memref<10240x16xf32, #tpu.memory_space<vmem_shared>> -> memref<128x16xf32, #tpu.memory_space<vmem_shared>>
      tpu.wait_dma2 semaphore(%run_scoped3A : memref<!tpu.dma_semaphore, #tpu.memory_space<semaphore_mem>>) src(%dma_wait3A_60 : memref<128x16xf32, #tpu.memory_space<vmem_shared>>) dst(%dma_wait3A_58 : memref<128x16xf32, #tpu.memory_space<hbm>>)
      tpu.yield
    }) : () -> ()
    %add3A_39 = arith.constant 128 : i32
    %add3A_40 = arith.addi %mul3A_2, %add3A_39 : i32
    "tpu.region"() ({
      %run_scoped3A = tpu.sem_alloc : memref<!tpu.dma_semaphore, #tpu.memory_space<semaphore_mem>>
      %dma_start3A = arith.constant 0 : i32
      %dma_start3A_47 = arith.constant 0 : i32
      %dma_start3A_48 = tpu.memref_slice %arg3[%arg0, %dma_start3A, %dma_start3A_47] : memref<2x10240x16xf32, #tpu.memory_space<hbm>> -> memref<1x10240x16xf32, #tpu.memory_space<hbm>>
      %dma_start3A_49 = tpu.memref_squeeze %dma_start3A_48 : memref<1x10240x16xf32, #tpu.memory_space<hbm>> -> memref<10240x16xf32, #tpu.memory_space<hbm>>
      %dma_start3A_50 = arith.constant 0 : i32
      %dma_start3A_51 = tpu.memref_slice %dma_start3A_49[%add3A_40, %dma_start3A_50] : memref<10240x16xf32, #tpu.memory_space<hbm>> -> memref<128x16xf32, #tpu.memory_space<hbm>>
      %dma_start3A_52 = arith.constant 0 : i32
      %dma_start3A_53 = tpu.memref_slice %arg7[%add3A_40, %dma_start3A_52] : memref<10240x16xf32, #tpu.memory_space<vmem_shared>> -> memref<128x16xf32, #tpu.memory_space<vmem_shared>>
      tpu.enqueue_dma source(%dma_start3A_53 : memref<128x16xf32, #tpu.memory_space<vmem_shared>>) target(%dma_start3A_51 : memref<128x16xf32, #tpu.memory_space<hbm>>) target_semaphore(%run_scoped3A : memref<!tpu.dma_semaphore, #tpu.memory_space<semaphore_mem>>)
      %dma_wait3A = arith.constant 0 : i32
      %dma_wait3A_54 = arith.constant 0 : i32
      %dma_wait3A_55 = tpu.memref_slice %arg3[%arg0, %dma_wait3A, %dma_wait3A_54] : memref<2x10240x16xf32, #tpu.memory_space<hbm>> -> memref<1x10240x16xf32, #tpu.memory_space<hbm>>
      %dma_wait3A_56 = tpu.memref_squeeze %dma_wait3A_55 : memref<1x10240x16xf32, #tpu.memory_space<hbm>> -> memref<10240x16xf32, #tpu.memory_space<hbm>>
      %dma_wait3A_57 = arith.constant 0 : i32
      %dma_wait3A_58 = tpu.memref_slice %dma_wait3A_56[%add3A_40, %dma_wait3A_57] : memref<10240x16xf32, #tpu.memory_space<hbm>> -> memref<128x16xf32, #tpu.memory_space<hbm>>
      %dma_wait3A_59 = arith.constant 0 : i32
      %dma_wait3A_60 = tpu.memref_slice %arg7[%add3A_40, %dma_wait3A_59] : memref<10240x16xf32, #tpu.memory_space<vmem_shared>> -> memref<128x16xf32, #tpu.memory_space<vmem_shared>>
      tpu.wait_dma2 semaphore(%run_scoped3A : memref<!tpu.dma_semaphore, #tpu.memory_space<semaphore_mem>>) src(%dma_wait3A_60 : memref<128x16xf32, #tpu.memory_space<vmem_shared>>) dst(%dma_wait3A_58 : memref<128x16xf32, #tpu.memory_space<hbm>>)
      tpu.yield
    }) : () -> ()
    %add3A_41 = arith.constant 256 : i32
    %add3A_42 = arith.addi %mul3A_2, %add3A_41 : i32
    "tpu.region"() ({
      %run_scoped3A = tpu.sem_alloc : memref<!tpu.dma_semaphore, #tpu.memory_space<semaphore_mem>>
      %dma_start3A = arith.constant 0 : i32
      %dma_start3A_47 = arith.constant 0 : i32
      %dma_start3A_48 = tpu.memref_slice %arg3[%arg0, %dma_start3A, %dma_start3A_47] : memref<2x10240x16xf32, #tpu.memory_space<hbm>> -> memref<1x10240x16xf32, #tpu.memory_space<hbm>>
      %dma_start3A_49 = tpu.memref_squeeze %dma_start3A_48 : memref<1x10240x16xf32, #tpu.memory_space<hbm>> -> memref<10240x16xf32, #tpu.memory_space<hbm>>
      %dma_start3A_50 = arith.constant 0 : i32
      %dma_start3A_51 = tpu.memref_slice %dma_start3A_49[%add3A_42, %dma_start3A_50] : memref<10240x16xf32, #tpu.memory_space<hbm>> -> memref<128x16xf32, #tpu.memory_space<hbm>>
      %dma_start3A_52 = arith.constant 0 : i32
      %dma_start3A_53 = tpu.memref_slice %arg7[%add3A_42, %dma_start3A_52] : memref<10240x16xf32, #tpu.memory_space<vmem_shared>> -> memref<128x16xf32, #tpu.memory_space<vmem_shared>>
      tpu.enqueue_dma source(%dma_start3A_53 : memref<128x16xf32, #tpu.memory_space<vmem_shared>>) target(%dma_start3A_51 : memref<128x16xf32, #tpu.memory_space<hbm>>) target_semaphore(%run_scoped3A : memref<!tpu.dma_semaphore, #tpu.memory_space<semaphore_mem>>)
      %dma_wait3A = arith.constant 0 : i32
      %dma_wait3A_54 = arith.constant 0 : i32
      %dma_wait3A_55 = tpu.memref_slice %arg3[%arg0, %dma_wait3A, %dma_wait3A_54] : memref<2x10240x16xf32, #tpu.memory_space<hbm>> -> memref<1x10240x16xf32, #tpu.memory_space<hbm>>
      %dma_wait3A_56 = tpu.memref_squeeze %dma_wait3A_55 : memref<1x10240x16xf32, #tpu.memory_space<hbm>> -> memref<10240x16xf32, #tpu.memory_space<hbm>>
      %dma_wait3A_57 = arith.constant 0 : i32
      %dma_wait3A_58 = tpu.memref_slice %dma_wait3A_56[%add3A_42, %dma_wait3A_57] : memref<10240x16xf32, #tpu.memory_space<hbm>> -> memref<128x16xf32, #tpu.memory_space<hbm>>
      %dma_wait3A_59 = arith.constant 0 : i32
      %dma_wait3A_60 = tpu.memref_slice %arg7[%add3A_42, %dma_wait3A_59] : memref<10240x16xf32, #tpu.memory_space<vmem_shared>> -> memref<128x16xf32, #tpu.memory_space<vmem_shared>>
      tpu.wait_dma2 semaphore(%run_scoped3A : memref<!tpu.dma_semaphore, #tpu.memory_space<semaphore_mem>>) src(%dma_wait3A_60 : memref<128x16xf32, #tpu.memory_space<vmem_shared>>) dst(%dma_wait3A_58 : memref<128x16xf32, #tpu.memory_space<hbm>>)
      tpu.yield
    }) : () -> ()
    %add3A_43 = arith.constant 384 : i32
    %add3A_44 = arith.addi %mul3A_2, %add3A_43 : i32
    "tpu.region"() ({
      %run_scoped3A = tpu.sem_alloc : memref<!tpu.dma_semaphore, #tpu.memory_space<semaphore_mem>>
      %dma_start3A = arith.constant 0 : i32
      %dma_start3A_47 = arith.constant 0 : i32
      %dma_start3A_48 = tpu.memref_slice %arg3[%arg0, %dma_start3A, %dma_start3A_47] : memref<2x10240x16xf32, #tpu.memory_space<hbm>> -> memref<1x10240x16xf32, #tpu.memory_space<hbm>>
      %dma_start3A_49 = tpu.memref_squeeze %dma_start3A_48 : memref<1x10240x16xf32, #tpu.memory_space<hbm>> -> memref<10240x16xf32, #tpu.memory_space<hbm>>
      %dma_start3A_50 = arith.constant 0 : i32
      %dma_start3A_51 = tpu.memref_slice %dma_start3A_49[%add3A_44, %dma_start3A_50] : memref<10240x16xf32, #tpu.memory_space<hbm>> -> memref<128x16xf32, #tpu.memory_space<hbm>>
      %dma_start3A_52 = arith.constant 0 : i32
      %dma_start3A_53 = tpu.memref_slice %arg7[%add3A_44, %dma_start3A_52] : memref<10240x16xf32, #tpu.memory_space<vmem_shared>> -> memref<128x16xf32, #tpu.memory_space<vmem_shared>>
      tpu.enqueue_dma source(%dma_start3A_53 : memref<128x16xf32, #tpu.memory_space<vmem_shared>>) target(%dma_start3A_51 : memref<128x16xf32, #tpu.memory_space<hbm>>) target_semaphore(%run_scoped3A : memref<!tpu.dma_semaphore, #tpu.memory_space<semaphore_mem>>)
      %dma_wait3A = arith.constant 0 : i32
      %dma_wait3A_54 = arith.constant 0 : i32
      %dma_wait3A_55 = tpu.memref_slice %arg3[%arg0, %dma_wait3A, %dma_wait3A_54] : memref<2x10240x16xf32, #tpu.memory_space<hbm>> -> memref<1x10240x16xf32, #tpu.memory_space<hbm>>
      %dma_wait3A_56 = tpu.memref_squeeze %dma_wait3A_55 : memref<1x10240x16xf32, #tpu.memory_space<hbm>> -> memref<10240x16xf32, #tpu.memory_space<hbm>>
      %dma_wait3A_57 = arith.constant 0 : i32
      %dma_wait3A_58 = tpu.memref_slice %dma_wait3A_56[%add3A_44, %dma_wait3A_57] : memref<10240x16xf32, #tpu.memory_space<hbm>> -> memref<128x16xf32, #tpu.memory_space<hbm>>
      %dma_wait3A_59 = arith.constant 0 : i32
      %dma_wait3A_60 = tpu.memref_slice %arg7[%add3A_44, %dma_wait3A_59] : memref<10240x16xf32, #tpu.memory_space<vmem_shared>> -> memref<128x16xf32, #tpu.memory_space<vmem_shared>>
      tpu.wait_dma2 semaphore(%run_scoped3A : memref<!tpu.dma_semaphore, #tpu.memory_space<semaphore_mem>>) src(%dma_wait3A_60 : memref<128x16xf32, #tpu.memory_space<vmem_shared>>) dst(%dma_wait3A_58 : memref<128x16xf32, #tpu.memory_space<hbm>>)
      tpu.yield
    }) : () -> ()
    %add3A_45 = arith.constant 512 : i32
    %add3A_46 = arith.addi %mul3A_2, %add3A_45 : i32
    "tpu.region"() ({
      %run_scoped3A = tpu.sem_alloc : memref<!tpu.dma_semaphore, #tpu.memory_space<semaphore_mem>>
      %dma_start3A = arith.constant 0 : i32
      %dma_start3A_47 = arith.constant 0 : i32
      %dma_start3A_48 = tpu.memref_slice %arg3[%arg0, %dma_start3A, %dma_start3A_47] : memref<2x10240x16xf32, #tpu.memory_space<hbm>> -> memref<1x10240x16xf32, #tpu.memory_space<hbm>>
      %dma_start3A_49 = tpu.memref_squeeze %dma_start3A_48 : memref<1x10240x16xf32, #tpu.memory_space<hbm>> -> memref<10240x16xf32, #tpu.memory_space<hbm>>
      %dma_start3A_50 = arith.constant 0 : i32
      %dma_start3A_51 = tpu.memref_slice %dma_start3A_49[%add3A_46, %dma_start3A_50] : memref<10240x16xf32, #tpu.memory_space<hbm>> -> memref<128x16xf32, #tpu.memory_space<hbm>>
      %dma_start3A_52 = arith.constant 0 : i32
      %dma_start3A_53 = tpu.memref_slice %arg7[%add3A_46, %dma_start3A_52] : memref<10240x16xf32, #tpu.memory_space<vmem_shared>> -> memref<128x16xf32, #tpu.memory_space<vmem_shared>>
      tpu.enqueue_dma source(%dma_start3A_53 : memref<128x16xf32, #tpu.memory_space<vmem_shared>>) target(%dma_start3A_51 : memref<128x16xf32, #tpu.memory_space<hbm>>) target_semaphore(%run_scoped3A : memref<!tpu.dma_semaphore, #tpu.memory_space<semaphore_mem>>)
      %dma_wait3A = arith.constant 0 : i32
      %dma_wait3A_54 = arith.constant 0 : i32
      %dma_wait3A_55 = tpu.memref_slice %arg3[%arg0, %dma_wait3A, %dma_wait3A_54] : memref<2x10240x16xf32, #tpu.memory_space<hbm>> -> memref<1x10240x16xf32, #tpu.memory_space<hbm>>
      %dma_wait3A_56 = tpu.memref_squeeze %dma_wait3A_55 : memref<1x10240x16xf32, #tpu.memory_space<hbm>> -> memref<10240x16xf32, #tpu.memory_space<hbm>>
      %dma_wait3A_57 = arith.constant 0 : i32
      %dma_wait3A_58 = tpu.memref_slice %dma_wait3A_56[%add3A_46, %dma_wait3A_57] : memref<10240x16xf32, #tpu.memory_space<hbm>> -> memref<128x16xf32, #tpu.memory_space<hbm>>
      %dma_wait3A_59 = arith.constant 0 : i32
      %dma_wait3A_60 = tpu.memref_slice %arg7[%add3A_46, %dma_wait3A_59] : memref<10240x16xf32, #tpu.memory_space<vmem_shared>> -> memref<128x16xf32, #tpu.memory_space<vmem_shared>>
      tpu.wait_dma2 semaphore(%run_scoped3A : memref<!tpu.dma_semaphore, #tpu.memory_space<semaphore_mem>>) src(%dma_wait3A_60 : memref<128x16xf32, #tpu.memory_space<vmem_shared>>) dst(%dma_wait3A_58 : memref<128x16xf32, #tpu.memory_space<hbm>>)
      tpu.yield
    }) : () -> ()
    return
  }
}

#map = affine_map<(d0, d1) -> (0, 0)>
#map1 = affine_map<(d0, d1) -> (0, 0, 0)>
module attributes {stable_mosaic.version = 14 : i64} {
  func.func @body(%arg0: i32, %arg1: i32, %arg2: memref<10000x128xf32, #tpu.memory_space<hbm>>, %arg3: memref<32x125x80xi32, #tpu.memory_space<hbm>>, %arg4: memref<32x125x80xi32, #tpu.memory_space<hbm>>, %arg5: memref<2x10240x128xf32, #tpu.memory_space<hbm>>, %arg6: memref<125x80xi32, #tpu.memory_space<vmem>>, %arg7: memref<125x80xi32, #tpu.memory_space<vmem>>, %arg8: memref<80x128xf32, #tpu.memory_space<vmem>>, %arg9: memref<80x128xf32, #tpu.memory_space<vmem>>, %arg10: memref<10240x128xf32, #tpu.memory_space<vmem_shared>>, %arg11: memref<!tpu.dma_semaphore, #tpu.memory_space<semaphore_mem>>, %arg12: memref<!tpu.dma_semaphore, #tpu.memory_space<semaphore_mem>>) attributes {dimension_semantics = [#tpu.dimension_semantics<core_parallel>, #tpu.dimension_semantics<subcore_parallel>], iteration_bounds = array<i64: 2, 16>, scalar_prefetch = 0 : i64, scratch_operands = 7 : i64, tpu.core_type = #tpu.core_type<sc_vector_subcore>, window_params = [{transform_indices = #map}, {transform_indices = #map1}, {transform_indices = #map1}, {transform_indices = #map1}]} {
    %mul3A = arith.constant 16 : i32
    %mul3A_0 = arith.muli %arg0, %mul3A : i32
    %add3A = arith.addi %mul3A_0, %arg1 : i32
    %mul3A_1 = arith.constant 640 : i32
    %mul3A_2 = arith.muli %arg1, %mul3A_1 : i32
    %scan3A = arith.constant 0 : i32
    %scan3A_3 = arith.constant 0 : i32
    %scan3A_4 = arith.constant 80 : i32
    %scan3A_5 = arith.addi %scan3A_3, %scan3A_4 : i32
    %scan3A_6 = arith.constant 1 : i32
    scf.for %scan3A_53 = %scan3A_3 to %scan3A_5 step %scan3A_6  : i32 {
      %broadcast_in_dim3A = arith.constant 0.000000e+00 : f32
      %broadcast_in_dim3A_54 = vector.broadcast %broadcast_in_dim3A : f32 to vector<16xf32>
      %swap3A = arith.index_cast %scan3A_53 : i32 to index
      %swap3A_55 = arith.constant 0 : index
      %swap3A_56 = tpu.vector_load %arg8[%swap3A, %swap3A_55] {strides = array<i32>} : memref<80x128xf32, #tpu.memory_space<vmem>>, vector<1x16xf32>,
      %swap3A_57 = vector.shape_cast %swap3A_56 : vector<1x16xf32> to vector<16xf32>
      %swap3A_58 = vector.shape_cast %broadcast_in_dim3A_54 : vector<16xf32> to vector<1x16xf32>
      tpu.vector_store %arg8[%swap3A, %swap3A_55], %swap3A_58 {strides = array<i32>} : memref<80x128xf32, #tpu.memory_space<vmem>>, vector<1x16xf32>,
      %broadcast_in_dim3A_59 = arith.constant 0.000000e+00 : f32
      %broadcast_in_dim3A_60 = vector.broadcast %broadcast_in_dim3A_59 : f32 to vector<16xf32>
      %swap3A_61 = arith.index_cast %scan3A_53 : i32 to index
      %swap3A_62 = arith.constant 16 : index
      %swap3A_63 = tpu.vector_load %arg8[%swap3A_61, %swap3A_62] {strides = array<i32>} : memref<80x128xf32, #tpu.memory_space<vmem>>, vector<1x16xf32>,
      %swap3A_64 = vector.shape_cast %swap3A_63 : vector<1x16xf32> to vector<16xf32>
      %swap3A_65 = vector.shape_cast %broadcast_in_dim3A_60 : vector<16xf32> to vector<1x16xf32>
      tpu.vector_store %arg8[%swap3A_61, %swap3A_62], %swap3A_65 {strides = array<i32>} : memref<80x128xf32, #tpu.memory_space<vmem>>, vector<1x16xf32>,
      %broadcast_in_dim3A_66 = arith.constant 0.000000e+00 : f32
      %broadcast_in_dim3A_67 = vector.broadcast %broadcast_in_dim3A_66 : f32 to vector<16xf32>
      %swap3A_68 = arith.index_cast %scan3A_53 : i32 to index
      %swap3A_69 = arith.constant 32 : index
      %swap3A_70 = tpu.vector_load %arg8[%swap3A_68, %swap3A_69] {strides = array<i32>} : memref<80x128xf32, #tpu.memory_space<vmem>>, vector<1x16xf32>,
      %swap3A_71 = vector.shape_cast %swap3A_70 : vector<1x16xf32> to vector<16xf32>
      %swap3A_72 = vector.shape_cast %broadcast_in_dim3A_67 : vector<16xf32> to vector<1x16xf32>
      tpu.vector_store %arg8[%swap3A_68, %swap3A_69], %swap3A_72 {strides = array<i32>} : memref<80x128xf32, #tpu.memory_space<vmem>>, vector<1x16xf32>,
      %broadcast_in_dim3A_73 = arith.constant 0.000000e+00 : f32
      %broadcast_in_dim3A_74 = vector.broadcast %broadcast_in_dim3A_73 : f32 to vector<16xf32>
      %swap3A_75 = arith.index_cast %scan3A_53 : i32 to index
      %swap3A_76 = arith.constant 48 : index
      %swap3A_77 = tpu.vector_load %arg8[%swap3A_75, %swap3A_76] {strides = array<i32>} : memref<80x128xf32, #tpu.memory_space<vmem>>, vector<1x16xf32>,
      %swap3A_78 = vector.shape_cast %swap3A_77 : vector<1x16xf32> to vector<16xf32>
      %swap3A_79 = vector.shape_cast %broadcast_in_dim3A_74 : vector<16xf32> to vector<1x16xf32>
      tpu.vector_store %arg8[%swap3A_75, %swap3A_76], %swap3A_79 {strides = array<i32>} : memref<80x128xf32, #tpu.memory_space<vmem>>, vector<1x16xf32>,
      %broadcast_in_dim3A_80 = arith.constant 0.000000e+00 : f32
      %broadcast_in_dim3A_81 = vector.broadcast %broadcast_in_dim3A_80 : f32 to vector<16xf32>
      %swap3A_82 = arith.index_cast %scan3A_53 : i32 to index
      %swap3A_83 = arith.constant 64 : index
      %swap3A_84 = tpu.vector_load %arg8[%swap3A_82, %swap3A_83] {strides = array<i32>} : memref<80x128xf32, #tpu.memory_space<vmem>>, vector<1x16xf32>,
      %swap3A_85 = vector.shape_cast %swap3A_84 : vector<1x16xf32> to vector<16xf32>
      %swap3A_86 = vector.shape_cast %broadcast_in_dim3A_81 : vector<16xf32> to vector<1x16xf32>
      tpu.vector_store %arg8[%swap3A_82, %swap3A_83], %swap3A_86 {strides = array<i32>} : memref<80x128xf32, #tpu.memory_space<vmem>>, vector<1x16xf32>,
      %broadcast_in_dim3A_87 = arith.constant 0.000000e+00 : f32
      %broadcast_in_dim3A_88 = vector.broadcast %broadcast_in_dim3A_87 : f32 to vector<16xf32>
      %swap3A_89 = arith.index_cast %scan3A_53 : i32 to index
      %swap3A_90 = arith.constant 80 : index
      %swap3A_91 = tpu.vector_load %arg8[%swap3A_89, %swap3A_90] {strides = array<i32>} : memref<80x128xf32, #tpu.memory_space<vmem>>, vector<1x16xf32>,
      %swap3A_92 = vector.shape_cast %swap3A_91 : vector<1x16xf32> to vector<16xf32>
      %swap3A_93 = vector.shape_cast %broadcast_in_dim3A_88 : vector<16xf32> to vector<1x16xf32>
      tpu.vector_store %arg8[%swap3A_89, %swap3A_90], %swap3A_93 {strides = array<i32>} : memref<80x128xf32, #tpu.memory_space<vmem>>, vector<1x16xf32>,
      %broadcast_in_dim3A_94 = arith.constant 0.000000e+00 : f32
      %broadcast_in_dim3A_95 = vector.broadcast %broadcast_in_dim3A_94 : f32 to vector<16xf32>
      %swap3A_96 = arith.index_cast %scan3A_53 : i32 to index
      %swap3A_97 = arith.constant 96 : index
      %swap3A_98 = tpu.vector_load %arg8[%swap3A_96, %swap3A_97] {strides = array<i32>} : memref<80x128xf32, #tpu.memory_space<vmem>>, vector<1x16xf32>,
      %swap3A_99 = vector.shape_cast %swap3A_98 : vector<1x16xf32> to vector<16xf32>
      %swap3A_100 = vector.shape_cast %broadcast_in_dim3A_95 : vector<16xf32> to vector<1x16xf32>
      tpu.vector_store %arg8[%swap3A_96, %swap3A_97], %swap3A_100 {strides = array<i32>} : memref<80x128xf32, #tpu.memory_space<vmem>>, vector<1x16xf32>,
      %broadcast_in_dim3A_101 = arith.constant 0.000000e+00 : f32
      %broadcast_in_dim3A_102 = vector.broadcast %broadcast_in_dim3A_101 : f32 to vector<16xf32>
      %swap3A_103 = arith.index_cast %scan3A_53 : i32 to index
      %swap3A_104 = arith.constant 112 : index
      %swap3A_105 = tpu.vector_load %arg8[%swap3A_103, %swap3A_104] {strides = array<i32>} : memref<80x128xf32, #tpu.memory_space<vmem>>, vector<1x16xf32>,
      %swap3A_106 = vector.shape_cast %swap3A_105 : vector<1x16xf32> to vector<16xf32>
      %swap3A_107 = vector.shape_cast %broadcast_in_dim3A_102 : vector<16xf32> to vector<1x16xf32>
      tpu.vector_store %arg8[%swap3A_103, %swap3A_104], %swap3A_107 {strides = array<i32>} : memref<80x128xf32, #tpu.memory_space<vmem>>, vector<1x16xf32>,
    }
    %scan3A_7 = arith.constant 80 : i32
    %add3A_8 = arith.constant 0 : i32
    %add3A_9 = arith.addi %mul3A_2, %add3A_8 : i32
    "tpu.region"() ({
      %run_scoped3A_53 = tpu.sem_alloc : memref<!tpu.dma_semaphore, #tpu.memory_space<semaphore_mem>>
      %dma_start3A_54 = arith.constant 0 : i32
      %dma_start3A_55 = tpu.memref_slice %arg10[%add3A_9, %dma_start3A_54] : memref<10240x128xf32, #tpu.memory_space<vmem_shared>> -> memref<80x128xf32, #tpu.memory_space<vmem_shared>>
      %dma_start3A_56 = arith.constant 0 : i32
      %dma_start3A_57 = tpu.memref_slice %arg10[%add3A_9, %dma_start3A_56] : memref<10240x128xf32, #tpu.memory_space<vmem_shared>> -> memref<80x128xf32, #tpu.memory_space<vmem_shared>>
      tpu.enqueue_dma source(%arg8 : memref<80x128xf32, #tpu.memory_space<vmem>>) target(%dma_start3A_57 : memref<80x128xf32, #tpu.memory_space<vmem_shared>>) target_semaphore(%run_scoped3A_53 : memref<!tpu.dma_semaphore, #tpu.memory_space<semaphore_mem>>)
      %dma_wait3A_58 = arith.constant 0 : i32
      %dma_wait3A_59 = tpu.memref_slice %arg10[%add3A_9, %dma_wait3A_58] : memref<10240x128xf32, #tpu.memory_space<vmem_shared>> -> memref<80x128xf32, #tpu.memory_space<vmem_shared>>
      %dma_wait3A_60 = arith.constant 0 : i32
      %dma_wait3A_61 = tpu.memref_slice %arg10[%add3A_9, %dma_wait3A_60] : memref<10240x128xf32, #tpu.memory_space<vmem_shared>> -> memref<80x128xf32, #tpu.memory_space<vmem_shared>>
      tpu.wait_dma2 semaphore(%run_scoped3A_53 : memref<!tpu.dma_semaphore, #tpu.memory_space<semaphore_mem>>) src(%arg8 : memref<80x128xf32, #tpu.memory_space<vmem>>) dst(%dma_wait3A_61 : memref<80x128xf32, #tpu.memory_space<vmem_shared>>)
      tpu.yield
    }) : () -> ()
    %add3A_10 = arith.constant 80 : i32
    %add3A_11 = arith.addi %mul3A_2, %add3A_10 : i32
    "tpu.region"() ({
      %run_scoped3A_53 = tpu.sem_alloc : memref<!tpu.dma_semaphore, #tpu.memory_space<semaphore_mem>>
      %dma_start3A_54 = arith.constant 0 : i32
      %dma_start3A_55 = tpu.memref_slice %arg10[%add3A_11, %dma_start3A_54] : memref<10240x128xf32, #tpu.memory_space<vmem_shared>> -> memref<80x128xf32, #tpu.memory_space<vmem_shared>>
      %dma_start3A_56 = arith.constant 0 : i32
      %dma_start3A_57 = tpu.memref_slice %arg10[%add3A_11, %dma_start3A_56] : memref<10240x128xf32, #tpu.memory_space<vmem_shared>> -> memref<80x128xf32, #tpu.memory_space<vmem_shared>>
      tpu.enqueue_dma source(%arg8 : memref<80x128xf32, #tpu.memory_space<vmem>>) target(%dma_start3A_57 : memref<80x128xf32, #tpu.memory_space<vmem_shared>>) target_semaphore(%run_scoped3A_53 : memref<!tpu.dma_semaphore, #tpu.memory_space<semaphore_mem>>)
      %dma_wait3A_58 = arith.constant 0 : i32
      %dma_wait3A_59 = tpu.memref_slice %arg10[%add3A_11, %dma_wait3A_58] : memref<10240x128xf32, #tpu.memory_space<vmem_shared>> -> memref<80x128xf32, #tpu.memory_space<vmem_shared>>
      %dma_wait3A_60 = arith.constant 0 : i32
      %dma_wait3A_61 = tpu.memref_slice %arg10[%add3A_11, %dma_wait3A_60] : memref<10240x128xf32, #tpu.memory_space<vmem_shared>> -> memref<80x128xf32, #tpu.memory_space<vmem_shared>>
      tpu.wait_dma2 semaphore(%run_scoped3A_53 : memref<!tpu.dma_semaphore, #tpu.memory_space<semaphore_mem>>) src(%arg8 : memref<80x128xf32, #tpu.memory_space<vmem>>) dst(%dma_wait3A_61 : memref<80x128xf32, #tpu.memory_space<vmem_shared>>)
      tpu.yield
    }) : () -> ()
    %add3A_12 = arith.constant 160 : i32
    %add3A_13 = arith.addi %mul3A_2, %add3A_12 : i32
    "tpu.region"() ({
      %run_scoped3A_53 = tpu.sem_alloc : memref<!tpu.dma_semaphore, #tpu.memory_space<semaphore_mem>>
      %dma_start3A_54 = arith.constant 0 : i32
      %dma_start3A_55 = tpu.memref_slice %arg10[%add3A_13, %dma_start3A_54] : memref<10240x128xf32, #tpu.memory_space<vmem_shared>> -> memref<80x128xf32, #tpu.memory_space<vmem_shared>>
      %dma_start3A_56 = arith.constant 0 : i32
      %dma_start3A_57 = tpu.memref_slice %arg10[%add3A_13, %dma_start3A_56] : memref<10240x128xf32, #tpu.memory_space<vmem_shared>> -> memref<80x128xf32, #tpu.memory_space<vmem_shared>>
      tpu.enqueue_dma source(%arg8 : memref<80x128xf32, #tpu.memory_space<vmem>>) target(%dma_start3A_57 : memref<80x128xf32, #tpu.memory_space<vmem_shared>>) target_semaphore(%run_scoped3A_53 : memref<!tpu.dma_semaphore, #tpu.memory_space<semaphore_mem>>)
      %dma_wait3A_58 = arith.constant 0 : i32
      %dma_wait3A_59 = tpu.memref_slice %arg10[%add3A_13, %dma_wait3A_58] : memref<10240x128xf32, #tpu.memory_space<vmem_shared>> -> memref<80x128xf32, #tpu.memory_space<vmem_shared>>
      %dma_wait3A_60 = arith.constant 0 : i32
      %dma_wait3A_61 = tpu.memref_slice %arg10[%add3A_13, %dma_wait3A_60] : memref<10240x128xf32, #tpu.memory_space<vmem_shared>> -> memref<80x128xf32, #tpu.memory_space<vmem_shared>>
      tpu.wait_dma2 semaphore(%run_scoped3A_53 : memref<!tpu.dma_semaphore, #tpu.memory_space<semaphore_mem>>) src(%arg8 : memref<80x128xf32, #tpu.memory_space<vmem>>) dst(%dma_wait3A_61 : memref<80x128xf32, #tpu.memory_space<vmem_shared>>)
      tpu.yield
    }) : () -> ()
    %add3A_14 = arith.constant 240 : i32
    %add3A_15 = arith.addi %mul3A_2, %add3A_14 : i32
    "tpu.region"() ({
      %run_scoped3A_53 = tpu.sem_alloc : memref<!tpu.dma_semaphore, #tpu.memory_space<semaphore_mem>>
      %dma_start3A_54 = arith.constant 0 : i32
      %dma_start3A_55 = tpu.memref_slice %arg10[%add3A_15, %dma_start3A_54] : memref<10240x128xf32, #tpu.memory_space<vmem_shared>> -> memref<80x128xf32, #tpu.memory_space<vmem_shared>>
      %dma_start3A_56 = arith.constant 0 : i32
      %dma_start3A_57 = tpu.memref_slice %arg10[%add3A_15, %dma_start3A_56] : memref<10240x128xf32, #tpu.memory_space<vmem_shared>> -> memref<80x128xf32, #tpu.memory_space<vmem_shared>>
      tpu.enqueue_dma source(%arg8 : memref<80x128xf32, #tpu.memory_space<vmem>>) target(%dma_start3A_57 : memref<80x128xf32, #tpu.memory_space<vmem_shared>>) target_semaphore(%run_scoped3A_53 : memref<!tpu.dma_semaphore, #tpu.memory_space<semaphore_mem>>)
      %dma_wait3A_58 = arith.constant 0 : i32
      %dma_wait3A_59 = tpu.memref_slice %arg10[%add3A_15, %dma_wait3A_58] : memref<10240x128xf32, #tpu.memory_space<vmem_shared>> -> memref<80x128xf32, #tpu.memory_space<vmem_shared>>
      %dma_wait3A_60 = arith.constant 0 : i32
      %dma_wait3A_61 = tpu.memref_slice %arg10[%add3A_15, %dma_wait3A_60] : memref<10240x128xf32, #tpu.memory_space<vmem_shared>> -> memref<80x128xf32, #tpu.memory_space<vmem_shared>>
      tpu.wait_dma2 semaphore(%run_scoped3A_53 : memref<!tpu.dma_semaphore, #tpu.memory_space<semaphore_mem>>) src(%arg8 : memref<80x128xf32, #tpu.memory_space<vmem>>) dst(%dma_wait3A_61 : memref<80x128xf32, #tpu.memory_space<vmem_shared>>)
      tpu.yield
    }) : () -> ()
    %add3A_16 = arith.constant 320 : i32
    %add3A_17 = arith.addi %mul3A_2, %add3A_16 : i32
    "tpu.region"() ({
      %run_scoped3A_53 = tpu.sem_alloc : memref<!tpu.dma_semaphore, #tpu.memory_space<semaphore_mem>>
      %dma_start3A_54 = arith.constant 0 : i32
      %dma_start3A_55 = tpu.memref_slice %arg10[%add3A_17, %dma_start3A_54] : memref<10240x128xf32, #tpu.memory_space<vmem_shared>> -> memref<80x128xf32, #tpu.memory_space<vmem_shared>>
      %dma_start3A_56 = arith.constant 0 : i32
      %dma_start3A_57 = tpu.memref_slice %arg10[%add3A_17, %dma_start3A_56] : memref<10240x128xf32, #tpu.memory_space<vmem_shared>> -> memref<80x128xf32, #tpu.memory_space<vmem_shared>>
      tpu.enqueue_dma source(%arg8 : memref<80x128xf32, #tpu.memory_space<vmem>>) target(%dma_start3A_57 : memref<80x128xf32, #tpu.memory_space<vmem_shared>>) target_semaphore(%run_scoped3A_53 : memref<!tpu.dma_semaphore, #tpu.memory_space<semaphore_mem>>)
      %dma_wait3A_58 = arith.constant 0 : i32
      %dma_wait3A_59 = tpu.memref_slice %arg10[%add3A_17, %dma_wait3A_58] : memref<10240x128xf32, #tpu.memory_space<vmem_shared>> -> memref<80x128xf32, #tpu.memory_space<vmem_shared>>
      %dma_wait3A_60 = arith.constant 0 : i32
      %dma_wait3A_61 = tpu.memref_slice %arg10[%add3A_17, %dma_wait3A_60] : memref<10240x128xf32, #tpu.memory_space<vmem_shared>> -> memref<80x128xf32, #tpu.memory_space<vmem_shared>>
      tpu.wait_dma2 semaphore(%run_scoped3A_53 : memref<!tpu.dma_semaphore, #tpu.memory_space<semaphore_mem>>) src(%arg8 : memref<80x128xf32, #tpu.memory_space<vmem>>) dst(%dma_wait3A_61 : memref<80x128xf32, #tpu.memory_space<vmem_shared>>)
      tpu.yield
    }) : () -> ()
    %add3A_18 = arith.constant 400 : i32
    %add3A_19 = arith.addi %mul3A_2, %add3A_18 : i32
    "tpu.region"() ({
      %run_scoped3A_53 = tpu.sem_alloc : memref<!tpu.dma_semaphore, #tpu.memory_space<semaphore_mem>>
      %dma_start3A_54 = arith.constant 0 : i32
      %dma_start3A_55 = tpu.memref_slice %arg10[%add3A_19, %dma_start3A_54] : memref<10240x128xf32, #tpu.memory_space<vmem_shared>> -> memref<80x128xf32, #tpu.memory_space<vmem_shared>>
      %dma_start3A_56 = arith.constant 0 : i32
      %dma_start3A_57 = tpu.memref_slice %arg10[%add3A_19, %dma_start3A_56] : memref<10240x128xf32, #tpu.memory_space<vmem_shared>> -> memref<80x128xf32, #tpu.memory_space<vmem_shared>>
      tpu.enqueue_dma source(%arg8 : memref<80x128xf32, #tpu.memory_space<vmem>>) target(%dma_start3A_57 : memref<80x128xf32, #tpu.memory_space<vmem_shared>>) target_semaphore(%run_scoped3A_53 : memref<!tpu.dma_semaphore, #tpu.memory_space<semaphore_mem>>)
      %dma_wait3A_58 = arith.constant 0 : i32
      %dma_wait3A_59 = tpu.memref_slice %arg10[%add3A_19, %dma_wait3A_58] : memref<10240x128xf32, #tpu.memory_space<vmem_shared>> -> memref<80x128xf32, #tpu.memory_space<vmem_shared>>
      %dma_wait3A_60 = arith.constant 0 : i32
      %dma_wait3A_61 = tpu.memref_slice %arg10[%add3A_19, %dma_wait3A_60] : memref<10240x128xf32, #tpu.memory_space<vmem_shared>> -> memref<80x128xf32, #tpu.memory_space<vmem_shared>>
      tpu.wait_dma2 semaphore(%run_scoped3A_53 : memref<!tpu.dma_semaphore, #tpu.memory_space<semaphore_mem>>) src(%arg8 : memref<80x128xf32, #tpu.memory_space<vmem>>) dst(%dma_wait3A_61 : memref<80x128xf32, #tpu.memory_space<vmem_shared>>)
      tpu.yield
    }) : () -> ()
    %add3A_20 = arith.constant 480 : i32
    %add3A_21 = arith.addi %mul3A_2, %add3A_20 : i32
    "tpu.region"() ({
      %run_scoped3A_53 = tpu.sem_alloc : memref<!tpu.dma_semaphore, #tpu.memory_space<semaphore_mem>>
      %dma_start3A_54 = arith.constant 0 : i32
      %dma_start3A_55 = tpu.memref_slice %arg10[%add3A_21, %dma_start3A_54] : memref<10240x128xf32, #tpu.memory_space<vmem_shared>> -> memref<80x128xf32, #tpu.memory_space<vmem_shared>>
      %dma_start3A_56 = arith.constant 0 : i32
      %dma_start3A_57 = tpu.memref_slice %arg10[%add3A_21, %dma_start3A_56] : memref<10240x128xf32, #tpu.memory_space<vmem_shared>> -> memref<80x128xf32, #tpu.memory_space<vmem_shared>>
      tpu.enqueue_dma source(%arg8 : memref<80x128xf32, #tpu.memory_space<vmem>>) target(%dma_start3A_57 : memref<80x128xf32, #tpu.memory_space<vmem_shared>>) target_semaphore(%run_scoped3A_53 : memref<!tpu.dma_semaphore, #tpu.memory_space<semaphore_mem>>)
      %dma_wait3A_58 = arith.constant 0 : i32
      %dma_wait3A_59 = tpu.memref_slice %arg10[%add3A_21, %dma_wait3A_58] : memref<10240x128xf32, #tpu.memory_space<vmem_shared>> -> memref<80x128xf32, #tpu.memory_space<vmem_shared>>
      %dma_wait3A_60 = arith.constant 0 : i32
      %dma_wait3A_61 = tpu.memref_slice %arg10[%add3A_21, %dma_wait3A_60] : memref<10240x128xf32, #tpu.memory_space<vmem_shared>> -> memref<80x128xf32, #tpu.memory_space<vmem_shared>>
      tpu.wait_dma2 semaphore(%run_scoped3A_53 : memref<!tpu.dma_semaphore, #tpu.memory_space<semaphore_mem>>) src(%arg8 : memref<80x128xf32, #tpu.memory_space<vmem>>) dst(%dma_wait3A_61 : memref<80x128xf32, #tpu.memory_space<vmem_shared>>)
      tpu.yield
    }) : () -> ()
    %add3A_22 = arith.constant 560 : i32
    %add3A_23 = arith.addi %mul3A_2, %add3A_22 : i32
    "tpu.region"() ({
      %run_scoped3A_53 = tpu.sem_alloc : memref<!tpu.dma_semaphore, #tpu.memory_space<semaphore_mem>>
      %dma_start3A_54 = arith.constant 0 : i32
      %dma_start3A_55 = tpu.memref_slice %arg10[%add3A_23, %dma_start3A_54] : memref<10240x128xf32, #tpu.memory_space<vmem_shared>> -> memref<80x128xf32, #tpu.memory_space<vmem_shared>>
      %dma_start3A_56 = arith.constant 0 : i32
      %dma_start3A_57 = tpu.memref_slice %arg10[%add3A_23, %dma_start3A_56] : memref<10240x128xf32, #tpu.memory_space<vmem_shared>> -> memref<80x128xf32, #tpu.memory_space<vmem_shared>>
      tpu.enqueue_dma source(%arg8 : memref<80x128xf32, #tpu.memory_space<vmem>>) target(%dma_start3A_57 : memref<80x128xf32, #tpu.memory_space<vmem_shared>>) target_semaphore(%run_scoped3A_53 : memref<!tpu.dma_semaphore, #tpu.memory_space<semaphore_mem>>)
      %dma_wait3A_58 = arith.constant 0 : i32
      %dma_wait3A_59 = tpu.memref_slice %arg10[%add3A_23, %dma_wait3A_58] : memref<10240x128xf32, #tpu.memory_space<vmem_shared>> -> memref<80x128xf32, #tpu.memory_space<vmem_shared>>
      %dma_wait3A_60 = arith.constant 0 : i32
      %dma_wait3A_61 = tpu.memref_slice %arg10[%add3A_23, %dma_wait3A_60] : memref<10240x128xf32, #tpu.memory_space<vmem_shared>> -> memref<80x128xf32, #tpu.memory_space<vmem_shared>>
      tpu.wait_dma2 semaphore(%run_scoped3A_53 : memref<!tpu.dma_semaphore, #tpu.memory_space<semaphore_mem>>) src(%arg8 : memref<80x128xf32, #tpu.memory_space<vmem>>) dst(%dma_wait3A_61 : memref<80x128xf32, #tpu.memory_space<vmem_shared>>)
      tpu.yield
    }) : () -> ()
    "tpu.region"() ({
      %run_scoped3A_53 = tpu.sem_alloc : memref<!tpu.dma_semaphore, #tpu.memory_space<semaphore_mem>>
      %dma_start3A_54 = arith.constant 0 : i32
      %dma_start3A_55 = arith.constant 0 : i32
      %dma_start3A_56 = tpu.memref_slice %arg3[%add3A, %dma_start3A_54, %dma_start3A_55] : memref<32x125x80xi32, #tpu.memory_space<hbm>> -> memref<1x125x80xi32, #tpu.memory_space<hbm>>
      %dma_start3A_57 = tpu.memref_squeeze %dma_start3A_56 : memref<1x125x80xi32, #tpu.memory_space<hbm>> -> memref<125x80xi32, #tpu.memory_space<hbm>>
      %dma_start3A_58 = arith.constant 0 : i32
      %dma_start3A_59 = arith.constant 0 : i32
      %dma_start3A_60 = tpu.memref_slice %arg3[%add3A, %dma_start3A_58, %dma_start3A_59] : memref<32x125x80xi32, #tpu.memory_space<hbm>> -> memref<1x125x80xi32, #tpu.memory_space<hbm>>
      %dma_start3A_61 = tpu.memref_squeeze %dma_start3A_60 : memref<1x125x80xi32, #tpu.memory_space<hbm>> -> memref<125x80xi32, #tpu.memory_space<hbm>>
      tpu.enqueue_dma source(%dma_start3A_61 : memref<125x80xi32, #tpu.memory_space<hbm>>) target(%arg6 : memref<125x80xi32, #tpu.memory_space<vmem>>) target_semaphore(%run_scoped3A_53 : memref<!tpu.dma_semaphore, #tpu.memory_space<semaphore_mem>>)
      %dma_wait3A_62 = arith.constant 0 : i32
      %dma_wait3A_63 = arith.constant 0 : i32
      %dma_wait3A_64 = tpu.memref_slice %arg3[%add3A, %dma_wait3A_62, %dma_wait3A_63] : memref<32x125x80xi32, #tpu.memory_space<hbm>> -> memref<1x125x80xi32, #tpu.memory_space<hbm>>
      %dma_wait3A_65 = tpu.memref_squeeze %dma_wait3A_64 : memref<1x125x80xi32, #tpu.memory_space<hbm>> -> memref<125x80xi32, #tpu.memory_space<hbm>>
      %dma_wait3A_66 = arith.constant 0 : i32
      %dma_wait3A_67 = arith.constant 0 : i32
      %dma_wait3A_68 = tpu.memref_slice %arg3[%add3A, %dma_wait3A_66, %dma_wait3A_67] : memref<32x125x80xi32, #tpu.memory_space<hbm>> -> memref<1x125x80xi32, #tpu.memory_space<hbm>>
      %dma_wait3A_69 = tpu.memref_squeeze %dma_wait3A_68 : memref<1x125x80xi32, #tpu.memory_space<hbm>> -> memref<125x80xi32, #tpu.memory_space<hbm>>
      tpu.wait_dma2 semaphore(%run_scoped3A_53 : memref<!tpu.dma_semaphore, #tpu.memory_space<semaphore_mem>>) src(%dma_wait3A_69 : memref<125x80xi32, #tpu.memory_space<hbm>>) dst(%arg6 : memref<125x80xi32, #tpu.memory_space<vmem>>)
      tpu.yield
    }) : () -> ()
    "tpu.region"() ({
      %run_scoped3A_53 = tpu.sem_alloc : memref<!tpu.dma_semaphore, #tpu.memory_space<semaphore_mem>>
      %dma_start3A_54 = arith.constant 0 : i32
      %dma_start3A_55 = arith.constant 0 : i32
      %dma_start3A_56 = tpu.memref_slice %arg4[%add3A, %dma_start3A_54, %dma_start3A_55] : memref<32x125x80xi32, #tpu.memory_space<hbm>> -> memref<1x125x80xi32, #tpu.memory_space<hbm>>
      %dma_start3A_57 = tpu.memref_squeeze %dma_start3A_56 : memref<1x125x80xi32, #tpu.memory_space<hbm>> -> memref<125x80xi32, #tpu.memory_space<hbm>>
      %dma_start3A_58 = arith.constant 0 : i32
      %dma_start3A_59 = arith.constant 0 : i32
      %dma_start3A_60 = tpu.memref_slice %arg4[%add3A, %dma_start3A_58, %dma_start3A_59] : memref<32x125x80xi32, #tpu.memory_space<hbm>> -> memref<1x125x80xi32, #tpu.memory_space<hbm>>
      %dma_start3A_61 = tpu.memref_squeeze %dma_start3A_60 : memref<1x125x80xi32, #tpu.memory_space<hbm>> -> memref<125x80xi32, #tpu.memory_space<hbm>>
      tpu.enqueue_dma source(%dma_start3A_61 : memref<125x80xi32, #tpu.memory_space<hbm>>) target(%arg7 : memref<125x80xi32, #tpu.memory_space<vmem>>) target_semaphore(%run_scoped3A_53 : memref<!tpu.dma_semaphore, #tpu.memory_space<semaphore_mem>>)
      %dma_wait3A_62 = arith.constant 0 : i32
      %dma_wait3A_63 = arith.constant 0 : i32
      %dma_wait3A_64 = tpu.memref_slice %arg4[%add3A, %dma_wait3A_62, %dma_wait3A_63] : memref<32x125x80xi32, #tpu.memory_space<hbm>> -> memref<1x125x80xi32, #tpu.memory_space<hbm>>
      %dma_wait3A_65 = tpu.memref_squeeze %dma_wait3A_64 : memref<1x125x80xi32, #tpu.memory_space<hbm>> -> memref<125x80xi32, #tpu.memory_space<hbm>>
      %dma_wait3A_66 = arith.constant 0 : i32
      %dma_wait3A_67 = arith.constant 0 : i32
      %dma_wait3A_68 = tpu.memref_slice %arg4[%add3A, %dma_wait3A_66, %dma_wait3A_67] : memref<32x125x80xi32, #tpu.memory_space<hbm>> -> memref<1x125x80xi32, #tpu.memory_space<hbm>>
      %dma_wait3A_69 = tpu.memref_squeeze %dma_wait3A_68 : memref<1x125x80xi32, #tpu.memory_space<hbm>> -> memref<125x80xi32, #tpu.memory_space<hbm>>
      tpu.wait_dma2 semaphore(%run_scoped3A_53 : memref<!tpu.dma_semaphore, #tpu.memory_space<semaphore_mem>>) src(%dma_wait3A_69 : memref<125x80xi32, #tpu.memory_space<hbm>>) dst(%arg7 : memref<125x80xi32, #tpu.memory_space<vmem>>)
      tpu.yield
    }) : () -> ()
    %barrier3A = arith.constant 0 : index
    tpu.barrier barrier_id(%barrier3A)
    %dma_start3A = arith.constant 0 : i32
    %dma_start3A_24 = arith.constant 0 : i32
    %dma_start3A_25 = tpu.memref_slice %arg6[%dma_start3A, %dma_start3A_24] : memref<125x80xi32, #tpu.memory_space<vmem>> -> memref<1x80xi32, #tpu.memory_space<vmem>>
    %dma_start3A_26 = tpu.memref_squeeze %dma_start3A_25 : memref<1x80xi32, #tpu.memory_space<vmem>> -> memref<80xi32, #tpu.memory_space<vmem>>
    %dma_start3A_27 = arith.constant 0 : i32
    %dma_start3A_28 = arith.constant 0 : i32
    %dma_start3A_29 = tpu.memref_slice %arg2[%dma_start3A_27, %dma_start3A_28] : memref<10000x128xf32, #tpu.memory_space<hbm>> -> memref<10000x128xf32, #tpu.memory_space<hbm>>
    tpu.enqueue_indirect_dma source(%dma_start3A_29 : memref<10000x128xf32, #tpu.memory_space<hbm>>) target(%arg8 : memref<80x128xf32, #tpu.memory_space<vmem>>) offsets(%dma_start3A_26 : memref<80xi32, #tpu.memory_space<vmem>>) semaphore(%arg11 : memref<!tpu.dma_semaphore, #tpu.memory_space<semaphore_mem>>)
    %scan3A_30 = arith.constant 0 : i32
    %scan3A_31 = arith.constant 0 : i32
    %scan3A_32 = arith.constant 62 : i32
    %scan3A_33 = arith.addi %scan3A_31, %scan3A_32 : i32
    %scan3A_34 = arith.constant 1 : i32
    scf.for %scan3A_53 = %scan3A_31 to %scan3A_33 step %scan3A_34  : i32 {
      %mul3A_54 = arith.constant 2 : i32
      %mul3A_55 = arith.muli %mul3A_54, %scan3A_53 : i32
      %add3A_56 = arith.constant 1 : i32
      %add3A_57 = arith.addi %mul3A_55, %add3A_56 : i32
      %dma_start3A_58 = arith.constant 0 : i32
      %dma_start3A_59 = tpu.memref_slice %arg6[%add3A_57, %dma_start3A_58] : memref<125x80xi32, #tpu.memory_space<vmem>> -> memref<1x80xi32, #tpu.memory_space<vmem>>
      %dma_start3A_60 = tpu.memref_squeeze %dma_start3A_59 : memref<1x80xi32, #tpu.memory_space<vmem>> -> memref<80xi32, #tpu.memory_space<vmem>>
      %dma_start3A_61 = arith.constant 0 : i32
      %dma_start3A_62 = arith.constant 0 : i32
      %dma_start3A_63 = tpu.memref_slice %arg2[%dma_start3A_61, %dma_start3A_62] : memref<10000x128xf32, #tpu.memory_space<hbm>> -> memref<10000x128xf32, #tpu.memory_space<hbm>>
      tpu.enqueue_indirect_dma source(%dma_start3A_63 : memref<10000x128xf32, #tpu.memory_space<hbm>>) target(%arg9 : memref<80x128xf32, #tpu.memory_space<vmem>>) offsets(%dma_start3A_60 : memref<80xi32, #tpu.memory_space<vmem>>) semaphore(%arg12 : memref<!tpu.dma_semaphore, #tpu.memory_space<semaphore_mem>>)
      %dma_wait3A_64 = arith.constant 0 : i32
      %dma_wait3A_65 = tpu.memref_slice %arg6[%mul3A_55, %dma_wait3A_64] : memref<125x80xi32, #tpu.memory_space<vmem>> -> memref<1x80xi32, #tpu.memory_space<vmem>>
      %dma_wait3A_66 = tpu.memref_squeeze %dma_wait3A_65 : memref<1x80xi32, #tpu.memory_space<vmem>> -> memref<80xi32, #tpu.memory_space<vmem>>
      %dma_wait3A_67 = arith.constant 0 : i32
      %dma_wait3A_68 = arith.constant 0 : i32
      %dma_wait3A_69 = tpu.memref_slice %arg2[%dma_wait3A_67, %dma_wait3A_68] : memref<10000x128xf32, #tpu.memory_space<hbm>> -> memref<10000x128xf32, #tpu.memory_space<hbm>>
      tpu.wait_indirect_dma semaphore(%arg11 : memref<!tpu.dma_semaphore, #tpu.memory_space<semaphore_mem>>) src(%dma_wait3A_69 : memref<10000x128xf32, #tpu.memory_space<hbm>>) dst(%arg8 : memref<80x128xf32, #tpu.memory_space<vmem>>)
      "tpu.region"() ({
        %run_scoped3A_84 = tpu.sem_alloc : memref<!tpu.dma_semaphore, #tpu.memory_space<semaphore_mem>>
        %dma_start3A_85 = arith.constant 0 : i32
        %dma_start3A_86 = tpu.memref_slice %arg7[%mul3A_55, %dma_start3A_85] : memref<125x80xi32, #tpu.memory_space<vmem>> -> memref<1x80xi32, #tpu.memory_space<vmem>>
        %dma_start3A_87 = tpu.memref_squeeze %dma_start3A_86 : memref<1x80xi32, #tpu.memory_space<vmem>> -> memref<80xi32, #tpu.memory_space<vmem>>
        %dma_start3A_88 = arith.constant 0 : i32
        %dma_start3A_89 = arith.constant 0 : i32
        %dma_start3A_90 = tpu.memref_slice %arg10[%dma_start3A_88, %dma_start3A_89] : memref<10240x128xf32, #tpu.memory_space<vmem_shared>> -> memref<10240x128xf32, #tpu.memory_space<vmem_shared>>
        tpu.enqueue_indirect_dma source(%arg8 : memref<80x128xf32, #tpu.memory_space<vmem>>) target(%dma_start3A_90 : memref<10240x128xf32, #tpu.memory_space<vmem_shared>>) offsets(%dma_start3A_87 : memref<80xi32, #tpu.memory_space<vmem>>) semaphore(%run_scoped3A_84 : memref<!tpu.dma_semaphore, #tpu.memory_space<semaphore_mem>>) {add = true}
        %dma_wait3A_91 = arith.constant 0 : i32
        %dma_wait3A_92 = tpu.memref_slice %arg7[%mul3A_55, %dma_wait3A_91] : memref<125x80xi32, #tpu.memory_space<vmem>> -> memref<1x80xi32, #tpu.memory_space<vmem>>
        %dma_wait3A_93 = tpu.memref_squeeze %dma_wait3A_92 : memref<1x80xi32, #tpu.memory_space<vmem>> -> memref<80xi32, #tpu.memory_space<vmem>>
        %dma_wait3A_94 = arith.constant 0 : i32
        %dma_wait3A_95 = arith.constant 0 : i32
        %dma_wait3A_96 = tpu.memref_slice %arg10[%dma_wait3A_94, %dma_wait3A_95] : memref<10240x128xf32, #tpu.memory_space<vmem_shared>> -> memref<10240x128xf32, #tpu.memory_space<vmem_shared>>
        tpu.wait_indirect_dma semaphore(%run_scoped3A_84 : memref<!tpu.dma_semaphore, #tpu.memory_space<semaphore_mem>>) src(%arg8 : memref<80x128xf32, #tpu.memory_space<vmem>>) dst(%dma_wait3A_96 : memref<10240x128xf32, #tpu.memory_space<vmem_shared>>)
        tpu.yield
      }) : () -> ()
      %add3A_70 = arith.constant 1 : i32
      %add3A_71 = arith.addi %add3A_57, %add3A_70 : i32
      %dma_start3A_72 = arith.constant 0 : i32
      %dma_start3A_73 = tpu.memref_slice %arg6[%add3A_71, %dma_start3A_72] : memref<125x80xi32, #tpu.memory_space<vmem>> -> memref<1x80xi32, #tpu.memory_space<vmem>>
      %dma_start3A_74 = tpu.memref_squeeze %dma_start3A_73 : memref<1x80xi32, #tpu.memory_space<vmem>> -> memref<80xi32, #tpu.memory_space<vmem>>
      %dma_start3A_75 = arith.constant 0 : i32
      %dma_start3A_76 = arith.constant 0 : i32
      %dma_start3A_77 = tpu.memref_slice %arg2[%dma_start3A_75, %dma_start3A_76] : memref<10000x128xf32, #tpu.memory_space<hbm>> -> memref<10000x128xf32, #tpu.memory_space<hbm>>
      tpu.enqueue_indirect_dma source(%dma_start3A_77 : memref<10000x128xf32, #tpu.memory_space<hbm>>) target(%arg8 : memref<80x128xf32, #tpu.memory_space<vmem>>) offsets(%dma_start3A_74 : memref<80xi32, #tpu.memory_space<vmem>>) semaphore(%arg11 : memref<!tpu.dma_semaphore, #tpu.memory_space<semaphore_mem>>)
      %dma_wait3A_78 = arith.constant 0 : i32
      %dma_wait3A_79 = tpu.memref_slice %arg6[%add3A_57, %dma_wait3A_78] : memref<125x80xi32, #tpu.memory_space<vmem>> -> memref<1x80xi32, #tpu.memory_space<vmem>>
      %dma_wait3A_80 = tpu.memref_squeeze %dma_wait3A_79 : memref<1x80xi32, #tpu.memory_space<vmem>> -> memref<80xi32, #tpu.memory_space<vmem>>
      %dma_wait3A_81 = arith.constant 0 : i32
      %dma_wait3A_82 = arith.constant 0 : i32
      %dma_wait3A_83 = tpu.memref_slice %arg2[%dma_wait3A_81, %dma_wait3A_82] : memref<10000x128xf32, #tpu.memory_space<hbm>> -> memref<10000x128xf32, #tpu.memory_space<hbm>>
      tpu.wait_indirect_dma semaphore(%arg12 : memref<!tpu.dma_semaphore, #tpu.memory_space<semaphore_mem>>) src(%dma_wait3A_83 : memref<10000x128xf32, #tpu.memory_space<hbm>>) dst(%arg9 : memref<80x128xf32, #tpu.memory_space<vmem>>)
      "tpu.region"() ({
        %run_scoped3A_84 = tpu.sem_alloc : memref<!tpu.dma_semaphore, #tpu.memory_space<semaphore_mem>>
        %dma_start3A_85 = arith.constant 0 : i32
        %dma_start3A_86 = tpu.memref_slice %arg7[%add3A_57, %dma_start3A_85] : memref<125x80xi32, #tpu.memory_space<vmem>> -> memref<1x80xi32, #tpu.memory_space<vmem>>
        %dma_start3A_87 = tpu.memref_squeeze %dma_start3A_86 : memref<1x80xi32, #tpu.memory_space<vmem>> -> memref<80xi32, #tpu.memory_space<vmem>>
        %dma_start3A_88 = arith.constant 0 : i32
        %dma_start3A_89 = arith.constant 0 : i32
        %dma_start3A_90 = tpu.memref_slice %arg10[%dma_start3A_88, %dma_start3A_89] : memref<10240x128xf32, #tpu.memory_space<vmem_shared>> -> memref<10240x128xf32, #tpu.memory_space<vmem_shared>>
        tpu.enqueue_indirect_dma source(%arg9 : memref<80x128xf32, #tpu.memory_space<vmem>>) target(%dma_start3A_90 : memref<10240x128xf32, #tpu.memory_space<vmem_shared>>) offsets(%dma_start3A_87 : memref<80xi32, #tpu.memory_space<vmem>>) semaphore(%run_scoped3A_84 : memref<!tpu.dma_semaphore, #tpu.memory_space<semaphore_mem>>) {add = true}
        %dma_wait3A_91 = arith.constant 0 : i32
        %dma_wait3A_92 = tpu.memref_slice %arg7[%add3A_57, %dma_wait3A_91] : memref<125x80xi32, #tpu.memory_space<vmem>> -> memref<1x80xi32, #tpu.memory_space<vmem>>
        %dma_wait3A_93 = tpu.memref_squeeze %dma_wait3A_92 : memref<1x80xi32, #tpu.memory_space<vmem>> -> memref<80xi32, #tpu.memory_space<vmem>>
        %dma_wait3A_94 = arith.constant 0 : i32
        %dma_wait3A_95 = arith.constant 0 : i32
        %dma_wait3A_96 = tpu.memref_slice %arg10[%dma_wait3A_94, %dma_wait3A_95] : memref<10240x128xf32, #tpu.memory_space<vmem_shared>> -> memref<10240x128xf32, #tpu.memory_space<vmem_shared>>
        tpu.wait_indirect_dma semaphore(%run_scoped3A_84 : memref<!tpu.dma_semaphore, #tpu.memory_space<semaphore_mem>>) src(%arg9 : memref<80x128xf32, #tpu.memory_space<vmem>>) dst(%dma_wait3A_96 : memref<10240x128xf32, #tpu.memory_space<vmem_shared>>)
        tpu.yield
      }) : () -> ()
    }
    %scan3A_35 = arith.constant 62 : i32
    %dma_wait3A = arith.constant 124 : i32
    %dma_wait3A_36 = arith.constant 0 : i32
    %dma_wait3A_37 = tpu.memref_slice %arg6[%dma_wait3A, %dma_wait3A_36] : memref<125x80xi32, #tpu.memory_space<vmem>> -> memref<1x80xi32, #tpu.memory_space<vmem>>
    %dma_wait3A_38 = tpu.memref_squeeze %dma_wait3A_37 : memref<1x80xi32, #tpu.memory_space<vmem>> -> memref<80xi32, #tpu.memory_space<vmem>>
    %dma_wait3A_39 = arith.constant 0 : i32
    %dma_wait3A_40 = arith.constant 0 : i32
    %dma_wait3A_41 = tpu.memref_slice %arg2[%dma_wait3A_39, %dma_wait3A_40] : memref<10000x128xf32, #tpu.memory_space<hbm>> -> memref<10000x128xf32, #tpu.memory_space<hbm>>
    tpu.wait_indirect_dma semaphore(%arg11 : memref<!tpu.dma_semaphore, #tpu.memory_space<semaphore_mem>>) src(%dma_wait3A_41 : memref<10000x128xf32, #tpu.memory_space<hbm>>) dst(%arg8 : memref<80x128xf32, #tpu.memory_space<vmem>>)
    %run_scoped3A = arith.constant 124 : i32
    "tpu.region"() ({
      %run_scoped3A_53 = tpu.sem_alloc : memref<!tpu.dma_semaphore, #tpu.memory_space<semaphore_mem>>
      %dma_start3A_54 = arith.constant 0 : i32
      %dma_start3A_55 = tpu.memref_slice %arg7[%run_scoped3A, %dma_start3A_54] : memref<125x80xi32, #tpu.memory_space<vmem>> -> memref<1x80xi32, #tpu.memory_space<vmem>>
      %dma_start3A_56 = tpu.memref_squeeze %dma_start3A_55 : memref<1x80xi32, #tpu.memory_space<vmem>> -> memref<80xi32, #tpu.memory_space<vmem>>
      %dma_start3A_57 = arith.constant 0 : i32
      %dma_start3A_58 = arith.constant 0 : i32
      %dma_start3A_59 = tpu.memref_slice %arg10[%dma_start3A_57, %dma_start3A_58] : memref<10240x128xf32, #tpu.memory_space<vmem_shared>> -> memref<10240x128xf32, #tpu.memory_space<vmem_shared>>
      tpu.enqueue_indirect_dma source(%arg8 : memref<80x128xf32, #tpu.memory_space<vmem>>) target(%dma_start3A_59 : memref<10240x128xf32, #tpu.memory_space<vmem_shared>>) offsets(%dma_start3A_56 : memref<80xi32, #tpu.memory_space<vmem>>) semaphore(%run_scoped3A_53 : memref<!tpu.dma_semaphore, #tpu.memory_space<semaphore_mem>>) {add = true}
      %dma_wait3A_60 = arith.constant 0 : i32
      %dma_wait3A_61 = tpu.memref_slice %arg7[%run_scoped3A, %dma_wait3A_60] : memref<125x80xi32, #tpu.memory_space<vmem>> -> memref<1x80xi32, #tpu.memory_space<vmem>>
      %dma_wait3A_62 = tpu.memref_squeeze %dma_wait3A_61 : memref<1x80xi32, #tpu.memory_space<vmem>> -> memref<80xi32, #tpu.memory_space<vmem>>
      %dma_wait3A_63 = arith.constant 0 : i32
      %dma_wait3A_64 = arith.constant 0 : i32
      %dma_wait3A_65 = tpu.memref_slice %arg10[%dma_wait3A_63, %dma_wait3A_64] : memref<10240x128xf32, #tpu.memory_space<vmem_shared>> -> memref<10240x128xf32, #tpu.memory_space<vmem_shared>>
      tpu.wait_indirect_dma semaphore(%run_scoped3A_53 : memref<!tpu.dma_semaphore, #tpu.memory_space<semaphore_mem>>) src(%arg8 : memref<80x128xf32, #tpu.memory_space<vmem>>) dst(%dma_wait3A_65 : memref<10240x128xf32, #tpu.memory_space<vmem_shared>>)
      tpu.yield
    }) : () -> ()
    %barrier3A_42 = arith.constant 0 : index
    tpu.barrier barrier_id(%barrier3A_42)
    %add3A_43 = arith.constant 0 : i32
    %add3A_44 = arith.addi %mul3A_2, %add3A_43 : i32
    "tpu.region"() ({
      %run_scoped3A_53 = tpu.sem_alloc : memref<!tpu.dma_semaphore, #tpu.memory_space<semaphore_mem>>
      %dma_start3A_54 = arith.constant 0 : i32
      %dma_start3A_55 = arith.constant 0 : i32
      %dma_start3A_56 = tpu.memref_slice %arg5[%arg0, %dma_start3A_54, %dma_start3A_55] : memref<2x10240x128xf32, #tpu.memory_space<hbm>> -> memref<1x10240x128xf32, #tpu.memory_space<hbm>>
      %dma_start3A_57 = tpu.memref_squeeze %dma_start3A_56 : memref<1x10240x128xf32, #tpu.memory_space<hbm>> -> memref<10240x128xf32, #tpu.memory_space<hbm>>
      %dma_start3A_58 = arith.constant 0 : i32
      %dma_start3A_59 = tpu.memref_slice %dma_start3A_57[%add3A_44, %dma_start3A_58] : memref<10240x128xf32, #tpu.memory_space<hbm>> -> memref<128x128xf32, #tpu.memory_space<hbm>>
      %dma_start3A_60 = arith.constant 0 : i32
      %dma_start3A_61 = tpu.memref_slice %arg10[%add3A_44, %dma_start3A_60] : memref<10240x128xf32, #tpu.memory_space<vmem_shared>> -> memref<128x128xf32, #tpu.memory_space<vmem_shared>>
      tpu.enqueue_dma source(%dma_start3A_61 : memref<128x128xf32, #tpu.memory_space<vmem_shared>>) target(%dma_start3A_59 : memref<128x128xf32, #tpu.memory_space<hbm>>) target_semaphore(%run_scoped3A_53 : memref<!tpu.dma_semaphore, #tpu.memory_space<semaphore_mem>>)
      %dma_wait3A_62 = arith.constant 0 : i32
      %dma_wait3A_63 = arith.constant 0 : i32
      %dma_wait3A_64 = tpu.memref_slice %arg5[%arg0, %dma_wait3A_62, %dma_wait3A_63] : memref<2x10240x128xf32, #tpu.memory_space<hbm>> -> memref<1x10240x128xf32, #tpu.memory_space<hbm>>
      %dma_wait3A_65 = tpu.memref_squeeze %dma_wait3A_64 : memref<1x10240x128xf32, #tpu.memory_space<hbm>> -> memref<10240x128xf32, #tpu.memory_space<hbm>>
      %dma_wait3A_66 = arith.constant 0 : i32
      %dma_wait3A_67 = tpu.memref_slice %dma_wait3A_65[%add3A_44, %dma_wait3A_66] : memref<10240x128xf32, #tpu.memory_space<hbm>> -> memref<128x128xf32, #tpu.memory_space<hbm>>
      %dma_wait3A_68 = arith.constant 0 : i32
      %dma_wait3A_69 = tpu.memref_slice %arg10[%add3A_44, %dma_wait3A_68] : memref<10240x128xf32, #tpu.memory_space<vmem_shared>> -> memref<128x128xf32, #tpu.memory_space<vmem_shared>>
      tpu.wait_dma2 semaphore(%run_scoped3A_53 : memref<!tpu.dma_semaphore, #tpu.memory_space<semaphore_mem>>) src(%dma_wait3A_69 : memref<128x128xf32, #tpu.memory_space<vmem_shared>>) dst(%dma_wait3A_67 : memref<128x128xf32, #tpu.memory_space<hbm>>)
      tpu.yield
    }) : () -> ()
    %add3A_45 = arith.constant 128 : i32
    %add3A_46 = arith.addi %mul3A_2, %add3A_45 : i32
    "tpu.region"() ({
      %run_scoped3A_53 = tpu.sem_alloc : memref<!tpu.dma_semaphore, #tpu.memory_space<semaphore_mem>>
      %dma_start3A_54 = arith.constant 0 : i32
      %dma_start3A_55 = arith.constant 0 : i32
      %dma_start3A_56 = tpu.memref_slice %arg5[%arg0, %dma_start3A_54, %dma_start3A_55] : memref<2x10240x128xf32, #tpu.memory_space<hbm>> -> memref<1x10240x128xf32, #tpu.memory_space<hbm>>
      %dma_start3A_57 = tpu.memref_squeeze %dma_start3A_56 : memref<1x10240x128xf32, #tpu.memory_space<hbm>> -> memref<10240x128xf32, #tpu.memory_space<hbm>>
      %dma_start3A_58 = arith.constant 0 : i32
      %dma_start3A_59 = tpu.memref_slice %dma_start3A_57[%add3A_46, %dma_start3A_58] : memref<10240x128xf32, #tpu.memory_space<hbm>> -> memref<128x128xf32, #tpu.memory_space<hbm>>
      %dma_start3A_60 = arith.constant 0 : i32
      %dma_start3A_61 = tpu.memref_slice %arg10[%add3A_46, %dma_start3A_60] : memref<10240x128xf32, #tpu.memory_space<vmem_shared>> -> memref<128x128xf32, #tpu.memory_space<vmem_shared>>
      tpu.enqueue_dma source(%dma_start3A_61 : memref<128x128xf32, #tpu.memory_space<vmem_shared>>) target(%dma_start3A_59 : memref<128x128xf32, #tpu.memory_space<hbm>>) target_semaphore(%run_scoped3A_53 : memref<!tpu.dma_semaphore, #tpu.memory_space<semaphore_mem>>)
      %dma_wait3A_62 = arith.constant 0 : i32
      %dma_wait3A_63 = arith.constant 0 : i32
      %dma_wait3A_64 = tpu.memref_slice %arg5[%arg0, %dma_wait3A_62, %dma_wait3A_63] : memref<2x10240x128xf32, #tpu.memory_space<hbm>> -> memref<1x10240x128xf32, #tpu.memory_space<hbm>>
      %dma_wait3A_65 = tpu.memref_squeeze %dma_wait3A_64 : memref<1x10240x128xf32, #tpu.memory_space<hbm>> -> memref<10240x128xf32, #tpu.memory_space<hbm>>
      %dma_wait3A_66 = arith.constant 0 : i32
      %dma_wait3A_67 = tpu.memref_slice %dma_wait3A_65[%add3A_46, %dma_wait3A_66] : memref<10240x128xf32, #tpu.memory_space<hbm>> -> memref<128x128xf32, #tpu.memory_space<hbm>>
      %dma_wait3A_68 = arith.constant 0 : i32
      %dma_wait3A_69 = tpu.memref_slice %arg10[%add3A_46, %dma_wait3A_68] : memref<10240x128xf32, #tpu.memory_space<vmem_shared>> -> memref<128x128xf32, #tpu.memory_space<vmem_shared>>
      tpu.wait_dma2 semaphore(%run_scoped3A_53 : memref<!tpu.dma_semaphore, #tpu.memory_space<semaphore_mem>>) src(%dma_wait3A_69 : memref<128x128xf32, #tpu.memory_space<vmem_shared>>) dst(%dma_wait3A_67 : memref<128x128xf32, #tpu.memory_space<hbm>>)
      tpu.yield
    }) : () -> ()
    %add3A_47 = arith.constant 256 : i32
    %add3A_48 = arith.addi %mul3A_2, %add3A_47 : i32
    "tpu.region"() ({
      %run_scoped3A_53 = tpu.sem_alloc : memref<!tpu.dma_semaphore, #tpu.memory_space<semaphore_mem>>
      %dma_start3A_54 = arith.constant 0 : i32
      %dma_start3A_55 = arith.constant 0 : i32
      %dma_start3A_56 = tpu.memref_slice %arg5[%arg0, %dma_start3A_54, %dma_start3A_55] : memref<2x10240x128xf32, #tpu.memory_space<hbm>> -> memref<1x10240x128xf32, #tpu.memory_space<hbm>>
      %dma_start3A_57 = tpu.memref_squeeze %dma_start3A_56 : memref<1x10240x128xf32, #tpu.memory_space<hbm>> -> memref<10240x128xf32, #tpu.memory_space<hbm>>
      %dma_start3A_58 = arith.constant 0 : i32
      %dma_start3A_59 = tpu.memref_slice %dma_start3A_57[%add3A_48, %dma_start3A_58] : memref<10240x128xf32, #tpu.memory_space<hbm>> -> memref<128x128xf32, #tpu.memory_space<hbm>>
      %dma_start3A_60 = arith.constant 0 : i32
      %dma_start3A_61 = tpu.memref_slice %arg10[%add3A_48, %dma_start3A_60] : memref<10240x128xf32, #tpu.memory_space<vmem_shared>> -> memref<128x128xf32, #tpu.memory_space<vmem_shared>>
      tpu.enqueue_dma source(%dma_start3A_61 : memref<128x128xf32, #tpu.memory_space<vmem_shared>>) target(%dma_start3A_59 : memref<128x128xf32, #tpu.memory_space<hbm>>) target_semaphore(%run_scoped3A_53 : memref<!tpu.dma_semaphore, #tpu.memory_space<semaphore_mem>>)
      %dma_wait3A_62 = arith.constant 0 : i32
      %dma_wait3A_63 = arith.constant 0 : i32
      %dma_wait3A_64 = tpu.memref_slice %arg5[%arg0, %dma_wait3A_62, %dma_wait3A_63] : memref<2x10240x128xf32, #tpu.memory_space<hbm>> -> memref<1x10240x128xf32, #tpu.memory_space<hbm>>
      %dma_wait3A_65 = tpu.memref_squeeze %dma_wait3A_64 : memref<1x10240x128xf32, #tpu.memory_space<hbm>> -> memref<10240x128xf32, #tpu.memory_space<hbm>>
      %dma_wait3A_66 = arith.constant 0 : i32
      %dma_wait3A_67 = tpu.memref_slice %dma_wait3A_65[%add3A_48, %dma_wait3A_66] : memref<10240x128xf32, #tpu.memory_space<hbm>> -> memref<128x128xf32, #tpu.memory_space<hbm>>
      %dma_wait3A_68 = arith.constant 0 : i32
      %dma_wait3A_69 = tpu.memref_slice %arg10[%add3A_48, %dma_wait3A_68] : memref<10240x128xf32, #tpu.memory_space<vmem_shared>> -> memref<128x128xf32, #tpu.memory_space<vmem_shared>>
      tpu.wait_dma2 semaphore(%run_scoped3A_53 : memref<!tpu.dma_semaphore, #tpu.memory_space<semaphore_mem>>) src(%dma_wait3A_69 : memref<128x128xf32, #tpu.memory_space<vmem_shared>>) dst(%dma_wait3A_67 : memref<128x128xf32, #tpu.memory_space<hbm>>)
      tpu.yield
    }) : () -> ()
    %add3A_49 = arith.constant 384 : i32
    %add3A_50 = arith.addi %mul3A_2, %add3A_49 : i32
    "tpu.region"() ({
      %run_scoped3A_53 = tpu.sem_alloc : memref<!tpu.dma_semaphore, #tpu.memory_space<semaphore_mem>>
      %dma_start3A_54 = arith.constant 0 : i32
      %dma_start3A_55 = arith.constant 0 : i32
      %dma_start3A_56 = tpu.memref_slice %arg5[%arg0, %dma_start3A_54, %dma_start3A_55] : memref<2x10240x128xf32, #tpu.memory_space<hbm>> -> memref<1x10240x128xf32, #tpu.memory_space<hbm>>
      %dma_start3A_57 = tpu.memref_squeeze %dma_start3A_56 : memref<1x10240x128xf32, #tpu.memory_space<hbm>> -> memref<10240x128xf32, #tpu.memory_space<hbm>>
      %dma_start3A_58 = arith.constant 0 : i32
      %dma_start3A_59 = tpu.memref_slice %dma_start3A_57[%add3A_50, %dma_start3A_58] : memref<10240x128xf32, #tpu.memory_space<hbm>> -> memref<128x128xf32, #tpu.memory_space<hbm>>
      %dma_start3A_60 = arith.constant 0 : i32
      %dma_start3A_61 = tpu.memref_slice %arg10[%add3A_50, %dma_start3A_60] : memref<10240x128xf32, #tpu.memory_space<vmem_shared>> -> memref<128x128xf32, #tpu.memory_space<vmem_shared>>
      tpu.enqueue_dma source(%dma_start3A_61 : memref<128x128xf32, #tpu.memory_space<vmem_shared>>) target(%dma_start3A_59 : memref<128x128xf32, #tpu.memory_space<hbm>>) target_semaphore(%run_scoped3A_53 : memref<!tpu.dma_semaphore, #tpu.memory_space<semaphore_mem>>)
      %dma_wait3A_62 = arith.constant 0 : i32
      %dma_wait3A_63 = arith.constant 0 : i32
      %dma_wait3A_64 = tpu.memref_slice %arg5[%arg0, %dma_wait3A_62, %dma_wait3A_63] : memref<2x10240x128xf32, #tpu.memory_space<hbm>> -> memref<1x10240x128xf32, #tpu.memory_space<hbm>>
      %dma_wait3A_65 = tpu.memref_squeeze %dma_wait3A_64 : memref<1x10240x128xf32, #tpu.memory_space<hbm>> -> memref<10240x128xf32, #tpu.memory_space<hbm>>
      %dma_wait3A_66 = arith.constant 0 : i32
      %dma_wait3A_67 = tpu.memref_slice %dma_wait3A_65[%add3A_50, %dma_wait3A_66] : memref<10240x128xf32, #tpu.memory_space<hbm>> -> memref<128x128xf32, #tpu.memory_space<hbm>>
      %dma_wait3A_68 = arith.constant 0 : i32
      %dma_wait3A_69 = tpu.memref_slice %arg10[%add3A_50, %dma_wait3A_68] : memref<10240x128xf32, #tpu.memory_space<vmem_shared>> -> memref<128x128xf32, #tpu.memory_space<vmem_shared>>
      tpu.wait_dma2 semaphore(%run_scoped3A_53 : memref<!tpu.dma_semaphore, #tpu.memory_space<semaphore_mem>>) src(%dma_wait3A_69 : memref<128x128xf32, #tpu.memory_space<vmem_shared>>) dst(%dma_wait3A_67 : memref<128x128xf32, #tpu.memory_space<hbm>>)
      tpu.yield
    }) : () -> ()
    %add3A_51 = arith.constant 512 : i32
    %add3A_52 = arith.addi %mul3A_2, %add3A_51 : i32
    "tpu.region"() ({
      %run_scoped3A_53 = tpu.sem_alloc : memref<!tpu.dma_semaphore, #tpu.memory_space<semaphore_mem>>
      %dma_start3A_54 = arith.constant 0 : i32
      %dma_start3A_55 = arith.constant 0 : i32
      %dma_start3A_56 = tpu.memref_slice %arg5[%arg0, %dma_start3A_54, %dma_start3A_55] : memref<2x10240x128xf32, #tpu.memory_space<hbm>> -> memref<1x10240x128xf32, #tpu.memory_space<hbm>>
      %dma_start3A_57 = tpu.memref_squeeze %dma_start3A_56 : memref<1x10240x128xf32, #tpu.memory_space<hbm>> -> memref<10240x128xf32, #tpu.memory_space<hbm>>
      %dma_start3A_58 = arith.constant 0 : i32
      %dma_start3A_59 = tpu.memref_slice %dma_start3A_57[%add3A_52, %dma_start3A_58] : memref<10240x128xf32, #tpu.memory_space<hbm>> -> memref<128x128xf32, #tpu.memory_space<hbm>>
      %dma_start3A_60 = arith.constant 0 : i32
      %dma_start3A_61 = tpu.memref_slice %arg10[%add3A_52, %dma_start3A_60] : memref<10240x128xf32, #tpu.memory_space<vmem_shared>> -> memref<128x128xf32, #tpu.memory_space<vmem_shared>>
      tpu.enqueue_dma source(%dma_start3A_61 : memref<128x128xf32, #tpu.memory_space<vmem_shared>>) target(%dma_start3A_59 : memref<128x128xf32, #tpu.memory_space<hbm>>) target_semaphore(%run_scoped3A_53 : memref<!tpu.dma_semaphore, #tpu.memory_space<semaphore_mem>>)
      %dma_wait3A_62 = arith.constant 0 : i32
      %dma_wait3A_63 = arith.constant 0 : i32
      %dma_wait3A_64 = tpu.memref_slice %arg5[%arg0, %dma_wait3A_62, %dma_wait3A_63] : memref<2x10240x128xf32, #tpu.memory_space<hbm>> -> memref<1x10240x128xf32, #tpu.memory_space<hbm>>
      %dma_wait3A_65 = tpu.memref_squeeze %dma_wait3A_64 : memref<1x10240x128xf32, #tpu.memory_space<hbm>> -> memref<10240x128xf32, #tpu.memory_space<hbm>>
      %dma_wait3A_66 = arith.constant 0 : i32
      %dma_wait3A_67 = tpu.memref_slice %dma_wait3A_65[%add3A_52, %dma_wait3A_66] : memref<10240x128xf32, #tpu.memory_space<hbm>> -> memref<128x128xf32, #tpu.memory_space<hbm>>
      %dma_wait3A_68 = arith.constant 0 : i32
      %dma_wait3A_69 = tpu.memref_slice %arg10[%add3A_52, %dma_wait3A_68] : memref<10240x128xf32, #tpu.memory_space<vmem_shared>> -> memref<128x128xf32, #tpu.memory_space<vmem_shared>>
      tpu.wait_dma2 semaphore(%run_scoped3A_53 : memref<!tpu.dma_semaphore, #tpu.memory_space<semaphore_mem>>) src(%dma_wait3A_69 : memref<128x128xf32, #tpu.memory_space<vmem_shared>>) dst(%dma_wait3A_67 : memref<128x128xf32, #tpu.memory_space<hbm>>)
      tpu.yield
    }) : () -> ()
    return
  }
}

module attributes {stable_mosaic.version = 14 : i64} {
  func.func @body(%arg0: i32, %arg1: memref<2000x128xf32, #tpu.memory_space<vmem>>, %arg2: memref<128x128xf32, #tpu.memory_space<vmem>>, %arg3: memref<128x128xf32, #tpu.memory_space<vmem>>, %arg4: memref<1x128xf32, #tpu.memory_space<vmem>>, %arg5: memref<2000x128xf32, #tpu.memory_space<vmem>>, %arg6: memref<2000x128xf32, #tpu.memory_space<vmem>>) attributes {dimension_semantics = [#tpu.dimension_semantics<arbitrary>], iteration_bounds = array<i64: 5>, scalar_prefetch = 0 : i64, scratch_operands = 0 : i64, tpu.core_type = #tpu.core_type<tc>, window_params = [{transform_indices = @transform_0, window_bounds = array<i64: 2000, 128>}, {pipeline_mode = #tpu.pipeline_mode<synchronous>, transform_indices = @transform_1, window_bounds = array<i64: 128, 128>}, {pipeline_mode = #tpu.pipeline_mode<synchronous>, transform_indices = @transform_2, window_bounds = array<i64: 128, 128>}, {pipeline_mode = #tpu.pipeline_mode<synchronous>, transform_indices = @transform_3, window_bounds = array<i64: 1, 128>}, {transform_indices = @transform_4, window_bounds = array<i64: 2000, 128>}, {transform_indices = @transform_5, window_bounds = array<i64: 2000, 128>}]} {
    %get3A = arith.constant 0 : index
    %get3A_0 = arith.constant 0 : index
    %get3A_1 = vector.load %arg1[%get3A, %get3A_0] : memref<2000x128xf32, #tpu.memory_space<vmem>>, vector<2000x128xf32>
    %get3A_2 = arith.constant 0 : index
    %get3A_3 = arith.constant 0 : index
    %get3A_4 = vector.load %arg2[%get3A_2, %get3A_3] : memref<128x128xf32, #tpu.memory_space<vmem>>, vector<128x128xf32>
    %dot_general3A = arith.constant dense<0.000000e+00> : vector<2000x128xf32>
    %dot_general3A_5 = tpu.matmul %get3A_1, %get3A_4, %dot_general3A {dimension_numbers = #tpu.dot_dimension_numbers<[1], [1], [0], [0], [0, 0, 1, 0], [], []>, transpose_lhs_hint = false} : vector<2000x128xf32>, vector<128x128xf32>, vector<2000x128xf32> -> vector<2000x128xf32>
    %swap3A = arith.constant 0 : index
    %swap3A_6 = arith.constant 0 : index
    %swap3A_7 = vector.load %arg5[%swap3A, %swap3A_6] : memref<2000x128xf32, #tpu.memory_space<vmem>>, vector<2000x128xf32>
    tpu.vector_store %arg5[%swap3A, %swap3A_6], %dot_general3A_5 {strides = array<i32>} : memref<2000x128xf32, #tpu.memory_space<vmem>>, vector<2000x128xf32>,
    %get3A_8 = arith.constant 0 : index
    %get3A_9 = arith.constant 0 : index
    %get3A_10 = vector.load %arg3[%get3A_8, %get3A_9] : memref<128x128xf32, #tpu.memory_space<vmem>>, vector<128x128xf32>
    %dot_general3A_11 = arith.constant dense<0.000000e+00> : vector<2000x128xf32>
    %dot_general3A_12 = tpu.matmul %get3A_1, %get3A_10, %dot_general3A_11 {dimension_numbers = #tpu.dot_dimension_numbers<[1], [1], [0], [0], [0, 0, 1, 0], [], []>, transpose_lhs_hint = false} : vector<2000x128xf32>, vector<128x128xf32>, vector<2000x128xf32> -> vector<2000x128xf32>
    %get3A_13 = arith.constant 0 : index
    %get3A_14 = arith.constant 0 : index
    %get3A_15 = vector.load %arg4[%get3A_13, %get3A_14] : memref<1x128xf32, #tpu.memory_space<vmem>>, vector<1x128xf32>
    %add3A = vector.broadcast %get3A_15 : vector<1x128xf32> to vector<2000x128xf32>
    %add3A_16 = arith.addf %dot_general3A_12, %add3A : vector<2000x128xf32>
    %swap3A_17 = arith.constant 0 : index
    %swap3A_18 = arith.constant 0 : index
    %swap3A_19 = vector.load %arg6[%swap3A_17, %swap3A_18] : memref<2000x128xf32, #tpu.memory_space<vmem>>, vector<2000x128xf32>
    tpu.vector_store %arg6[%swap3A_17, %swap3A_18], %add3A_16 {strides = array<i32>} : memref<2000x128xf32, #tpu.memory_space<vmem>>, vector<2000x128xf32>,
    return
  }
  func.func @transform_0(%arg0: i32) -> (i32, i32) {
    %c0_i32 = arith.constant 0 : i32
    %c0_i32_0 = arith.constant 0 : i32
    return %arg0, %c0_i32 : i32, i32
  }
  func.func @transform_1(%arg0: i32) -> (i32, i32) {
    %c0_i32 = arith.constant 0 : i32
    %c0_i32_0 = arith.constant 0 : i32
    %c0_i32_1 = arith.constant 0 : i32
    return %c0_i32, %c0_i32_0 : i32, i32
  }
  func.func @transform_2(%arg0: i32) -> (i32, i32) {
    %c0_i32 = arith.constant 0 : i32
    %c0_i32_0 = arith.constant 0 : i32
    %c0_i32_1 = arith.constant 0 : i32
    return %c0_i32, %c0_i32_0 : i32, i32
  }
  func.func @transform_3(%arg0: i32) -> (i32, i32) {
    %c0_i32 = arith.constant 0 : i32
    %c0_i32_0 = arith.constant 0 : i32
    %c0_i32_1 = arith.constant 0 : i32
    return %c0_i32, %c0_i32_0 : i32, i32
  }
  func.func @transform_4(%arg0: i32) -> (i32, i32) {
    %c0_i32 = arith.constant 0 : i32
    %c0_i32_0 = arith.constant 0 : i32
    return %arg0, %c0_i32 : i32, i32
  }
  func.func @transform_5(%arg0: i32) -> (i32, i32) {
    %c0_i32 = arith.constant 0 : i32
    %c0_i32_0 = arith.constant 0 : i32
    return %arg0, %c0_i32 : i32, i32
  }
}

module attributes {stable_mosaic.version = 14 : i64} {
  func.func @body(%arg0: i32, %arg1: memref<2000x128xf32, #tpu.memory_space<vmem>>, %arg2: memref<2000x128xf32, #tpu.memory_space<vmem>>, %arg3: memref<2000x16xf32, #tpu.memory_space<vmem>>, %arg4: memref<2000x16xf32, #tpu.memory_space<vmem>>, %arg5: memref<2000x128xf32, #tpu.memory_space<vmem>>, %arg6: memref<2000x128xf32, #tpu.memory_space<vmem>>, %arg7: memref<128x128xf32, #tpu.memory_space<vmem>>, %arg8: memref<128x128xf32, #tpu.memory_space<vmem>>, %arg9: memref<1x128xf32, #tpu.memory_space<vmem>>, %arg10: memref<2000x128xf32, #tpu.memory_space<vmem>>, %arg11: memref<2000x128xf32, #tpu.memory_space<vmem>>) attributes {dimension_semantics = [#tpu.dimension_semantics<arbitrary>], iteration_bounds = array<i64: 5>, scalar_prefetch = 0 : i64, scratch_operands = 0 : i64, tpu.core_type = #tpu.core_type<tc>, window_params = [{transform_indices = @transform_0, window_bounds = array<i64: 2000, 128>}, {transform_indices = @transform_1, window_bounds = array<i64: 2000, 128>}, {transform_indices = @transform_2, window_bounds = array<i64: 2000, 16>}, {transform_indices = @transform_3, window_bounds = array<i64: 2000, 16>}, {transform_indices = @transform_4, window_bounds = array<i64: 2000, 128>}, {transform_indices = @transform_5, window_bounds = array<i64: 2000, 128>}, {pipeline_mode = #tpu.pipeline_mode<synchronous>, transform_indices = @transform_6, window_bounds = array<i64: 128, 128>}, {pipeline_mode = #tpu.pipeline_mode<synchronous>, transform_indices = @transform_7, window_bounds = array<i64: 128, 128>}, {pipeline_mode = #tpu.pipeline_mode<synchronous>, transform_indices = @transform_8, window_bounds = array<i64: 1, 128>}, {transform_indices = @transform_9, window_bounds = array<i64: 2000, 128>}, {transform_indices = @transform_10, window_bounds = array<i64: 2000, 128>}]} {
    %get3A = arith.constant 0 : index
    %get3A_0 = arith.constant 0 : index
    %get3A_1 = vector.load %arg3[%get3A, %get3A_0] : memref<2000x16xf32, #tpu.memory_space<vmem>>, vector<2000x1xf32>
    %get3A_2 = arith.constant 0 : index
    %get3A_3 = arith.constant 0 : index
    %get3A_4 = vector.load %arg4[%get3A_2, %get3A_3] : memref<2000x16xf32, #tpu.memory_space<vmem>>, vector<2000x1xf32>
    %add3A = arith.addf %get3A_1, %get3A_4 : vector<2000x1xf32>
    %get3A_5 = arith.constant 0 : index
    %get3A_6 = arith.constant 0 : index
    %get3A_7 = vector.load %arg1[%get3A_5, %get3A_6] : memref<2000x128xf32, #tpu.memory_space<vmem>>, vector<2000x128xf32>
    %get3A_8 = arith.constant 0 : index
    %get3A_9 = arith.constant 0 : index
    %get3A_10 = vector.load %arg2[%get3A_8, %get3A_9] : memref<2000x128xf32, #tpu.memory_space<vmem>>, vector<2000x128xf32>
    %add3A_11 = arith.addf %get3A_7, %get3A_10 : vector<2000x128xf32>
    %max3A = arith.constant 1.000000e+00 : f32
    %max3A_12 = vector.broadcast %max3A : f32 to vector<2000x1xf32>
    %max3A_13 = arith.maximumf %add3A, %max3A_12 : vector<2000x1xf32>
    %div3A = vector.broadcast %max3A_13 : vector<2000x1xf32> to vector<2000x128xf32>
    %div3A_14 = arith.divf %add3A_11, %div3A : vector<2000x128xf32>
    %get3A_15 = arith.constant 0 : index
    %get3A_16 = arith.constant 0 : index
    %get3A_17 = vector.load %arg5[%get3A_15, %get3A_16] : memref<2000x128xf32, #tpu.memory_space<vmem>>, vector<2000x128xf32>
    %add3A_18 = arith.addf %div3A_14, %get3A_17 : vector<2000x128xf32>
    %get3A_19 = arith.constant 0 : index
    %get3A_20 = arith.constant 0 : index
    %get3A_21 = vector.load %arg6[%get3A_19, %get3A_20] : memref<2000x128xf32, #tpu.memory_space<vmem>>, vector<2000x128xf32>
    %mul3A = arith.mulf %add3A_18, %get3A_21 : vector<2000x128xf32>
    %max3A_22 = arith.constant 0.000000e+00 : f32
    %max3A_23 = vector.broadcast %max3A_22 : f32 to vector<2000x128xf32>
    %max3A_24 = arith.maximumf %mul3A, %max3A_23 : vector<2000x128xf32>
    %get3A_25 = arith.constant 0 : index
    %get3A_26 = arith.constant 0 : index
    %get3A_27 = vector.load %arg7[%get3A_25, %get3A_26] : memref<128x128xf32, #tpu.memory_space<vmem>>, vector<128x128xf32>
    %dot_general3A = arith.constant dense<0.000000e+00> : vector<2000x128xf32>
    %dot_general3A_28 = tpu.matmul %max3A_24, %get3A_27, %dot_general3A {dimension_numbers = #tpu.dot_dimension_numbers<[1], [1], [0], [0], [0, 0, 1, 0], [], []>, transpose_lhs_hint = false} : vector<2000x128xf32>, vector<128x128xf32>, vector<2000x128xf32> -> vector<2000x128xf32>
    %swap3A = arith.constant 0 : index
    %swap3A_29 = arith.constant 0 : index
    %swap3A_30 = vector.load %arg10[%swap3A, %swap3A_29] : memref<2000x128xf32, #tpu.memory_space<vmem>>, vector<2000x128xf32>
    tpu.vector_store %arg10[%swap3A, %swap3A_29], %dot_general3A_28 {strides = array<i32>} : memref<2000x128xf32, #tpu.memory_space<vmem>>, vector<2000x128xf32>,
    %get3A_31 = arith.constant 0 : index
    %get3A_32 = arith.constant 0 : index
    %get3A_33 = vector.load %arg8[%get3A_31, %get3A_32] : memref<128x128xf32, #tpu.memory_space<vmem>>, vector<128x128xf32>
    %dot_general3A_34 = arith.constant dense<0.000000e+00> : vector<2000x128xf32>
    %dot_general3A_35 = tpu.matmul %max3A_24, %get3A_33, %dot_general3A_34 {dimension_numbers = #tpu.dot_dimension_numbers<[1], [1], [0], [0], [0, 0, 1, 0], [], []>, transpose_lhs_hint = false} : vector<2000x128xf32>, vector<128x128xf32>, vector<2000x128xf32> -> vector<2000x128xf32>
    %get3A_36 = arith.constant 0 : index
    %get3A_37 = arith.constant 0 : index
    %get3A_38 = vector.load %arg9[%get3A_36, %get3A_37] : memref<1x128xf32, #tpu.memory_space<vmem>>, vector<1x128xf32>
    %add3A_39 = vector.broadcast %get3A_38 : vector<1x128xf32> to vector<2000x128xf32>
    %add3A_40 = arith.addf %dot_general3A_35, %add3A_39 : vector<2000x128xf32>
    %swap3A_41 = arith.constant 0 : index
    %swap3A_42 = arith.constant 0 : index
    %swap3A_43 = vector.load %arg11[%swap3A_41, %swap3A_42] : memref<2000x128xf32, #tpu.memory_space<vmem>>, vector<2000x128xf32>
    tpu.vector_store %arg11[%swap3A_41, %swap3A_42], %add3A_40 {strides = array<i32>} : memref<2000x128xf32, #tpu.memory_space<vmem>>, vector<2000x128xf32>,
    return
  }
  func.func @transform_0(%arg0: i32) -> (i32, i32) {
    %c0_i32 = arith.constant 0 : i32
    %c0_i32_0 = arith.constant 0 : i32
    return %arg0, %c0_i32 : i32, i32
  }
  func.func @transform_1(%arg0: i32) -> (i32, i32) {
    %c0_i32 = arith.constant 0 : i32
    %c0_i32_0 = arith.constant 0 : i32
    return %arg0, %c0_i32 : i32, i32
  }
  func.func @transform_2(%arg0: i32) -> (i32, i32) {
    %c0_i32 = arith.constant 0 : i32
    %c0_i32_0 = arith.constant 0 : i32
    return %arg0, %c0_i32 : i32, i32
  }
  func.func @transform_3(%arg0: i32) -> (i32, i32) {
    %c0_i32 = arith.constant 0 : i32
    %c0_i32_0 = arith.constant 0 : i32
    return %arg0, %c0_i32 : i32, i32
  }
  func.func @transform_4(%arg0: i32) -> (i32, i32) {
    %c0_i32 = arith.constant 0 : i32
    %c0_i32_0 = arith.constant 0 : i32
    return %arg0, %c0_i32 : i32, i32
  }
  func.func @transform_5(%arg0: i32) -> (i32, i32) {
    %c0_i32 = arith.constant 0 : i32
    %c0_i32_0 = arith.constant 0 : i32
    return %arg0, %c0_i32 : i32, i32
  }
  func.func @transform_6(%arg0: i32) -> (i32, i32) {
    %c0_i32 = arith.constant 0 : i32
    %c0_i32_0 = arith.constant 0 : i32
    %c0_i32_1 = arith.constant 0 : i32
    return %c0_i32, %c0_i32_0 : i32, i32
  }
  func.func @transform_7(%arg0: i32) -> (i32, i32) {
    %c0_i32 = arith.constant 0 : i32
    %c0_i32_0 = arith.constant 0 : i32
    %c0_i32_1 = arith.constant 0 : i32
    return %c0_i32, %c0_i32_0 : i32, i32
  }
  func.func @transform_8(%arg0: i32) -> (i32, i32) {
    %c0_i32 = arith.constant 0 : i32
    %c0_i32_0 = arith.constant 0 : i32
    %c0_i32_1 = arith.constant 0 : i32
    return %c0_i32, %c0_i32_0 : i32, i32
  }
  func.func @transform_9(%arg0: i32) -> (i32, i32) {
    %c0_i32 = arith.constant 0 : i32
    %c0_i32_0 = arith.constant 0 : i32
    return %arg0, %c0_i32 : i32, i32
  }
  func.func @transform_10(%arg0: i32) -> (i32, i32) {
    %c0_i32 = arith.constant 0 : i32
    %c0_i32_0 = arith.constant 0 : i32
    return %arg0, %c0_i32 : i32, i32
  }
}

module attributes {stable_mosaic.version = 14 : i64} {
  func.func @body(%arg0: i32, %arg1: memref<2000x128xf32, #tpu.memory_space<vmem>>, %arg2: memref<2000x128xf32, #tpu.memory_space<vmem>>, %arg3: memref<2000x16xf32, #tpu.memory_space<vmem>>, %arg4: memref<2000x16xf32, #tpu.memory_space<vmem>>, %arg5: memref<2000x128xf32, #tpu.memory_space<vmem>>, %arg6: memref<2000x128xf32, #tpu.memory_space<vmem>>) attributes {dimension_semantics = [#tpu.dimension_semantics<arbitrary>], iteration_bounds = array<i64: 5>, scalar_prefetch = 0 : i64, scratch_operands = 0 : i64, tpu.core_type = #tpu.core_type<tc>, window_params = [{transform_indices = @transform_0, window_bounds = array<i64: 2000, 128>}, {transform_indices = @transform_1, window_bounds = array<i64: 2000, 128>}, {transform_indices = @transform_2, window_bounds = array<i64: 2000, 16>}, {transform_indices = @transform_3, window_bounds = array<i64: 2000, 16>}, {transform_indices = @transform_4, window_bounds = array<i64: 2000, 128>}, {transform_indices = @transform_5, window_bounds = array<i64: 2000, 128>}]} {
    %get3A = arith.constant 0 : index
    %get3A_0 = arith.constant 0 : index
    %get3A_1 = vector.load %arg3[%get3A, %get3A_0] : memref<2000x16xf32, #tpu.memory_space<vmem>>, vector<2000x1xf32>
    %get3A_2 = arith.constant 0 : index
    %get3A_3 = arith.constant 0 : index
    %get3A_4 = vector.load %arg4[%get3A_2, %get3A_3] : memref<2000x16xf32, #tpu.memory_space<vmem>>, vector<2000x1xf32>
    %add3A = arith.addf %get3A_1, %get3A_4 : vector<2000x1xf32>
    %get3A_5 = arith.constant 0 : index
    %get3A_6 = arith.constant 0 : index
    %get3A_7 = vector.load %arg1[%get3A_5, %get3A_6] : memref<2000x128xf32, #tpu.memory_space<vmem>>, vector<2000x128xf32>
    %get3A_8 = arith.constant 0 : index
    %get3A_9 = arith.constant 0 : index
    %get3A_10 = vector.load %arg2[%get3A_8, %get3A_9] : memref<2000x128xf32, #tpu.memory_space<vmem>>, vector<2000x128xf32>
    %add3A_11 = arith.addf %get3A_7, %get3A_10 : vector<2000x128xf32>
    %max3A = arith.constant 1.000000e+00 : f32
    %max3A_12 = vector.broadcast %max3A : f32 to vector<2000x1xf32>
    %max3A_13 = arith.maximumf %add3A, %max3A_12 : vector<2000x1xf32>
    %div3A = vector.broadcast %max3A_13 : vector<2000x1xf32> to vector<2000x128xf32>
    %div3A_14 = arith.divf %add3A_11, %div3A : vector<2000x128xf32>
    %get3A_15 = arith.constant 0 : index
    %get3A_16 = arith.constant 0 : index
    %get3A_17 = vector.load %arg5[%get3A_15, %get3A_16] : memref<2000x128xf32, #tpu.memory_space<vmem>>, vector<2000x128xf32>
    %add3A_18 = arith.addf %div3A_14, %get3A_17 : vector<2000x128xf32>
    %swap3A = arith.constant 0 : index
    %swap3A_19 = arith.constant 0 : index
    %swap3A_20 = vector.load %arg6[%swap3A, %swap3A_19] : memref<2000x128xf32, #tpu.memory_space<vmem>>, vector<2000x128xf32>
    tpu.vector_store %arg6[%swap3A, %swap3A_19], %add3A_18 {strides = array<i32>} : memref<2000x128xf32, #tpu.memory_space<vmem>>, vector<2000x128xf32>,
    return
  }
  func.func @transform_0(%arg0: i32) -> (i32, i32) {
    %c0_i32 = arith.constant 0 : i32
    %c0_i32_0 = arith.constant 0 : i32
    return %arg0, %c0_i32 : i32, i32
  }
  func.func @transform_1(%arg0: i32) -> (i32, i32) {
    %c0_i32 = arith.constant 0 : i32
    %c0_i32_0 = arith.constant 0 : i32
    return %arg0, %c0_i32 : i32, i32
  }
  func.func @transform_2(%arg0: i32) -> (i32, i32) {
    %c0_i32 = arith.constant 0 : i32
    %c0_i32_0 = arith.constant 0 : i32
    return %arg0, %c0_i32 : i32, i32
  }
  func.func @transform_3(%arg0: i32) -> (i32, i32) {
    %c0_i32 = arith.constant 0 : i32
    %c0_i32_0 = arith.constant 0 : i32
    return %arg0, %c0_i32 : i32, i32
  }
  func.func @transform_4(%arg0: i32) -> (i32, i32) {
    %c0_i32 = arith.constant 0 : i32
    %c0_i32_0 = arith.constant 0 : i32
    return %arg0, %c0_i32 : i32, i32
  }
  func.func @transform_5(%arg0: i32) -> (i32, i32) {
    %c0_i32 = arith.constant 0 : i32
    %c0_i32_0 = arith.constant 0 : i32
    return %arg0, %c0_i32 : i32, i32
  }
}

</mosaic_0001>

<sc_bundles>
// kernel: kernel.10.cloned.1.call-start
scs
__scs_entry_jumppad:
0x0: {  	(pc) =	sbr.rel $0x88, $3  }
0x1: {  	(tag) =	ssettag $0x0;
	lr =	simm.s32 $0x1  }
0x2: {  	[smem:$0x3F96] =	sst lr;
	_ =	strace $0xD0000000  }
0x3: {  	_ = 	snop  }
0x4: {  	_ = 	snop  }
0x5: {  	_ = 	snop  }
0x6: {  	_ = 	snop  }
0x7: {  	_ = 	snop  }
__scs_overlays_trampoline_lowered:
0x8: {  	[smem:$0x3FA5] =	sst s0  }
0x9: {  	[smem:$0x3FA6] =	sst s1  }
0xa: {  	[smem:$0x3FA7] =	sst s2  }
0xb: {  	[smem:$0x3FA8] =	sst s3  }
0xc: {  	[smem:$0x3FA9] =	sst s4  }
0xd: {  	[smem:$0x3FAA] =	sst s5  }
0xe: {  	[smem:$0x3FAB] =	sst s6  }
0xf: {  	[smem:$0x3FAC] =	sst s7  }
0x10: {  	[smem:$0x3FAD] =	sst s8  }
0x11: {  	[smem:$0x3FAE] =	sst s9;
	s0 =	simm.s32 @!p0 $0x0  }
0x12: {  	s1 =	sld [smem:$0x3F94];
	s0 =	simm.s32 @p0 $0x1  }
0x13: {  	[smem:$0x3FAF] =	sst s0;
	s0 =	simm.s32 @!p1 $0x0  }
0x14: {  	s2 =	sld [smem:$0x3F93];
	s0 =	simm.s32 @p1 $0x1  }
0x15: {  	[smem:$0x3FB0] =	sst s0;
	s0 =	simm.s32 @!p2 $0x0  }
0x16: {  	s3 =	sld [smem:$0x3FDB];
	s0 =	simm.s32 @p2 $0x1  }
0x17: {  	s4 =	simm.s32 $0x1BF5;
	[smem:$0x3FB2] =	sst s0  }
0x18: {  	s0 =	sld [smem:$0x3F95];
	_ =	swait.ge [sflag:s4], $0x0  }
0x19: {  	s7 =	sld [smem:$0x3F96]  }
0x1a: {  	s8 =	sadd.s32 $0xFFFFE003, lr  }
0x1b: {  	s9 =	sadd.s32 $0xFFFFFEF7, lr;
	s5 =	simm.s32 $0xFFFFFFFF;
	p2 =	slt.u32 s8, $0xFFFFF086  }
0x1c: {  	p1 =	slt.u32 s9, $0xF7A;
	s5 =	simm.s32 @!p2 $0x0  }
0x1d: {  	s5 =	simm.s32 @p1 $0x1;
	p0 =	seq.s32 s7, s2  }
0x1e: {  	s7 =	smul.u32 @!p0 $0xF7A, s2;
	p2 =	seq.s32 @!p0 s5, $0x0  }
0x1f: {  	s9 =	smul.u32 $0xF7A, s1;
	s8 =	simm.s32 @!p0 $0x1BF5;
	p2 =	por !p2, p0  }
0x20: {  	[sflag:s8] =	ssyncset.s32 @!p0 $0xFFFFF086;
	s6 =	sadd.s32 @!p0 s3, s7;
	s7 =	simm.s32 @!p0 $0x108  }
0x21: {  	s3 =	sadd.s32 s3, s9;
	s6 =	sadd.s32 @!p0 $0x88, s6;
	s7 =	simm.s32 @p2 $0x1082  }
0x22: {  	[simem:s7], [sflag:s8] =	dma.local @!p0 [hbm:s6], $0xF7A  }
0x23: {  	s9 =	sor.u32 $0xD0000000, s2;
	s6 =	simm.s32 $0x108;
	_ =	swait.ge @!p0 [sflag:s8], $0x0  }
0x24: {  	s3 =	sadd.s32 $0x88, s3;
	s6 =	simm.s32 @!p1 $0x1082;
	[sflag:s4] =	ssyncset.s32 $0xFFFFF086  }
0x25: {  	[simem:s6], [sflag:s4] =	dma.local [hbm:s3], $0xF7A  }
0x26: {  	[smem:$0x3F96] =	sst s1;
	(tag) =	ssettag s2;
	_ =	strace s9  }
0x27: {  	s1 =	sld [smem:$0x3FA6]  }
0x28: {  	s2 =	sld [smem:$0x3FA7]  }
0x29: {  	s4 =	sld [smem:$0x3FA9]  }
0x2a: {  	p0 =	seq.s32 s5, $0x0;
	s5 =	sld [smem:$0x3FAA]  }
0x2b: {  	s6 =	sld [smem:$0x3FAB]  }
0x2c: {  	s7 =	sld [smem:$0x3FAC]  }
0x2d: {  	s3 =	simm.s32 $0x108;
	s8 =	sld [smem:$0x3FAD]  }
0x2e: {  	s3 =	simm.s32 @!p0 $0x1082;
	s9 =	sld [smem:$0x3FAE]  }
0x2f: {  	lr =	sadd.s32 s0, s3;
	s0 =	sld [smem:$0x3FA5]  }
0x30: {  	s3 =	sld [smem:$0x3FA8]  }
0x31: {  	[smem:$0x3FB1] =	sst s10  }
0x32: {  	s10 =	sld [smem:$0x3FAF];
	_ =	sdelay $0x3  }
0x33: {  	p0 =	seq.s32 s10, $0x1;
	s10 =	sld [smem:$0x3FB1];
	_ =	sdelay $0x3  }
0x34: {  	[smem:$0x3FB1] =	sst s10  }
0x35: {  	s10 =	sld [smem:$0x3FB0];
	_ =	sdelay $0x3  }
0x36: {  	p1 =	seq.s32 s10, $0x1;
	s10 =	sld [smem:$0x3FB1];
	_ =	sdelay $0x3  }
0x37: {  	[smem:$0x3FB1] =	sst s10  }
0x38: {  	s10 =	sld [smem:$0x3FB2]  }
0x39: {  	_ = 	snop;
	(pc) =	sbr.ind lr, $3  }
0x3a: {  	_ = 	snop  }
0x3b: {  	_ = 	snop  }
0x3c: {  	p2 =	seq.s32 s10, $0x1;
	s10 =	sld [smem:$0x3FB1]  }
0x3d: {  	_ =	shalt  }
0x3e: {  	_ =	shalt  }
0x3f: {  	_ =	shalt  }
0x40: {  	_ =	shalt  }
0x41: {  	_ =	shalt  }
0x42: {  	_ =	shalt  }
0x43: {  	_ =	shalt  }
0x44: {  	_ =	shalt  }
0x45: {  	_ =	shalt  }
0x46: {  	_ =	shalt  }
0x47: {  	_ =	shalt  }
0x48: {  	_ =	shalt  }
0x49: {  	_ =	shalt  }
0x4a: {  	_ =	shalt  }
0x4b: {  	_ =	shalt  }
0x4c: {  	_ =	shalt  }
0x4d: {  	_ =	shalt  }
0x4e: {  	_ =	shalt  }
0x4f: {  	_ =	shalt  }
0x50: {  	_ =	shalt  }
0x51: {  	_ =	shalt  }
0x52: {  	_ =	shalt  }
0x53: {  	_ =	shalt  }
0x54: {  	_ =	shalt  }
0x55: {  	_ =	shalt  }
0x56: {  	_ =	shalt  }
0x57: {  	_ =	shalt  }
0x58: {  	_ =	shalt  }
0x59: {  	_ =	shalt  }
0x5a: {  	_ =	shalt  }
0x5b: {  	_ =	shalt  }
0x5c: {  	_ =	shalt  }
0x5d: {  	_ =	shalt  }
0x5e: {  	_ =	shalt  }
0x5f: {  	_ =	shalt  }
0x60: {  	_ =	shalt  }
0x61: {  	_ =	shalt  }
0x62: {  	_ =	shalt  }
0x63: {  	_ =	shalt  }
0x64: {  	_ =	shalt  }
0x65: {  	_ =	shalt  }
0x66: {  	_ =	shalt  }
0x67: {  	_ =	shalt  }
0x68: {  	_ =	shalt  }
0x69: {  	_ =	shalt  }
0x6a: {  	_ =	shalt  }
0x6b: {  	_ =	shalt  }
0x6c: {  	_ =	shalt  }
0x6d: {  	_ =	shalt  }
0x6e: {  	_ =	shalt  }
0x6f: {  	_ =	shalt  }
0x70: {  	_ =	shalt  }
0x71: {  	_ =	shalt  }
0x72: {  	_ =	shalt  }
0x73: {  	_ =	shalt  }
0x74: {  	_ =	shalt  }
0x75: {  	_ =	shalt  }
0x76: {  	_ =	shalt  }
0x77: {  	_ =	shalt  }
0x78: {  	_ =	shalt  }
0x79: {  	_ =	shalt  }
0x7a: {  	_ =	shalt  }
0x7b: {  	_ =	shalt  }
0x7c: {  	_ =	shalt  }
0x7d: {  	_ =	shalt  }
0x7e: {  	_ =	shalt  }
0x7f: {  	_ =	shalt  }
0x80: {  	_ =	shalt  }
0x81: {  	_ =	shalt  }
0x82: {  	_ =	shalt  }
0x83: {  	_ =	shalt  }
0x84: {  	_ =	shalt  }
0x85: {  	_ =	shalt  }
0x86: {  	_ =	shalt  }
0x87: {  	_ =	shalt  }
.Lfunc_end0:
.L_simem_size_0:
called_computation_lowered:
.L_overlay_start_0:
0x88: {  	s2 =	sld [smem:$0x3FD9]  }
0x89: {  	s3 =	sld [smem:$0x3FFE];
	_ =	sdelay $0x1  }
0x8a: {  	s1 =	srdreg.scid  }
0x8b: {  	s0 =	sand.u32 $0x1, s1  }
0x8c: {  	s16 =	sshll.u32 s0, $0xA;
	s2 =	sadd.s32 s3, s2  }
0x8d: {  	s2 =	sadd.s32 s2, s16  }
0x8e: {  	[smem:$0x3FBD] =	sst s2  }
0x8f: {  	_ = 	snop  }
0x90: {  	(tm) =	ssettm $0x1  }
0x91: {  	s17 =	sld [smem:$0x3FFB];
	_ =	sdelay $0x3  }
0x92: {  	_ =	strace s17  }
0x93: {  	s2 =	sld [smem:$0x3FFC];
	_ =	sdelay $0x3  }
0x94: {  	_ =	strace s2  }
0x95: {  	s2 =	sld [smem:$0x3FFD];
	_ =	sdelay $0x3  }
0x96: {  	_ =	strace s2  }
0x97: {  	_ =	strace $0x8FFFFFFF  }
0x98: {  	s18 =	sld [smem:$0x3FDB];
	_ =	sdelay $0x1  }
0x99: {  	s19 =	simm.s32 $_scs_section_size  }
0x9a: {  	s4 =	simm.s32 $_size__tile_overlayer_lowered;
	s5 =	simm.s32 $_tile_overlayer_lowered  }
0x9b: {  	s22 =	simm.s32 $0x1BFF;
	s21 =	sshll.u32 s5, $0x1;
	s2 =	sadd.s32 s19, s18  }
0x9c: {  	s6 =	simm.s32 $0x0;
	s20 =	sshll.u32 s4, $0x1;
	s4 =	sadd.s32 s21, s2  }
0x9d: {  	[timem:s6], [sflag:s22] =	dma.local [hbm:s4], s20  }
0x9e: {  	_ =	swait.ge [sflag:s22], s20  }
0x9f: {  	s3 =	ssub.s32 $0x0, s20;
	[sflag:s22] =	ssyncset.done $0x0  }
0xa0: {  	[sflag:s22] =	ssyncadd.s32 s3;
	_ =	sdelay $0x1  }
0xa1: {  	s23 =	simm.s32 $0x1B8B  }
0xa2: {  	_ =	swait.ge [sflag:s23], $0x1  }
0xa3: {  	[sflag:s23] =	ssyncset.done $0x0  }
0xa4: {  	s25 =	simm.s32 $0x1B8E;
	s24 =	sld [smem:$0x3FFE];
	[sflag:s23] =	ssyncadd.s32 $0xFFFFFFFF  }
0xa5: {  	s26 =	simm.s32 $execute0_lowered;
	[smem:$0x3FD2] =	sst s25  }
0xa6: {  	s4 =	sshll.u32 s26, $0x1;
	_ =	strace $0x80000046;
	[dreg:$0x1] =	wrdreg $0xFFFFFFFF  }
0xa7: {  	s28 =	simm.s32 $_size_execute0_lowered;
	s2 =	sadd.s32 s2, s4;
	[dreg:$0x0] =	wrdreg $0x0  }
0xa8: {  	s4 =	sshll.u32 s28, $0x1;
	[dreg:$0x2] =	wrdreg s2  }
0xa9: {  	[dreg:$0x3] =	wrdreg s4  }
0xaa: {  	[dreg:$0x4] =	wrdreg $0xC0  }
0xab: {  	_ =	task [dreg:s6], $0x5FFFF  }
0xac: {  	[dreg:$0x1] =	wrdreg $0xFFFFFFFF  }
0xad: {  	[dreg:$0x0] =	wrdreg $0x60  }
0xae: {  	[dreg:$0x2] =	wrdreg s24  }
0xaf: {  	[dreg:$0x3] =	wrdreg $0x34100  }
0xb0: {  	[dreg:$0x4] =	wrdreg $0x9  }
0xb1: {  	_ =	task.clear_ibuf [dreg:s6], $0x5FFFF;
	_ =	strace $0x90000046  }
0xb2: {  	s29 =	simm.s32 $0x9;
	_ =	strace $0x80000048  }
0xb3: {  	_ =	swait.ge [sflag:s29], $0x1  }
0xb4: {  	[sflag:s29] =	ssyncadd.s32 $0xFFFFFFFF  }
0xb5: {  	_ =	strace $0x90000048  }
0xb6: {  	_ =	sfence  }
0xb7: {  	s30 =	sld [smem:$0x0];
	_ =	sdelay $0x2  }
0xb8: {  	s31 =	sshll.u32 s1, $0xD;
	s1 =	sshrl.u32 s1, $0x2  }
0xb9: {  	s3 =	sand.u32 $0x4000, s31;
	s1 =	sadd.s32 s1, s30  }
0xba: {  	s0 =	sor.u32 s3, s0;
	s1 =	sshll.u32 s1, $0x11  }
0xbb: {  	s0 =	sor.u32 s1, s0  }
0xbc: {  	s0 =	sadd.s32 $0x8F2B, s0  }
0xbd: {  	[sflag:s0] =	ssyncadd.remote.s32 $0x1  }
0xbe: {  	_ =	sfence.sel $0xFFFF  }
0xbf: {  	[dreg:$0x0] =	wrdreg $0xFFFFFFFF;
	(pc) =	sbr.abs _section_cstart, $3  }
0xc0: {  	[dreg:$0x1] =	wrdreg $0xFFFFFFFF  }
0xc1: {  	_ =	task.clear_ibuf [dreg:s6], $0x2FFFF;
	_ =	strace $0x9FFFFFFF  }
0xc2: {  	(tm) =	ssettm $0x7FFFFFFF  }
0xc3: {  	_ =	shalt  }
tec
execute0_lowered:
.L_overlay_start_1:
0x0: {  	(tag) =	ssettag $0x1  }
0x1: {  	s5 =	rddreg [dreg:$0x0]  }
0x2: {  	s0 =	srdreg.scid;
	s2 =	rddreg [dreg:$0x1];
	s3 =	simm.s32 $0x0  }
0x3: {  	s4 =	sand.u32 $0x1, s0;
	s0 =	stileid.u32;
	[smem:$0x7FF] =	sst s3  }
0x4: {  	s1 =	sshll.u32 s4, $0x4;
	s7 =	smul.u32 $0x5000, s4;
	s4 =	ssub.s32 $0x2, s4  }
0x5: {  	s10 =	smul.u32 $0x2800, s0;
	s1 =	sor.u32 s0, s1;
	s31 =	sshrl.u32 s4, $0x1  }
0x6: {  	s6 =	smul.u32 $0x4E2, s1;
	s1 =	rddreg [dreg:$0x2];
	_ =	strace $0x80000047  }
0x7: {  	s11 =	sadd.s32 s7, s5;
	s12 =	sadd.s32 $0x800, s10;
	s13 =	ssub.s32 s4, s31  }
0x8: {  	s4 =	sadd.s32 s10, s2;
	s14 =	sadd.s32 $0x1000, s10;
	s15 =	sadd.s32 $0x1800, s10  }
0x9: {  	s16 =	sadd.s32 $0x2000, s10;
	s17 =	sshrl.u32 s10, $0x3;
	s7 =	sadd.s32 s15, s2  }
0xa: {  	s8 =	sadd.s32 s16, s2;
	s20 =	sadd.s32 $0x19800, s11;
	s18 =	sshrl.u32 s12, $0x3  }
0xb: {  	s19 =	sshrl.u32 s14, $0x3;
	s21 =	sshrl.u32 s15, $0x3;
	s22 =	sshrl.u32 s16, $0x3  }
0xc: {  	s10 =	smax.u32 s13, $0x1;
	s11 =	simm.s32 $0x2C10;
	s13 =	simm.s32 $0x50  }
0xd: {  	s15 =	simm.s32 $0x1;
	s9 =	sadd.s32 s6, s5;
	s5 =	sadd.s32 s12, s2  }
0xe: {  	s6 =	sadd.s32 s14, s2;
	s12 =	simm.s32 $0x2;
	s14 =	simm.s32 $0x2710  }
0xf: {  	s16 =	sadd.s32 s17, s20;
	s17 =	sadd.s32 s18, s20;
	s18 =	sadd.s32 s19, s20  }
0x10: {  	v0 =	vimm.f32 $0.0e+00;
	v1 =	vimm.f32 $1.000000000e+00;
	s19 =	sadd.s32 s21, s20;
	s20 =	sadd.s32 s22, s20;
	s9 =	sadd.s32 $0x5C00, s9  }
.LBB2_1:
0x11: {  	s21 =	simm.s32 $0x40;
	s22 =	simm.s32 $0x0  }
.LBB2_2:
0x12: {  	p0 =	sne.s32 s21, $0x1FC0;
	[tilespmem:s22+$0x2C10] =	vst v0;
	s22 =	smov.u32 s21;
	s21 =	sadd.s32 $0x40, s21  }
.Ltmp0:
0x13: {  	(pc) =	sbr.rel @p0 .LBB2_2-.Ltmp0, $2  }
0x14: {  	_ =	sdelay $0x2  }
0x15: {  	s22 =	sshra.s32 s22, $0x2  }
0x16: {  	[tilespmem:s22+$0x2C10] =	vst v0  }
0x17: {  	[spmem:s4] =	stream.linear.scatter [tilespmem:s11], [sflag:$0x2], $0x800, $0x38;
	[tilespmem:$0x5C10] =	vst v63  }
0x18: {  	_ =	swait.ge [sflag:s12], $0x800  }
0x19: {  	[sflag:s12] =	ssyncset.done $0x0  }
0x1a: {  	[sflag:s12] =	ssyncadd.s32 $0xFFFFF800  }
0x1b: {  	[spmem:s5] =	stream.linear.scatter [tilespmem:s11], [sflag:$0x2], $0x800, $0x38;
	[tilespmem:$0x5C10] =	vst v63  }
0x1c: {  	_ =	swait.ge [sflag:s12], $0x800  }
0x1d: {  	[sflag:s12] =	ssyncset.done $0x0  }
0x1e: {  	[sflag:s12] =	ssyncadd.s32 $0xFFFFF800  }
0x1f: {  	[spmem:s6] =	stream.linear.scatter [tilespmem:s11], [sflag:$0x2], $0x800, $0x38;
	[tilespmem:$0x5C10] =	vst v63  }
0x20: {  	_ =	swait.ge [sflag:s12], $0x800  }
0x21: {  	[sflag:s12] =	ssyncset.done $0x0  }
0x22: {  	[sflag:s12] =	ssyncadd.s32 $0xFFFFF800  }
0x23: {  	[spmem:s7] =	stream.linear.scatter [tilespmem:s11], [sflag:$0x2], $0x800, $0x38;
	[tilespmem:$0x5C10] =	vst v63  }
0x24: {  	_ =	swait.ge [sflag:s12], $0x800  }
0x25: {  	[sflag:s12] =	ssyncset.done $0x0  }
0x26: {  	[sflag:s12] =	ssyncadd.s32 $0xFFFFF800  }
0x27: {  	[spmem:s8] =	stream.linear.scatter [tilespmem:s11], [sflag:$0x2], $0x800, $0x38;
	[tilespmem:$0x5C10] =	vst v63  }
0x28: {  	_ =	swait.ge [sflag:s12], $0x800  }
0x29: {  	[sflag:s12] =	ssyncset.done $0x0  }
0x2a: {  	s21 =	simm.s32 $0x40;
	s22 =	simm.s32 $0x0;
	[sflag:s12] =	ssyncadd.s32 $0xFFFFF800  }
.LBB2_4:
0x2b: {  	p0 =	sne.s32 s21, $0x13C0;
	[tilespmem:s22+$0x2710] =	vst v1;
	s22 =	smov.u32 s21;
	s21 =	sadd.s32 $0x40, s21  }
.Ltmp1:
0x2c: {  	(pc) =	sbr.rel @p0 .LBB2_4-.Ltmp1, $2  }
0x2d: {  	_ =	sdelay $0x2  }
0x2e: {  	s22 =	sshra.s32 s22, $0x2  }
0x2f: {  	[tilespmem:s22+$0x2710] =	vst v1;
	s21 =	simm.s32 $0x0  }
0x30: {  	[tilespmem:s21], [sflag:$0x2] =	stream.linear.gather [hbm4b:s9+s21], $0x2710, $0x38;
	[tilespmem:$0x5C10] =	vst v63  }
0x31: {  	_ =	swait.ge [sflag:s12], $0x2710  }
0x32: {  	[sflag:s12] =	ssyncset.done $0x0  }
0x33: {  	[sflag:s12] =	ssyncadd.s32 $0xFFFFD8F0  }
0x34: {  	[bflag:$0x0] =	sbarrier.arrive $0xFFFF  }
.LBB2_6:
0x35: {  	p0 =	sne.s32 s21, $0x9B00  }
.Ltmp2:
0x36: {  	_ = 	snop;
	(pc) =	sbr.rel @p0 .LBB2_6-.Ltmp2, $3  }
0x37: {  	_ =	sdelay $0x1  }
0x38: {  	s22 =	sshra.s32 s21, $0x2;
	s21 =	sadd.s32 $0x140, s21  }
0x39: {  	[spmem:s2] =	stream.indirect.scatter.add.f32 [tilespmem:s14], [sflag:$0x1], $0x10, s22, s13, $0xb8;
	[tilespmem:$0x5C10] =	vst v63  }
0x3a: {  	_ =	swait.ge [sflag:s15], $0x500  }
0x3b: {  	s21 =	simm.s32 $0x7C;
	[sflag:s15] =	ssyncset.done $0x0  }
.LBB2_8:
0x3c: {  	p0 =	sne.s32 s21, $0x1;
	s21 =	sadd.s32 $0xFFFFFFFF, s21;
	[sflag:s15] =	ssyncadd.s32 $0xFFFFFB00  }
.Ltmp3:
0x3d: {  	(pc) =	sbr.rel @p0 .LBB2_8-.Ltmp3, $3  }
0x3e: {  	_ =	sdelay $0x1  }
0x3f: {  	_ =	swait.ge [sflag:s15], $0x500  }
0x40: {  	[sflag:s15] =	ssyncset.done $0x0  }
0x41: {  	[sflag:s15] =	ssyncadd.s32 $0xFFFFFB00;
	s21 =	sshll.u32 s0, $0x6  }
0x42: {  	s22 =	sshrl.u32 s4, $0x3;
	[bflag:$0x0] =	sbarrier.arrive $0xFFFF;
	s21 =	sor.u32 $0x1C02, s21  }
0x43: {  	[hbm:s16], [sflag:s21] =	dma.local [spmem:s22], $0x100  }
0x44: {  	_ =	swait.ge [sflag:s12], $0x100  }
0x45: {  	[sflag:s12] =	ssyncset.done $0x0  }
0x46: {  	s28 =	sshrl.u32 s5, $0x3;
	[sflag:s12] =	ssyncadd.s32 $0xFFFFFF00  }
0x47: {  	[hbm:s17], [sflag:s21] =	dma.local [spmem:s28], $0x100  }
0x48: {  	_ =	swait.ge [sflag:s12], $0x100  }
0x49: {  	[sflag:s12] =	ssyncset.done $0x0  }
0x4a: {  	s29 =	sshrl.u32 s6, $0x3;
	[sflag:s12] =	ssyncadd.s32 $0xFFFFFF00  }
0x4b: {  	[hbm:s18], [sflag:s21] =	dma.local [spmem:s29], $0x100  }
0x4c: {  	_ =	swait.ge [sflag:s12], $0x100  }
0x4d: {  	[sflag:s12] =	ssyncset.done $0x0  }
0x4e: {  	s30 =	sshrl.u32 s7, $0x3;
	[sflag:s12] =	ssyncadd.s32 $0xFFFFFF00  }
0x4f: {  	[hbm:s19], [sflag:s21] =	dma.local [spmem:s30], $0x100  }
0x50: {  	s3 =	sadd.s32 $0x1, s3;
	_ =	swait.ge [sflag:s12], $0x100  }
0x51: {  	p0 =	sne.s32 s3, s10;
	[sflag:s12] =	ssyncset.done $0x0  }
.Ltmp4:
0x52: {  	s31 =	sshrl.u32 s8, $0x3;
	[sflag:s12] =	ssyncadd.s32 $0xFFFFFF00;
	(pc) =	sbr.rel @p0 .LBB2_1-.Ltmp4, $4  }
0x53: {  	[hbm:s20], [sflag:s21] =	dma.local [spmem:s31], $0x100  }
0x54: {  	_ =	swait.ge [sflag:s12], $0x100  }
0x55: {  	[sflag:s12] =	ssyncset.done $0x0  }
0x56: {  	[sflag:s12] =	ssyncadd.s32 $0xFFFFFF00  }
0x57: {  	_ =	sfence.sel $0x180000  }
0x58: {  	[bflag:$0x0] =	sbarrier.arrive $0xFFFF  }
0x59: {  	p0 =	sne.s32 s0, $0x0;
	_ =	strace $0x90000047  }
0x5a: {  	s0 =	sadd.s32 @!p0 $0x100000, s1;
	[bflag:$0x2] =	sbarrier.arrive $0xFFFF  }
0x5b: {  	[sflag:s0] =	ssyncadd.tile.s32 @!p0 $0x1;
	_ =	shalt  }
.Lfunc_end2:
_tile_overlayer_lowered:
.L_overlay_start_2:
0x5c: {  	(tag) =	ssettag $0x2  }
0x5d: {  	s0 =	rddreg [dreg:$0x0];
	s2 =	stileid.u32  }
0x5e: {  	s1 =	rddreg [dreg:$0x1];
	p0 =	sne.s32 s2, $0x0  }
0x5f: {  	s3 =	rddreg [dreg:$0x2];
	[bflag:$0x3] =	sbarrier.arrive $0xFFFF;
	s2 =	simm.s32 @!p0 $0x1C02  }
0x60: {  	[timem:s3], [sflag:s2] =	dma.local @!p0 [hbm:s0], s1  }
0x61: {  	s0 =	simm.s32 @!p0 $0x2  }
0x62: {  	_ =	swait.ge @!p0 [sflag:s0], s1  }
0x63: {  	s1 =	ssub.s32 @!p0 $0x0, s1;
	[sflag:s0] =	ssyncset.done @!p0 $0x0  }
0x64: {  	[sflag:s0] =	ssyncadd.s32 @!p0 s1  }
0x65: {  	[bflag:$0x3] =	sbarrier.arrive $0xFFFF  }
0x66: {  	_ =	shalt  }

// kernel: kernel.13.cloned.1.call-start
scs
__scs_entry_jumppad:
0x0: {  	(pc) =	sbr.rel $0x88, $3  }
0x1: {  	(tag) =	ssettag $0x0;
	lr =	simm.s32 $0x1  }
0x2: {  	[smem:$0x3F96] =	sst lr;
	_ =	strace $0xD0000000  }
0x3: {  	_ = 	snop  }
0x4: {  	_ = 	snop  }
0x5: {  	_ = 	snop  }
0x6: {  	_ = 	snop  }
0x7: {  	_ = 	snop  }
__scs_overlays_trampoline_lowered:
0x8: {  	[smem:$0x3FA5] =	sst s0  }
0x9: {  	[smem:$0x3FA6] =	sst s1  }
0xa: {  	[smem:$0x3FA7] =	sst s2  }
0xb: {  	[smem:$0x3FA8] =	sst s3  }
0xc: {  	[smem:$0x3FA9] =	sst s4  }
0xd: {  	[smem:$0x3FAA] =	sst s5  }
0xe: {  	[smem:$0x3FAB] =	sst s6  }
0xf: {  	[smem:$0x3FAC] =	sst s7  }
0x10: {  	[smem:$0x3FAD] =	sst s8  }
0x11: {  	[smem:$0x3FAE] =	sst s9;
	s0 =	simm.s32 @!p0 $0x0  }
0x12: {  	s1 =	sld [smem:$0x3F94];
	s0 =	simm.s32 @p0 $0x1  }
0x13: {  	[smem:$0x3FAF] =	sst s0;
	s0 =	simm.s32 @!p1 $0x0  }
0x14: {  	s2 =	sld [smem:$0x3F93];
	s0 =	simm.s32 @p1 $0x1  }
0x15: {  	[smem:$0x3FB0] =	sst s0;
	s0 =	simm.s32 @!p2 $0x0  }
0x16: {  	s3 =	sld [smem:$0x3FDB];
	s0 =	simm.s32 @p2 $0x1  }
0x17: {  	s4 =	simm.s32 $0x1BF5;
	[smem:$0x3FB2] =	sst s0  }
0x18: {  	s0 =	sld [smem:$0x3F95];
	_ =	swait.ge [sflag:s4], $0x0  }
0x19: {  	s7 =	sld [smem:$0x3F96]  }
0x1a: {  	s8 =	sadd.s32 $0xFFFFE003, lr  }
0x1b: {  	s9 =	sadd.s32 $0xFFFFFEF7, lr;
	s5 =	simm.s32 $0xFFFFFFFF;
	p2 =	slt.u32 s8, $0xFFFFF086  }
0x1c: {  	p1 =	slt.u32 s9, $0xF7A;
	s5 =	simm.s32 @!p2 $0x0  }
0x1d: {  	s5 =	simm.s32 @p1 $0x1;
	p0 =	seq.s32 s7, s2  }
0x1e: {  	s7 =	smul.u32 @!p0 $0xF7A, s2;
	p2 =	seq.s32 @!p0 s5, $0x0  }
0x1f: {  	s9 =	smul.u32 $0xF7A, s1;
	s8 =	simm.s32 @!p0 $0x1BF5;
	p2 =	por !p2, p0  }
0x20: {  	[sflag:s8] =	ssyncset.s32 @!p0 $0xFFFFF086;
	s6 =	sadd.s32 @!p0 s3, s7;
	s7 =	simm.s32 @!p0 $0x108  }
0x21: {  	s3 =	sadd.s32 s3, s9;
	s6 =	sadd.s32 @!p0 $0x88, s6;
	s7 =	simm.s32 @p2 $0x1082  }
0x22: {  	[simem:s7], [sflag:s8] =	dma.local @!p0 [hbm:s6], $0xF7A  }
0x23: {  	s9 =	sor.u32 $0xD0000000, s2;
	s6 =	simm.s32 $0x108;
	_ =	swait.ge @!p0 [sflag:s8], $0x0  }
0x24: {  	s3 =	sadd.s32 $0x88, s3;
	s6 =	simm.s32 @!p1 $0x1082;
	[sflag:s4] =	ssyncset.s32 $0xFFFFF086  }
0x25: {  	[simem:s6], [sflag:s4] =	dma.local [hbm:s3], $0xF7A  }
0x26: {  	[smem:$0x3F96] =	sst s1;
	(tag) =	ssettag s2;
	_ =	strace s9  }
0x27: {  	s1 =	sld [smem:$0x3FA6]  }
0x28: {  	s2 =	sld [smem:$0x3FA7]  }
0x29: {  	s4 =	sld [smem:$0x3FA9]  }
0x2a: {  	p0 =	seq.s32 s5, $0x0;
	s5 =	sld [smem:$0x3FAA]  }
0x2b: {  	s6 =	sld [smem:$0x3FAB]  }
0x2c: {  	s7 =	sld [smem:$0x3FAC]  }
0x2d: {  	s3 =	simm.s32 $0x108;
	s8 =	sld [smem:$0x3FAD]  }
0x2e: {  	s3 =	simm.s32 @!p0 $0x1082;
	s9 =	sld [smem:$0x3FAE]  }
0x2f: {  	lr =	sadd.s32 s0, s3;
	s0 =	sld [smem:$0x3FA5]  }
0x30: {  	s3 =	sld [smem:$0x3FA8]  }
0x31: {  	[smem:$0x3FB1] =	sst s10  }
0x32: {  	s10 =	sld [smem:$0x3FAF];
	_ =	sdelay $0x3  }
0x33: {  	p0 =	seq.s32 s10, $0x1;
	s10 =	sld [smem:$0x3FB1];
	_ =	sdelay $0x3  }
0x34: {  	[smem:$0x3FB1] =	sst s10  }
0x35: {  	s10 =	sld [smem:$0x3FB0];
	_ =	sdelay $0x3  }
0x36: {  	p1 =	seq.s32 s10, $0x1;
	s10 =	sld [smem:$0x3FB1];
	_ =	sdelay $0x3  }
0x37: {  	[smem:$0x3FB1] =	sst s10  }
0x38: {  	s10 =	sld [smem:$0x3FB2]  }
0x39: {  	_ = 	snop;
	(pc) =	sbr.ind lr, $3  }
0x3a: {  	_ = 	snop  }
0x3b: {  	_ = 	snop  }
0x3c: {  	p2 =	seq.s32 s10, $0x1;
	s10 =	sld [smem:$0x3FB1]  }
0x3d: {  	_ =	shalt  }
0x3e: {  	_ =	shalt  }
0x3f: {  	_ =	shalt  }
0x40: {  	_ =	shalt  }
0x41: {  	_ =	shalt  }
0x42: {  	_ =	shalt  }
0x43: {  	_ =	shalt  }
0x44: {  	_ =	shalt  }
0x45: {  	_ =	shalt  }
0x46: {  	_ =	shalt  }
0x47: {  	_ =	shalt  }
0x48: {  	_ =	shalt  }
0x49: {  	_ =	shalt  }
0x4a: {  	_ =	shalt  }
0x4b: {  	_ =	shalt  }
0x4c: {  	_ =	shalt  }
0x4d: {  	_ =	shalt  }
0x4e: {  	_ =	shalt  }
0x4f: {  	_ =	shalt  }
0x50: {  	_ =	shalt  }
0x51: {  	_ =	shalt  }
0x52: {  	_ =	shalt  }
0x53: {  	_ =	shalt  }
0x54: {  	_ =	shalt  }
0x55: {  	_ =	shalt  }
0x56: {  	_ =	shalt  }
0x57: {  	_ =	shalt  }
0x58: {  	_ =	shalt  }
0x59: {  	_ =	shalt  }
0x5a: {  	_ =	shalt  }
0x5b: {  	_ =	shalt  }
0x5c: {  	_ =	shalt  }
0x5d: {  	_ =	shalt  }
0x5e: {  	_ =	shalt  }
0x5f: {  	_ =	shalt  }
0x60: {  	_ =	shalt  }
0x61: {  	_ =	shalt  }
0x62: {  	_ =	shalt  }
0x63: {  	_ =	shalt  }
0x64: {  	_ =	shalt  }
0x65: {  	_ =	shalt  }
0x66: {  	_ =	shalt  }
0x67: {  	_ =	shalt  }
0x68: {  	_ =	shalt  }
0x69: {  	_ =	shalt  }
0x6a: {  	_ =	shalt  }
0x6b: {  	_ =	shalt  }
0x6c: {  	_ =	shalt  }
0x6d: {  	_ =	shalt  }
0x6e: {  	_ =	shalt  }
0x6f: {  	_ =	shalt  }
0x70: {  	_ =	shalt  }
0x71: {  	_ =	shalt  }
0x72: {  	_ =	shalt  }
0x73: {  	_ =	shalt  }
0x74: {  	_ =	shalt  }
0x75: {  	_ =	shalt  }
0x76: {  	_ =	shalt  }
0x77: {  	_ =	shalt  }
0x78: {  	_ =	shalt  }
0x79: {  	_ =	shalt  }
0x7a: {  	_ =	shalt  }
0x7b: {  	_ =	shalt  }
0x7c: {  	_ =	shalt  }
0x7d: {  	_ =	shalt  }
0x7e: {  	_ =	shalt  }
0x7f: {  	_ =	shalt  }
0x80: {  	_ =	shalt  }
0x81: {  	_ =	shalt  }
0x82: {  	_ =	shalt  }
0x83: {  	_ =	shalt  }
0x84: {  	_ =	shalt  }
0x85: {  	_ =	shalt  }
0x86: {  	_ =	shalt  }
0x87: {  	_ =	shalt  }
.Lfunc_end0:
.L_simem_size_0:
called_computation.1_lowered:
.L_overlay_start_0:
0x88: {  	s2 =	sld [smem:$0x3FD9]  }
0x89: {  	s3 =	sld [smem:$0x3FFE];
	_ =	sdelay $0x1  }
0x8a: {  	s1 =	srdreg.scid  }
0x8b: {  	s0 =	sand.u32 $0x1, s1  }
0x8c: {  	s17 =	sshll.u32 s0, $0xA;
	s2 =	sadd.s32 s3, s2  }
0x8d: {  	s2 =	sadd.s32 s2, s17  }
0x8e: {  	[smem:$0x3FBD] =	sst s2  }
0x8f: {  	_ = 	snop  }
0x90: {  	s18 =	sld [smem:$0x3FD0];
	(tm) =	ssettm $0x1  }
0x91: {  	s19 =	sld [smem:$0x3FFB];
	_ =	sdelay $0x3  }
0x92: {  	_ =	strace s19  }
0x93: {  	s2 =	sld [smem:$0x3FFC];
	_ =	sdelay $0x3  }
0x94: {  	_ =	strace s2  }
0x95: {  	s2 =	sld [smem:$0x3FFD];
	_ =	sdelay $0x3  }
0x96: {  	_ =	strace s2  }
0x97: {  	_ =	strace $0x8FFFFFFF  }
0x98: {  	s20 =	sld [smem:$0x3FDB];
	_ =	sdelay $0x1  }
0x99: {  	s4 =	simm.s32 $_scs_section_size  }
0x9a: {  	s5 =	simm.s32 $_size__tile_overlayer_lowered;
	s6 =	simm.s32 $_tile_overlayer_lowered  }
0x9b: {  	s7 =	simm.s32 $0x1BFF;
	s21 =	sshll.u32 s6, $0x1;
	s4 =	sadd.s32 s4, s20  }
0x9c: {  	s22 =	simm.s32 $0x0;
	s5 =	sshll.u32 s5, $0x1;
	s6 =	sadd.s32 s21, s4  }
0x9d: {  	[timem:s22], [sflag:s7] =	dma.local [hbm:s6], s5  }
0x9e: {  	_ =	swait.ge [sflag:s7], s5  }
0x9f: {  	s5 =	ssub.s32 $0x0, s5;
	[sflag:s7] =	ssyncset.done $0x0  }
0xa0: {  	[sflag:s7] =	ssyncadd.s32 s5;
	_ =	sdelay $0x1  }
0xa1: {  	s23 =	simm.s32 $0x1B8B  }
0xa2: {  	_ =	swait.ge [sflag:s23], $0x1  }
0xa3: {  	[sflag:s23] =	ssyncset.done $0x0  }
0xa4: {  	[sflag:s23] =	ssyncadd.s32 $0xFFFFFFFF  }
0xa5: {  	s5 =	sld [smem:$0x0]  }
0xa6: {  	s6 =	sand.u32 $0xFFFFFFFE, s1  }
0xa7: {  	p0 =	sne.s32 s1, s6  }
0xa8: {  	s6 =	sshll.u32 @p0 s6, $0xE  }
0xa9: {  	s6 =	sadd.s32 @p0 $0x11B8D, s6;
	s7 =	sshll.u32 @p0 s5, $0x11  }
0xaa: {  	s6 =	sor.u32 @p0 s7, s6  }
0xab: {  	[sflag:s6] =	ssyncadd.remote.s32 @p0 $0x1;
	_ =	sdelay $0x1  }
0xac: {  	s6 =	simm.s32 @p0 $0x1B8D  }
0xad: {  	_ =	swait.eq @p0 [sflag:s6], $0x1  }
0xae: {  	[sflag:s6] =	ssyncadd.s32 @p0 $0xFFFFFFFF  }
0xaf: {  	s7 =	sshll.u32 @!p0 s1, $0xE  }
0xb0: {  	s7 =	sor.u32 @!p0 $0x4000, s7;
	s6 =	simm.s32 @!p0 $0x1B8D  }
0xb1: {  	s5 =	sshll.u32 @!p0 s5, $0x11;
	s7 =	sadd.s32 @!p0 $0x11B8D, s7;
	_ =	swait.eq @!p0 [sflag:s6], $0x1  }
0xb2: {  	s5 =	sor.u32 @!p0 s5, s7;
	[sflag:s6] =	ssyncadd.s32 @!p0 $0xFFFFFFFF  }
0xb3: {  	s25 =	simm.s32 $0x1B8E;
	s24 =	sld [smem:$0x3FFE];
	[sflag:s5] =	ssyncadd.remote.s32 @!p0 $0x1  }
0xb4: {  	s26 =	simm.s32 $execute0_lowered;
	[smem:$0x3FD2] =	sst s25  }
0xb5: {  	s6 =	sshll.u32 s26, $0x1;
	_ =	strace $0x80000049;
	[dreg:$0x1] =	wrdreg $0xFFFFFFFF  }
0xb6: {  	s28 =	simm.s32 $_size_execute0_lowered;
	s4 =	sadd.s32 s4, s6;
	[dreg:$0x0] =	wrdreg $0x0  }
0xb7: {  	s6 =	sshll.u32 s28, $0x1;
	[dreg:$0x2] =	wrdreg s4  }
0xb8: {  	[dreg:$0x3] =	wrdreg s6  }
0xb9: {  	[dreg:$0x4] =	wrdreg $0xC0  }
0xba: {  	_ =	task [dreg:s22], $0x5FFFF  }
0xbb: {  	[dreg:$0x1] =	wrdreg $0xFFFFFFFF  }
0xbc: {  	[dreg:$0x0] =	wrdreg $0x60  }
0xbd: {  	[dreg:$0x2] =	wrdreg s18  }
0xbe: {  	[dreg:$0x3] =	wrdreg s24  }
0xbf: {  	[dreg:$0x4] =	wrdreg $0x9E200  }
0xc0: {  	[dreg:$0x5] =	wrdreg $0xA  }
0xc1: {  	_ =	task.clear_ibuf [dreg:s22], $0x6FFFF;
	_ =	strace $0x90000049  }
0xc2: {  	s29 =	simm.s32 $0xA;
	_ =	strace $0x8000004B  }
0xc3: {  	_ =	swait.ge [sflag:s29], $0x1  }
0xc4: {  	[sflag:s29] =	ssyncadd.s32 $0xFFFFFFFF  }
0xc5: {  	_ =	strace $0x9000004B  }
0xc6: {  	_ =	sfence  }
0xc7: {  	s30 =	sld [smem:$0x0];
	_ =	sdelay $0x2  }
0xc8: {  	s31 =	sshll.u32 s1, $0xD;
	s1 =	sshrl.u32 s1, $0x2  }
0xc9: {  	s4 =	sand.u32 $0x4000, s31;
	s1 =	sadd.s32 s1, s30  }
0xca: {  	s0 =	sor.u32 s4, s0;
	s1 =	sshll.u32 s1, $0x11  }
0xcb: {  	s0 =	sor.u32 s1, s0  }
0xcc: {  	s0 =	sadd.s32 $0x8F2B, s0  }
0xcd: {  	[sflag:s0] =	ssyncadd.remote.s32 $0x1  }
0xce: {  	_ =	sfence.sel $0xFFFF  }
0xcf: {  	[dreg:$0x0] =	wrdreg $0xFFFFFFFF;
	(pc) =	sbr.abs _section_cstart, $3  }
0xd0: {  	[dreg:$0x1] =	wrdreg $0xFFFFFFFF  }
0xd1: {  	_ =	task.clear_ibuf [dreg:s22], $0x2FFFF;
	_ =	strace $0x9FFFFFFF  }
0xd2: {  	(tm) =	ssettm $0x7FFFFFFF  }
0xd3: {  	_ =	shalt  }
tec
execute0_lowered:
.L_overlay_start_1:
0x0: {  	(tag) =	ssettag $0x1  }
0x1: {  	s0 =	rddreg [dreg:$0x0]  }
0x2: {  	s1 =	srdreg.scid;
	s2 =	rddreg [dreg:$0x1]  }
0x3: {  	s3 =	rddreg [dreg:$0x2];
	s8 =	stileid.u32  }
0x4: {  	s4 =	simm.s32 $0x0;
	s29 =	simm.s32 $0x50;
	s30 =	simm.s32 $0x7620  }
0x5: {  	s31 =	simm.s32 $0x1;
	s1 =	sand.u32 $0x1, s1;
	s6 =	smul.u32 $0x50000, s8  }
0x6: {  	[smem:$0x7FF] =	sst s4;
	s15 =	smul.u32 $0x14000, s8;
	s5 =	sshll.u32 s1, $0x4  }
0x7: {  	_ =	strace $0x8000004A;
	s23 =	smul.u32 $0x28000, s1;
	s1 =	ssub.s32 $0x2, s1  }
0x8: {  	s5 =	sor.u32 s8, s5;
	s7 =	sshrl.u32 s1, $0x1;
	s6 =	sshrl.u32 s6, $0x2  }
0x9: {  	s16 =	sadd.s32 $0x4000, s15;
	s17 =	sshrl.u32 s15, $0x3;
	s19 =	sadd.s32 $0x8000, s15  }
0xa: {  	s26 =	sadd.s32 $0xC000, s15;
	s5 =	smul.u32 $0x4E2, s5;
	s1 =	ssub.s32 s1, s7  }
0xb: {  	s12 =	sadd.s32 s6, s3;
	s18 =	sshrl.u32 s16, $0x3;
	s22 =	sadd.s32 s16, s3  }
0xc: {  	s20 =	sshrl.u32 s19, $0x3;
	s28 =	sshrl.u32 s26, $0x3;
	s6 =	sadd.s32 $0x2800, s12  }
0xd: {  	s24 =	sadd.s32 $0x5000, s12;
	s25 =	sadd.s32 $0x7800, s12;
	s9 =	sadd.s32 $0xA000, s12  }
0xe: {  	s10 =	sadd.s32 $0xC800, s12;
	s11 =	sadd.s32 $0xF000, s12;
	s12 =	sadd.s32 $0x11800, s12  }
0xf: {  	s22 =	sshrl.u32 s22, $0x3;
	s14 =	sadd.s32 s5, s2;
	[dreg:$0x4] =	wrdreg s6  }
0x10: {  	s2 =	sadd.s32 s23, s2;
	s5 =	sadd.s32 s15, s3;
	[dreg:$0x5] =	wrdreg s24  }
0x11: {  	[dreg:$0x6] =	wrdreg s25;
	s23 =	sadd.s32 s19, s3;
	s15 =	sadd.s32 $0x10000, s15  }
0x12: {  	s24 =	sadd.s32 s26, s3;
	s26 =	simm.s32 $0x3;
	s13 =	sadd.s32 $0xFA00, s14  }
0x13: {  	s14 =	sadd.s32 $0x5C00, s14;
	s2 =	sadd.s32 $0x4AA00, s2;
	s21 =	sshrl.u32 s15, $0x3  }
0x14: {  	s25 =	sadd.s32 s15, s3;
	s15 =	smax.u32 s1, $0x1;
	s23 =	sshrl.u32 s23, $0x3  }
0x15: {  	s24 =	sshrl.u32 s24, $0x3;
	s1 =	simm.s32 $0x2;
	s16 =	sadd.s32 s17, s2  }
0x16: {  	s17 =	sadd.s32 s18, s2;
	s18 =	sadd.s32 s20, s2;
	s19 =	sadd.s32 s28, s2  }
0x17: {  	v0 =	vimm.f32 $0.0e+00;
	s20 =	sadd.s32 s21, s2;
	s21 =	simm.s32 $0x4E20;
	s25 =	sshrl.u32 s25, $0x3  }
.LBB2_1:
0x18: {  	s28 =	simm.s32 $0x0;
	s2 =	simm.s32 $0x200  }
.LBB2_2:
0x19: {  	p0 =	sne.s32 s2, $0x9E00;
	[tilespmem:s28+$0x4E90] =	vst v0  }
0x1a: {  	[tilespmem:s28+$0x4E20] =	vst v0  }
0x1b: {  	[tilespmem:s28+$0x4E30] =	vst v0  }
.Ltmp0:
0x1c: {  	[tilespmem:s28+$0x4E40] =	vst v0;
	(pc) =	sbr.rel @p0 .LBB2_2-.Ltmp0, $4  }
0x1d: {  	[tilespmem:s28+$0x4E50] =	vst v0  }
0x1e: {  	[tilespmem:s28+$0x4E60] =	vst v0  }
0x1f: {  	[tilespmem:s28+$0x4E70] =	vst v0  }
0x20: {  	[tilespmem:s28+$0x4E80] =	vst v0;
	s28 =	sshra.s32 s2, $0x2;
	s2 =	sadd.s32 $0x200, s2  }
0x21: {  	[tilespmem:s28+$0x4E90] =	vst v0  }
0x22: {  	[tilespmem:s28+$0x4E20] =	vst v0  }
0x23: {  	[tilespmem:s28+$0x4E30] =	vst v0  }
0x24: {  	[tilespmem:s28+$0x4E40] =	vst v0  }
0x25: {  	[tilespmem:s28+$0x4E50] =	vst v0  }
0x26: {  	[tilespmem:s28+$0x4E60] =	vst v0  }
0x27: {  	[tilespmem:s28+$0x4E70] =	vst v0  }
0x28: {  	[tilespmem:s28+$0x4E80] =	vst v0  }
0x29: {  	[spmem:s5] =	stream.linear.scatter [tilespmem:s21], [sflag:$0x3], $0x2800, $0x38;
	[tilespmem:$0x1DE20] =	vst v63  }
0x2a: {  	_ =	swait.ge [sflag:s26], $0x2800  }
0x2b: {  	[sflag:s26] =	ssyncset.done $0x0  }
0x2c: {  	s2 =	rddreg [dreg:$0x4];
	[sflag:s26] =	ssyncadd.s32 $0xFFFFD800  }
0x2d: {  	[spmem:s2] =	stream.linear.scatter [tilespmem:s21], [sflag:$0x3], $0x2800, $0x38;
	[tilespmem:$0x1DE20] =	vst v63  }
0x2e: {  	_ =	swait.ge [sflag:s26], $0x2800  }
0x2f: {  	[sflag:s26] =	ssyncset.done $0x0  }
0x30: {  	s8 =	rddreg [dreg:$0x5];
	[sflag:s26] =	ssyncadd.s32 $0xFFFFD800  }
0x31: {  	[spmem:s8] =	stream.linear.scatter [tilespmem:s21], [sflag:$0x3], $0x2800, $0x38;
	[tilespmem:$0x1DE20] =	vst v63  }
0x32: {  	_ =	swait.ge [sflag:s26], $0x2800  }
0x33: {  	[sflag:s26] =	ssyncset.done $0x0  }
0x34: {  	s6 =	rddreg [dreg:$0x6];
	[sflag:s26] =	ssyncadd.s32 $0xFFFFD800  }
0x35: {  	[spmem:s6] =	stream.linear.scatter [tilespmem:s21], [sflag:$0x3], $0x2800, $0x38;
	[tilespmem:$0x1DE20] =	vst v63  }
0x36: {  	_ =	swait.ge [sflag:s26], $0x2800  }
0x37: {  	[sflag:s26] =	ssyncset.done $0x0  }
0x38: {  	[sflag:s26] =	ssyncadd.s32 $0xFFFFD800  }
0x39: {  	[spmem:s9] =	stream.linear.scatter [tilespmem:s21], [sflag:$0x3], $0x2800, $0x38;
	[tilespmem:$0x1DE20] =	vst v63  }
0x3a: {  	_ =	swait.ge [sflag:s26], $0x2800  }
0x3b: {  	[sflag:s26] =	ssyncset.done $0x0  }
0x3c: {  	[sflag:s26] =	ssyncadd.s32 $0xFFFFD800  }
0x3d: {  	[spmem:s10] =	stream.linear.scatter [tilespmem:s21], [sflag:$0x3], $0x2800, $0x38;
	[tilespmem:$0x1DE20] =	vst v63  }
0x3e: {  	_ =	swait.ge [sflag:s26], $0x2800  }
0x3f: {  	[sflag:s26] =	ssyncset.done $0x0  }
0x40: {  	[sflag:s26] =	ssyncadd.s32 $0xFFFFD800  }
0x41: {  	[spmem:s11] =	stream.linear.scatter [tilespmem:s21], [sflag:$0x3], $0x2800, $0x38;
	[tilespmem:$0x1DE20] =	vst v63  }
0x42: {  	_ =	swait.ge [sflag:s26], $0x2800  }
0x43: {  	[sflag:s26] =	ssyncset.done $0x0  }
0x44: {  	[sflag:s26] =	ssyncadd.s32 $0xFFFFD800  }
0x45: {  	[spmem:s12] =	stream.linear.scatter [tilespmem:s21], [sflag:$0x3], $0x2800, $0x38;
	[tilespmem:$0x1DE20] =	vst v63  }
0x46: {  	_ =	swait.ge [sflag:s26], $0x2800  }
0x47: {  	[sflag:s26] =	ssyncset.done $0x0  }
0x48: {  	s7 =	simm.s32 $0x0;
	[sflag:s26] =	ssyncadd.s32 $0xFFFFD800  }
0x49: {  	[tilespmem:s7], [sflag:$0x3] =	stream.linear.gather [hbm4b:s13+s7], $0x2710, $0x38;
	[tilespmem:$0x1DE20] =	vst v63  }
0x4a: {  	_ =	swait.ge [sflag:s26], $0x2710  }
0x4b: {  	[sflag:s26] =	ssyncset.done $0x0  }
0x4c: {  	s6 =	simm.s32 $0x2710;
	[sflag:s26] =	ssyncadd.s32 $0xFFFFD8F0  }
0x4d: {  	[tilespmem:s6], [sflag:$0x3] =	stream.linear.gather [hbm4b:s14+s7], $0x2710, $0x38;
	[tilespmem:$0x1DE20] =	vst v63  }
0x4e: {  	_ =	swait.ge [sflag:s26], $0x2710  }
0x4f: {  	[sflag:s26] =	ssyncset.done $0x0  }
0x50: {  	[sflag:s26] =	ssyncadd.s32 $0xFFFFD8F0  }
0x51: {  	[bflag:$0x0] =	sbarrier.arrive $0xFFFF  }
0x52: {  	[tilespmem:s21], [sflag:$0x1] =	stream.indirect.gather [hbm4b:s0+s29], $0x80, s7, s29, $0xb8;
	[tilespmem:$0x1DE20] =	vst v63  }
0x53: {  	s8 =	simm.s32 $0x50  }
0x54: {  	[tilespmem:s30], [sflag:$0x2] =	stream.indirect.gather [hbm4b:s0+s29], $0x80, s8, s29, $0xb8;
	[tilespmem:$0x1DE20] =	vst v63  }
0x55: {  	_ =	swait.ge [sflag:s31], $0x2800  }
0x56: {  	[sflag:s31] =	ssyncset.done $0x0  }
0x57: {  	s6 =	simm.s32 $0x2710;
	[sflag:s31] =	ssyncadd.s32 $0xFFFFD800  }
0x58: {  	[spmem:s3] =	stream.indirect.scatter.add.f32 [tilespmem:s21], [sflag:$0x3], $0x80, s6, s29, $0xb8;
	[tilespmem:$0x1DE20] =	vst v63  }
0x59: {  	_ =	swait.ge [sflag:s26], $0x2800  }
0x5a: {  	[sflag:s26] =	ssyncset.done $0x0  }
0x5b: {  	s7 =	simm.s32 $0xA0;
	[sflag:s26] =	ssyncadd.s32 $0xFFFFD800  }
0x5c: {  	[tilespmem:s21], [sflag:$0x1] =	stream.indirect.gather [hbm4b:s0+s29], $0x80, s7, s29, $0xb8;
	[tilespmem:$0x1DE20] =	vst v63  }
0x5d: {  	_ =	swait.ge [sflag:s1], $0x2800  }
0x5e: {  	[sflag:s1] =	ssyncset.done $0x0  }
0x5f: {  	s8 =	simm.s32 $0x2760;
	[sflag:s1] =	ssyncadd.s32 $0xFFFFD800  }
0x60: {  	[spmem:s3] =	stream.indirect.scatter.add.f32 [tilespmem:s30], [sflag:$0x3], $0x80, s8, s29, $0xb8;
	[tilespmem:$0x1DE20] =	vst v63  }
0x61: {  	_ =	swait.ge [sflag:s26], $0x2800  }
0x62: {  	s28 =	simm.s32 $0xA0;
	s2 =	simm.s32 $0x500;
	[sflag:s26] =	ssyncset.done $0x0  }
.LBB2_4:
0x63: {  	s6 =	sadd.s32 $0x50, s28  }
0x64: {  	[sflag:s26] =	ssyncadd.s32 $0xFFFFD800;
	s7 =	smov.u32 s2;
	s8 =	sadd.s32 $0x280, s2  }
0x65: {  	[tilespmem:s30], [sflag:$0x2] =	stream.indirect.gather [hbm4b:s0+s29], $0x80, s6, s29, $0xb8;
	[tilespmem:$0x1DE20] =	vst v63  }
0x66: {  	p0 =	sne.s32 s2, $0x9880;
	_ =	swait.ge [sflag:s31], $0x2800  }
0x67: {  	[sflag:s31] =	ssyncset.done $0x0  }
0x68: {  	s2 =	sadd.s32 $0x2710, s28;
	[sflag:s31] =	ssyncadd.s32 $0xFFFFD800  }
0x69: {  	[spmem:s3] =	stream.indirect.scatter.add.f32 [tilespmem:s21], [sflag:$0x3], $0x80, s2, s29, $0xb8;
	[tilespmem:$0x1DE20] =	vst v63  }
0x6a: {  	_ =	swait.ge [sflag:s26], $0x2800  }
0x6b: {  	[sflag:s26] =	ssyncset.done $0x0  }
0x6c: {  	s2 =	sadd.s32 $0xA0, s28;
	[sflag:s26] =	ssyncadd.s32 $0xFFFFD800  }
0x6d: {  	[tilespmem:s21], [sflag:$0x1] =	stream.indirect.gather [hbm4b:s0+s29], $0x80, s2, s29, $0xb8;
	[tilespmem:$0x1DE20] =	vst v63  }
0x6e: {  	_ =	swait.ge [sflag:s1], $0x2800  }
.Ltmp1:
0x6f: {  	[sflag:s1] =	ssyncset.done $0x0;
	(pc) =	sbr.rel @p0 .LBB2_4-.Ltmp1, $4  }
0x70: {  	s2 =	sadd.s32 $0x2760, s28;
	[sflag:s1] =	ssyncadd.s32 $0xFFFFD800  }
0x71: {  	[spmem:s3] =	stream.indirect.scatter.add.f32 [tilespmem:s30], [sflag:$0x3], $0x80, s2, s29, $0xb8;
	[tilespmem:$0x1DE20] =	vst v63  }
0x72: {  	_ =	swait.ge [sflag:s26], $0x2800  }
0x73: {  	s28 =	sshra.s32 s7, $0x2;
	s2 =	smov.u32 s8;
	[sflag:s26] =	ssyncset.done $0x0  }
0x74: {  	s2 =	sadd.s32 $0x50, s28;
	[sflag:s26] =	ssyncadd.s32 $0xFFFFD800  }
0x75: {  	[tilespmem:s30], [sflag:$0x2] =	stream.indirect.gather [hbm4b:s0+s29], $0x80, s2, s29, $0xb8;
	[tilespmem:$0x1DE20] =	vst v63  }
0x76: {  	_ =	swait.ge [sflag:s31], $0x2800  }
0x77: {  	[sflag:s31] =	ssyncset.done $0x0  }
0x78: {  	s8 =	sadd.s32 $0x2710, s28;
	[sflag:s31] =	ssyncadd.s32 $0xFFFFD800  }
0x79: {  	[spmem:s3] =	stream.indirect.scatter.add.f32 [tilespmem:s21], [sflag:$0x3], $0x80, s8, s29, $0xb8;
	[tilespmem:$0x1DE20] =	vst v63  }
0x7a: {  	_ =	swait.ge [sflag:s26], $0x2800  }
0x7b: {  	[sflag:s26] =	ssyncset.done $0x0  }
0x7c: {  	s6 =	sadd.s32 $0xA0, s28;
	[sflag:s26] =	ssyncadd.s32 $0xFFFFD800  }
0x7d: {  	[tilespmem:s21], [sflag:$0x1] =	stream.indirect.gather [hbm4b:s0+s29], $0x80, s6, s29, $0xb8;
	[tilespmem:$0x1DE20] =	vst v63  }
0x7e: {  	_ =	swait.ge [sflag:s1], $0x2800  }
0x7f: {  	[sflag:s1] =	ssyncset.done $0x0  }
0x80: {  	s7 =	sadd.s32 $0x2760, s28;
	[sflag:s1] =	ssyncadd.s32 $0xFFFFD800  }
0x81: {  	[spmem:s3] =	stream.indirect.scatter.add.f32 [tilespmem:s30], [sflag:$0x3], $0x80, s7, s29, $0xb8;
	[tilespmem:$0x1DE20] =	vst v63  }
0x82: {  	_ =	swait.ge [sflag:s26], $0x2800  }
0x83: {  	[sflag:s26] =	ssyncset.done $0x0  }
0x84: {  	[sflag:s26] =	ssyncadd.s32 $0xFFFFD800  }
0x85: {  	_ =	swait.ge [sflag:s31], $0x2800  }
0x86: {  	[sflag:s31] =	ssyncset.done $0x0  }
0x87: {  	s8 =	simm.s32 $0x4DD0;
	[sflag:s31] =	ssyncadd.s32 $0xFFFFD800  }
0x88: {  	[spmem:s3] =	stream.indirect.scatter.add.f32 [tilespmem:s21], [sflag:$0x3], $0x80, s8, s29, $0xb8;
	[tilespmem:$0x1DE20] =	vst v63  }
0x89: {  	_ =	swait.ge [sflag:s26], $0x2800  }
0x8a: {  	s28 =	stileid.u32;
	[sflag:s26] =	ssyncset.done $0x0  }
0x8b: {  	s2 =	sshll.u32 s28, $0x6;
	[sflag:s26] =	ssyncadd.s32 $0xFFFFD800  }
0x8c: {  	s2 =	sor.u32 $0x1C03, s2;
	s6 =	sshrl.u32 s5, $0x3;
	[bflag:$0x0] =	sbarrier.arrive $0xFFFF  }
0x8d: {  	[hbm:s16], [sflag:s2] =	dma.local [spmem:s6], $0x800  }
0x8e: {  	_ =	swait.ge [sflag:s26], $0x800  }
0x8f: {  	[sflag:s26] =	ssyncset.done $0x0  }
0x90: {  	[sflag:s26] =	ssyncadd.s32 $0xFFFFF800  }
0x91: {  	[hbm:s17], [sflag:s2] =	dma.local [spmem:s22], $0x800  }
0x92: {  	_ =	swait.ge [sflag:s26], $0x800  }
0x93: {  	[sflag:s26] =	ssyncset.done $0x0  }
0x94: {  	[sflag:s26] =	ssyncadd.s32 $0xFFFFF800  }
0x95: {  	[hbm:s18], [sflag:s2] =	dma.local [spmem:s23], $0x800  }
0x96: {  	_ =	swait.ge [sflag:s26], $0x800  }
0x97: {  	[sflag:s26] =	ssyncset.done $0x0  }
0x98: {  	[sflag:s26] =	ssyncadd.s32 $0xFFFFF800  }
0x99: {  	[hbm:s19], [sflag:s2] =	dma.local [spmem:s24], $0x800  }
0x9a: {  	s4 =	sadd.s32 $0x1, s4;
	_ =	swait.ge [sflag:s26], $0x800  }
0x9b: {  	p0 =	sne.s32 s4, s15;
	[sflag:s26] =	ssyncset.done $0x0  }
.Ltmp2:
0x9c: {  	[sflag:s26] =	ssyncadd.s32 $0xFFFFF800;
	(pc) =	sbr.rel @p0 .LBB2_1-.Ltmp2, $4  }
0x9d: {  	[hbm:s20], [sflag:s2] =	dma.local [spmem:s25], $0x800  }
0x9e: {  	_ =	swait.ge [sflag:s26], $0x800  }
0x9f: {  	[sflag:s26] =	ssyncset.done $0x0  }
0xa0: {  	[sflag:s26] =	ssyncadd.s32 $0xFFFFF800  }
0xa1: {  	_ =	sfence.sel $0x180000  }
0xa2: {  	[bflag:$0x0] =	sbarrier.arrive $0xFFFF  }
0xa3: {  	_ =	strace $0x9000004A  }
0xa4: {  	s0 =	stileid.u32;
	[bflag:$0x2] =	sbarrier.arrive $0xFFFF  }
0xa5: {  	p0 =	sne.s32 s0, $0x0;
	s0 =	rddreg [dreg:$0x3]  }
0xa6: {  	s0 =	sadd.s32 @!p0 $0x100000, s0  }
0xa7: {  	[sflag:s0] =	ssyncadd.tile.s32 @!p0 $0x1;
	_ =	shalt  }
.Lfunc_end2:
_tile_overlayer_lowered:
.L_overlay_start_2:
0xa8: {  	(tag) =	ssettag $0x2  }
0xa9: {  	s0 =	rddreg [dreg:$0x0];
	s2 =	stileid.u32  }
0xaa: {  	s1 =	rddreg [dreg:$0x1];
	p0 =	sne.s32 s2, $0x0  }
0xab: {  	s3 =	rddreg [dreg:$0x2];
	[bflag:$0x3] =	sbarrier.arrive $0xFFFF;
	s2 =	simm.s32 @!p0 $0x1C03  }
0xac: {  	[timem:s3], [sflag:s2] =	dma.local @!p0 [hbm:s0], s1  }
0xad: {  	s0 =	simm.s32 @!p0 $0x3  }
0xae: {  	_ =	swait.ge @!p0 [sflag:s0], s1  }
0xaf: {  	s1 =	ssub.s32 @!p0 $0x0, s1;
	[sflag:s0] =	ssyncset.done @!p0 $0x0  }
0xb0: {  	[sflag:s0] =	ssyncadd.s32 @!p0 s1  }
0xb1: {  	[bflag:$0x3] =	sbarrier.arrive $0xFFFF  }
0xb2: {  	_ =	shalt  }

// kernel: kernel.16.cloned.1.call-start
scs
__scs_entry_jumppad:
0x0: {  	(pc) =	sbr.rel $0x88, $3  }
0x1: {  	(tag) =	ssettag $0x0;
	lr =	simm.s32 $0x1  }
0x2: {  	[smem:$0x3F96] =	sst lr;
	_ =	strace $0xD0000000  }
0x3: {  	_ = 	snop  }
0x4: {  	_ = 	snop  }
0x5: {  	_ = 	snop  }
0x6: {  	_ = 	snop  }
0x7: {  	_ = 	snop  }
__scs_overlays_trampoline_lowered:
0x8: {  	[smem:$0x3FA5] =	sst s0  }
0x9: {  	[smem:$0x3FA6] =	sst s1  }
0xa: {  	[smem:$0x3FA7] =	sst s2  }
0xb: {  	[smem:$0x3FA8] =	sst s3  }
0xc: {  	[smem:$0x3FA9] =	sst s4  }
0xd: {  	[smem:$0x3FAA] =	sst s5  }
0xe: {  	[smem:$0x3FAB] =	sst s6  }
0xf: {  	[smem:$0x3FAC] =	sst s7  }
0x10: {  	[smem:$0x3FAD] =	sst s8  }
0x11: {  	[smem:$0x3FAE] =	sst s9;
	s0 =	simm.s32 @!p0 $0x0  }
0x12: {  	s1 =	sld [smem:$0x3F94];
	s0 =	simm.s32 @p0 $0x1  }
0x13: {  	[smem:$0x3FAF] =	sst s0;
	s0 =	simm.s32 @!p1 $0x0  }
0x14: {  	s2 =	sld [smem:$0x3F93];
	s0 =	simm.s32 @p1 $0x1  }
0x15: {  	[smem:$0x3FB0] =	sst s0;
	s0 =	simm.s32 @!p2 $0x0  }
0x16: {  	s3 =	sld [smem:$0x3FDB];
	s0 =	simm.s32 @p2 $0x1  }
0x17: {  	s4 =	simm.s32 $0x1BF5;
	[smem:$0x3FB2] =	sst s0  }
0x18: {  	s0 =	sld [smem:$0x3F95];
	_ =	swait.ge [sflag:s4], $0x0  }
0x19: {  	s7 =	sld [smem:$0x3F96]  }
0x1a: {  	s8 =	sadd.s32 $0xFFFFE003, lr  }
0x1b: {  	s9 =	sadd.s32 $0xFFFFFEF7, lr;
	s5 =	simm.s32 $0xFFFFFFFF;
	p2 =	slt.u32 s8, $0xFFFFF086  }
0x1c: {  	p1 =	slt.u32 s9, $0xF7A;
	s5 =	simm.s32 @!p2 $0x0  }
0x1d: {  	s5 =	simm.s32 @p1 $0x1;
	p0 =	seq.s32 s7, s2  }
0x1e: {  	s7 =	smul.u32 @!p0 $0xF7A, s2;
	p2 =	seq.s32 @!p0 s5, $0x0  }
0x1f: {  	s9 =	smul.u32 $0xF7A, s1;
	s8 =	simm.s32 @!p0 $0x1BF5;
	p2 =	por !p2, p0  }
0x20: {  	[sflag:s8] =	ssyncset.s32 @!p0 $0xFFFFF086;
	s6 =	sadd.s32 @!p0 s3, s7;
	s7 =	simm.s32 @!p0 $0x108  }
0x21: {  	s3 =	sadd.s32 s3, s9;
	s6 =	sadd.s32 @!p0 $0x88, s6;
	s7 =	simm.s32 @p2 $0x1082  }
0x22: {  	[simem:s7], [sflag:s8] =	dma.local @!p0 [hbm:s6], $0xF7A  }
0x23: {  	s9 =	sor.u32 $0xD0000000, s2;
	s6 =	simm.s32 $0x108;
	_ =	swait.ge @!p0 [sflag:s8], $0x0  }
0x24: {  	s3 =	sadd.s32 $0x88, s3;
	s6 =	simm.s32 @!p1 $0x1082;
	[sflag:s4] =	ssyncset.s32 $0xFFFFF086  }
0x25: {  	[simem:s6], [sflag:s4] =	dma.local [hbm:s3], $0xF7A  }
0x26: {  	[smem:$0x3F96] =	sst s1;
	(tag) =	ssettag s2;
	_ =	strace s9  }
0x27: {  	s1 =	sld [smem:$0x3FA6]  }
0x28: {  	s2 =	sld [smem:$0x3FA7]  }
0x29: {  	s4 =	sld [smem:$0x3FA9]  }
0x2a: {  	p0 =	seq.s32 s5, $0x0;
	s5 =	sld [smem:$0x3FAA]  }
0x2b: {  	s6 =	sld [smem:$0x3FAB]  }
0x2c: {  	s7 =	sld [smem:$0x3FAC]  }
0x2d: {  	s3 =	simm.s32 $0x108;
	s8 =	sld [smem:$0x3FAD]  }
0x2e: {  	s3 =	simm.s32 @!p0 $0x1082;
	s9 =	sld [smem:$0x3FAE]  }
0x2f: {  	lr =	sadd.s32 s0, s3;
	s0 =	sld [smem:$0x3FA5]  }
0x30: {  	s3 =	sld [smem:$0x3FA8]  }
0x31: {  	[smem:$0x3FB1] =	sst s10  }
0x32: {  	s10 =	sld [smem:$0x3FAF];
	_ =	sdelay $0x3  }
0x33: {  	p0 =	seq.s32 s10, $0x1;
	s10 =	sld [smem:$0x3FB1];
	_ =	sdelay $0x3  }
0x34: {  	[smem:$0x3FB1] =	sst s10  }
0x35: {  	s10 =	sld [smem:$0x3FB0];
	_ =	sdelay $0x3  }
0x36: {  	p1 =	seq.s32 s10, $0x1;
	s10 =	sld [smem:$0x3FB1];
	_ =	sdelay $0x3  }
0x37: {  	[smem:$0x3FB1] =	sst s10  }
0x38: {  	s10 =	sld [smem:$0x3FB2]  }
0x39: {  	_ = 	snop;
	(pc) =	sbr.ind lr, $3  }
0x3a: {  	_ = 	snop  }
0x3b: {  	_ = 	snop  }
0x3c: {  	p2 =	seq.s32 s10, $0x1;
	s10 =	sld [smem:$0x3FB1]  }
0x3d: {  	_ =	shalt  }
0x3e: {  	_ =	shalt  }
0x3f: {  	_ =	shalt  }
0x40: {  	_ =	shalt  }
0x41: {  	_ =	shalt  }
0x42: {  	_ =	shalt  }
0x43: {  	_ =	shalt  }
0x44: {  	_ =	shalt  }
0x45: {  	_ =	shalt  }
0x46: {  	_ =	shalt  }
0x47: {  	_ =	shalt  }
0x48: {  	_ =	shalt  }
0x49: {  	_ =	shalt  }
0x4a: {  	_ =	shalt  }
0x4b: {  	_ =	shalt  }
0x4c: {  	_ =	shalt  }
0x4d: {  	_ =	shalt  }
0x4e: {  	_ =	shalt  }
0x4f: {  	_ =	shalt  }
0x50: {  	_ =	shalt  }
0x51: {  	_ =	shalt  }
0x52: {  	_ =	shalt  }
0x53: {  	_ =	shalt  }
0x54: {  	_ =	shalt  }
0x55: {  	_ =	shalt  }
0x56: {  	_ =	shalt  }
0x57: {  	_ =	shalt  }
0x58: {  	_ =	shalt  }
0x59: {  	_ =	shalt  }
0x5a: {  	_ =	shalt  }
0x5b: {  	_ =	shalt  }
0x5c: {  	_ =	shalt  }
0x5d: {  	_ =	shalt  }
0x5e: {  	_ =	shalt  }
0x5f: {  	_ =	shalt  }
0x60: {  	_ =	shalt  }
0x61: {  	_ =	shalt  }
0x62: {  	_ =	shalt  }
0x63: {  	_ =	shalt  }
0x64: {  	_ =	shalt  }
0x65: {  	_ =	shalt  }
0x66: {  	_ =	shalt  }
0x67: {  	_ =	shalt  }
0x68: {  	_ =	shalt  }
0x69: {  	_ =	shalt  }
0x6a: {  	_ =	shalt  }
0x6b: {  	_ =	shalt  }
0x6c: {  	_ =	shalt  }
0x6d: {  	_ =	shalt  }
0x6e: {  	_ =	shalt  }
0x6f: {  	_ =	shalt  }
0x70: {  	_ =	shalt  }
0x71: {  	_ =	shalt  }
0x72: {  	_ =	shalt  }
0x73: {  	_ =	shalt  }
0x74: {  	_ =	shalt  }
0x75: {  	_ =	shalt  }
0x76: {  	_ =	shalt  }
0x77: {  	_ =	shalt  }
0x78: {  	_ =	shalt  }
0x79: {  	_ =	shalt  }
0x7a: {  	_ =	shalt  }
0x7b: {  	_ =	shalt  }
0x7c: {  	_ =	shalt  }
0x7d: {  	_ =	shalt  }
0x7e: {  	_ =	shalt  }
0x7f: {  	_ =	shalt  }
0x80: {  	_ =	shalt  }
0x81: {  	_ =	shalt  }
0x82: {  	_ =	shalt  }
0x83: {  	_ =	shalt  }
0x84: {  	_ =	shalt  }
0x85: {  	_ =	shalt  }
0x86: {  	_ =	shalt  }
0x87: {  	_ =	shalt  }
.Lfunc_end0:
.L_simem_size_0:
called_computation.2_lowered:
.L_overlay_start_0:
0x88: {  	s2 =	sld [smem:$0x3FD9]  }
0x89: {  	s3 =	sld [smem:$0x3FFE];
	_ =	sdelay $0x1  }
0x8a: {  	s1 =	srdreg.scid  }
0x8b: {  	s0 =	sand.u32 $0x1, s1  }
0x8c: {  	s17 =	sshll.u32 s0, $0xA;
	s2 =	sadd.s32 s3, s2  }
0x8d: {  	s2 =	sadd.s32 s2, s17  }
0x8e: {  	[smem:$0x3FBD] =	sst s2  }
0x8f: {  	_ = 	snop  }
0x90: {  	s2 =	sld [smem:$0x3FD0];
	(tm) =	ssettm $0x1  }
0x91: {  	s18 =	sld [smem:$0x3FFB];
	_ =	sdelay $0x3  }
0x92: {  	_ =	strace s18  }
0x93: {  	s3 =	sld [smem:$0x3FFC];
	_ =	sdelay $0x3  }
0x94: {  	_ =	strace s3  }
0x95: {  	s3 =	sld [smem:$0x3FFD];
	_ =	sdelay $0x3  }
0x96: {  	_ =	strace s3  }
0x97: {  	_ =	strace $0x8FFFFFFF  }
0x98: {  	s19 =	sld [smem:$0x3FDB];
	_ =	sdelay $0x1  }
0x99: {  	s4 =	simm.s32 $_scs_section_size  }
0x9a: {  	s5 =	simm.s32 $_size__tile_overlayer_lowered;
	s6 =	simm.s32 $_tile_overlayer_lowered  }
0x9b: {  	s22 =	simm.s32 $0x1BFF;
	s21 =	sshll.u32 s6, $0x1;
	s3 =	sadd.s32 s4, s19  }
0x9c: {  	s7 =	simm.s32 $0x0;
	s20 =	sshll.u32 s5, $0x1;
	s5 =	sadd.s32 s21, s3  }
0x9d: {  	[timem:s7], [sflag:s22] =	dma.local [hbm:s5], s20  }
0x9e: {  	_ =	swait.ge [sflag:s22], s20  }
0x9f: {  	s4 =	ssub.s32 $0x0, s20;
	[sflag:s22] =	ssyncset.done $0x0  }
0xa0: {  	[sflag:s22] =	ssyncadd.s32 s4;
	_ =	sdelay $0x1  }
0xa1: {  	s23 =	simm.s32 $0x1B8B  }
0xa2: {  	_ =	swait.ge [sflag:s23], $0x1  }
0xa3: {  	[sflag:s23] =	ssyncset.done $0x0  }
0xa4: {  	s25 =	simm.s32 $0x1B8E;
	s24 =	sld [smem:$0x3FFE];
	[sflag:s23] =	ssyncadd.s32 $0xFFFFFFFF  }
0xa5: {  	s26 =	simm.s32 $execute0_lowered;
	[smem:$0x3FD2] =	sst s25  }
0xa6: {  	s5 =	sshll.u32 s26, $0x1;
	_ =	strace $0x8000004C;
	[dreg:$0x1] =	wrdreg $0xFFFFFFFF  }
0xa7: {  	s28 =	simm.s32 $_size_execute0_lowered;
	s3 =	sadd.s32 s3, s5;
	[dreg:$0x0] =	wrdreg $0x0  }
0xa8: {  	s5 =	sshll.u32 s28, $0x1;
	[dreg:$0x2] =	wrdreg s3  }
0xa9: {  	[dreg:$0x3] =	wrdreg s5  }
0xaa: {  	[dreg:$0x4] =	wrdreg $0xC0  }
0xab: {  	_ =	task [dreg:s7], $0x5FFFF  }
0xac: {  	[dreg:$0x1] =	wrdreg $0xFFFFFFFF  }
0xad: {  	[dreg:$0x0] =	wrdreg $0x60  }
0xae: {  	[dreg:$0x2] =	wrdreg s2  }
0xaf: {  	[dreg:$0x3] =	wrdreg s24  }
0xb0: {  	[dreg:$0x4] =	wrdreg $0x9E200  }
0xb1: {  	[dreg:$0x5] =	wrdreg $0x9  }
0xb2: {  	_ =	task.clear_ibuf [dreg:s7], $0x6FFFF;
	_ =	strace $0x9000004C  }
0xb3: {  	s29 =	simm.s32 $0x9;
	_ =	strace $0x8000004E  }
0xb4: {  	_ =	swait.ge [sflag:s29], $0x1  }
0xb5: {  	[sflag:s29] =	ssyncadd.s32 $0xFFFFFFFF  }
0xb6: {  	_ =	strace $0x9000004E  }
0xb7: {  	_ =	sfence  }
0xb8: {  	s30 =	sld [smem:$0x0];
	_ =	sdelay $0x2  }
0xb9: {  	s31 =	sshll.u32 s1, $0xD;
	s1 =	sshrl.u32 s1, $0x2  }
0xba: {  	s3 =	sand.u32 $0x4000, s31;
	s1 =	sadd.s32 s1, s30  }
0xbb: {  	s0 =	sor.u32 s3, s0;
	s1 =	sshll.u32 s1, $0x11  }
0xbc: {  	s0 =	sor.u32 s1, s0  }
0xbd: {  	s0 =	sadd.s32 $0x8F2B, s0  }
0xbe: {  	[sflag:s0] =	ssyncadd.remote.s32 $0x1  }
0xbf: {  	_ =	sfence.sel $0xFFFF  }
0xc0: {  	[dreg:$0x0] =	wrdreg $0xFFFFFFFF;
	(pc) =	sbr.abs _section_cstart, $3  }
0xc1: {  	[dreg:$0x1] =	wrdreg $0xFFFFFFFF  }
0xc2: {  	_ =	task.clear_ibuf [dreg:s7], $0x2FFFF;
	_ =	strace $0x9FFFFFFF  }
0xc3: {  	(tm) =	ssettm $0x7FFFFFFF  }
tec
execute0_lowered:
.L_overlay_start_1:
0x0: {  	(tag) =	ssettag $0x1  }
0x1: {  	s0 =	rddreg [dreg:$0x0]  }
0x2: {  	s1 =	srdreg.scid;
	s2 =	rddreg [dreg:$0x1]  }
0x3: {  	s3 =	rddreg [dreg:$0x2];
	s8 =	stileid.u32  }
0x4: {  	s4 =	simm.s32 $0x0;
	s29 =	simm.s32 $0x50;
	s30 =	simm.s32 $0x7620  }
0x5: {  	s31 =	simm.s32 $0x1;
	s1 =	sand.u32 $0x1, s1;
	s6 =	smul.u32 $0x50000, s8  }
0x6: {  	[smem:$0x7FF] =	sst s4;
	s15 =	smul.u32 $0x14000, s8;
	s5 =	sshll.u32 s1, $0x4  }
0x7: {  	_ =	strace $0x8000004D;
	s23 =	smul.u32 $0x28000, s1;
	s1 =	ssub.s32 $0x2, s1  }
0x8: {  	s5 =	sor.u32 s8, s5;
	s7 =	sshrl.u32 s1, $0x1;
	s6 =	sshrl.u32 s6, $0x2  }
0x9: {  	s16 =	sadd.s32 $0x4000, s15;
	s17 =	sshrl.u32 s15, $0x3;
	s19 =	sadd.s32 $0x8000, s15  }
0xa: {  	s26 =	sadd.s32 $0xC000, s15;
	s5 =	smul.u32 $0x4E2, s5;
	s1 =	ssub.s32 s1, s7  }
0xb: {  	s12 =	sadd.s32 s6, s3;
	s18 =	sshrl.u32 s16, $0x3;
	s22 =	sadd.s32 s16, s3  }
0xc: {  	s20 =	sshrl.u32 s19, $0x3;
	s28 =	sshrl.u32 s26, $0x3;
	s6 =	sadd.s32 $0x2800, s12  }
0xd: {  	s24 =	sadd.s32 $0x5000, s12;
	s25 =	sadd.s32 $0x7800, s12;
	s9 =	sadd.s32 $0xA000, s12  }
0xe: {  	s10 =	sadd.s32 $0xC800, s12;
	s11 =	sadd.s32 $0xF000, s12;
	s12 =	sadd.s32 $0x11800, s12  }
0xf: {  	s22 =	sshrl.u32 s22, $0x3;
	s14 =	sadd.s32 s5, s2;
	[dreg:$0x4] =	wrdreg s6  }
0x10: {  	s2 =	sadd.s32 s23, s2;
	s5 =	sadd.s32 s15, s3;
	[dreg:$0x5] =	wrdreg s24  }
0x11: {  	[dreg:$0x6] =	wrdreg s25;
	s23 =	sadd.s32 s19, s3;
	s15 =	sadd.s32 $0x10000, s15  }
0x12: {  	s24 =	sadd.s32 s26, s3;
	s26 =	simm.s32 $0x3;
	s13 =	sadd.s32 $0xFA00, s14  }
0x13: {  	s14 =	sadd.s32 $0x5C00, s14;
	s2 =	sadd.s32 $0x40A00, s2;
	s21 =	sshrl.u32 s15, $0x3  }
0x14: {  	s25 =	sadd.s32 s15, s3;
	s15 =	smax.u32 s1, $0x1;
	s23 =	sshrl.u32 s23, $0x3  }
0x15: {  	s24 =	sshrl.u32 s24, $0x3;
	s1 =	simm.s32 $0x2;
	s16 =	sadd.s32 s17, s2  }
0x16: {  	s17 =	sadd.s32 s18, s2;
	s18 =	sadd.s32 s20, s2;
	s19 =	sadd.s32 s28, s2  }
0x17: {  	v0 =	vimm.f32 $0.0e+00;
	s20 =	sadd.s32 s21, s2;
	s21 =	simm.s32 $0x4E20;
	s25 =	sshrl.u32 s25, $0x3  }
.LBB2_1:
0x18: {  	s28 =	simm.s32 $0x0;
	s2 =	simm.s32 $0x200  }
.LBB2_2:
0x19: {  	p0 =	sne.s32 s2, $0x9E00;
	[tilespmem:s28+$0x4E90] =	vst v0  }
0x1a: {  	[tilespmem:s28+$0x4E20] =	vst v0  }
0x1b: {  	[tilespmem:s28+$0x4E30] =	vst v0  }
.Ltmp0:
0x1c: {  	[tilespmem:s28+$0x4E40] =	vst v0;
	(pc) =	sbr.rel @p0 .LBB2_2-.Ltmp0, $4  }
0x1d: {  	[tilespmem:s28+$0x4E50] =	vst v0  }
0x1e: {  	[tilespmem:s28+$0x4E60] =	vst v0  }
0x1f: {  	[tilespmem:s28+$0x4E70] =	vst v0  }
0x20: {  	[tilespmem:s28+$0x4E80] =	vst v0;
	s28 =	sshra.s32 s2, $0x2;
	s2 =	sadd.s32 $0x200, s2  }
0x21: {  	[tilespmem:s28+$0x4E90] =	vst v0  }
0x22: {  	[tilespmem:s28+$0x4E20] =	vst v0  }
0x23: {  	[tilespmem:s28+$0x4E30] =	vst v0  }
0x24: {  	[tilespmem:s28+$0x4E40] =	vst v0  }
0x25: {  	[tilespmem:s28+$0x4E50] =	vst v0  }
0x26: {  	[tilespmem:s28+$0x4E60] =	vst v0  }
0x27: {  	[tilespmem:s28+$0x4E70] =	vst v0  }
0x28: {  	[tilespmem:s28+$0x4E80] =	vst v0  }
0x29: {  	[spmem:s5] =	stream.linear.scatter [tilespmem:s21], [sflag:$0x3], $0x2800, $0x38;
	[tilespmem:$0x1DE20] =	vst v63  }
0x2a: {  	_ =	swait.ge [sflag:s26], $0x2800  }
0x2b: {  	[sflag:s26] =	ssyncset.done $0x0  }
0x2c: {  	s2 =	rddreg [dreg:$0x4];
	[sflag:s26] =	ssyncadd.s32 $0xFFFFD800  }
0x2d: {  	[spmem:s2] =	stream.linear.scatter [tilespmem:s21], [sflag:$0x3], $0x2800, $0x38;
	[tilespmem:$0x1DE20] =	vst v63  }
0x2e: {  	_ =	swait.ge [sflag:s26], $0x2800  }
0x2f: {  	[sflag:s26] =	ssyncset.done $0x0  }
0x30: {  	s8 =	rddreg [dreg:$0x5];
	[sflag:s26] =	ssyncadd.s32 $0xFFFFD800  }
0x31: {  	[spmem:s8] =	stream.linear.scatter [tilespmem:s21], [sflag:$0x3], $0x2800, $0x38;
	[tilespmem:$0x1DE20] =	vst v63  }
0x32: {  	_ =	swait.ge [sflag:s26], $0x2800  }
0x33: {  	[sflag:s26] =	ssyncset.done $0x0  }
0x34: {  	s6 =	rddreg [dreg:$0x6];
	[sflag:s26] =	ssyncadd.s32 $0xFFFFD800  }
0x35: {  	[spmem:s6] =	stream.linear.scatter [tilespmem:s21], [sflag:$0x3], $0x2800, $0x38;
	[tilespmem:$0x1DE20] =	vst v63  }
0x36: {  	_ =	swait.ge [sflag:s26], $0x2800  }
0x37: {  	[sflag:s26] =	ssyncset.done $0x0  }
0x38: {  	[sflag:s26] =	ssyncadd.s32 $0xFFFFD800  }
0x39: {  	[spmem:s9] =	stream.linear.scatter [tilespmem:s21], [sflag:$0x3], $0x2800, $0x38;
	[tilespmem:$0x1DE20] =	vst v63  }
0x3a: {  	_ =	swait.ge [sflag:s26], $0x2800  }
0x3b: {  	[sflag:s26] =	ssyncset.done $0x0  }
0x3c: {  	[sflag:s26] =	ssyncadd.s32 $0xFFFFD800  }
0x3d: {  	[spmem:s10] =	stream.linear.scatter [tilespmem:s21], [sflag:$0x3], $0x2800, $0x38;
	[tilespmem:$0x1DE20] =	vst v63  }
0x3e: {  	_ =	swait.ge [sflag:s26], $0x2800  }
0x3f: {  	[sflag:s26] =	ssyncset.done $0x0  }
0x40: {  	[sflag:s26] =	ssyncadd.s32 $0xFFFFD800  }
0x41: {  	[spmem:s11] =	stream.linear.scatter [tilespmem:s21], [sflag:$0x3], $0x2800, $0x38;
	[tilespmem:$0x1DE20] =	vst v63  }
0x42: {  	_ =	swait.ge [sflag:s26], $0x2800  }
0x43: {  	[sflag:s26] =	ssyncset.done $0x0  }
0x44: {  	[sflag:s26] =	ssyncadd.s32 $0xFFFFD800  }
0x45: {  	[spmem:s12] =	stream.linear.scatter [tilespmem:s21], [sflag:$0x3], $0x2800, $0x38;
	[tilespmem:$0x1DE20] =	vst v63  }
0x46: {  	_ =	swait.ge [sflag:s26], $0x2800  }
0x47: {  	[sflag:s26] =	ssyncset.done $0x0  }
0x48: {  	s7 =	simm.s32 $0x0;
	[sflag:s26] =	ssyncadd.s32 $0xFFFFD800  }
0x49: {  	[tilespmem:s7], [sflag:$0x3] =	stream.linear.gather [hbm4b:s13+s7], $0x2710, $0x38;
	[tilespmem:$0x1DE20] =	vst v63  }
0x4a: {  	_ =	swait.ge [sflag:s26], $0x2710  }
0x4b: {  	[sflag:s26] =	ssyncset.done $0x0  }
0x4c: {  	s6 =	simm.s32 $0x2710;
	[sflag:s26] =	ssyncadd.s32 $0xFFFFD8F0  }
0x4d: {  	[tilespmem:s6], [sflag:$0x3] =	stream.linear.gather [hbm4b:s14+s7], $0x2710, $0x38;
	[tilespmem:$0x1DE20] =	vst v63  }
0x4e: {  	_ =	swait.ge [sflag:s26], $0x2710  }
0x4f: {  	[sflag:s26] =	ssyncset.done $0x0  }
0x50: {  	[sflag:s26] =	ssyncadd.s32 $0xFFFFD8F0  }
0x51: {  	[bflag:$0x0] =	sbarrier.arrive $0xFFFF  }
0x52: {  	[tilespmem:s21], [sflag:$0x1] =	stream.indirect.gather [hbm4b:s0+s29], $0x80, s7, s29, $0xb8;
	[tilespmem:$0x1DE20] =	vst v63  }
0x53: {  	s8 =	simm.s32 $0x50  }
0x54: {  	[tilespmem:s30], [sflag:$0x2] =	stream.indirect.gather [hbm4b:s0+s29], $0x80, s8, s29, $0xb8;
	[tilespmem:$0x1DE20] =	vst v63  }
0x55: {  	_ =	swait.ge [sflag:s31], $0x2800  }
0x56: {  	[sflag:s31] =	ssyncset.done $0x0  }
0x57: {  	s6 =	simm.s32 $0x2710;
	[sflag:s31] =	ssyncadd.s32 $0xFFFFD800  }
0x58: {  	[spmem:s3] =	stream.indirect.scatter.add.f32 [tilespmem:s21], [sflag:$0x3], $0x80, s6, s29, $0xb8;
	[tilespmem:$0x1DE20] =	vst v63  }
0x59: {  	_ =	swait.ge [sflag:s26], $0x2800  }
0x5a: {  	[sflag:s26] =	ssyncset.done $0x0  }
0x5b: {  	s7 =	simm.s32 $0xA0;
	[sflag:s26] =	ssyncadd.s32 $0xFFFFD800  }
0x5c: {  	[tilespmem:s21], [sflag:$0x1] =	stream.indirect.gather [hbm4b:s0+s29], $0x80, s7, s29, $0xb8;
	[tilespmem:$0x1DE20] =	vst v63  }
0x5d: {  	_ =	swait.ge [sflag:s1], $0x2800  }
0x5e: {  	[sflag:s1] =	ssyncset.done $0x0  }
0x5f: {  	s8 =	simm.s32 $0x2760;
	[sflag:s1] =	ssyncadd.s32 $0xFFFFD800  }
0x60: {  	[spmem:s3] =	stream.indirect.scatter.add.f32 [tilespmem:s30], [sflag:$0x3], $0x80, s8, s29, $0xb8;
	[tilespmem:$0x1DE20] =	vst v63  }
0x61: {  	_ =	swait.ge [sflag:s26], $0x2800  }
0x62: {  	s28 =	simm.s32 $0xA0;
	s2 =	simm.s32 $0x500;
	[sflag:s26] =	ssyncset.done $0x0  }
.LBB2_4:
0x63: {  	s6 =	sadd.s32 $0x50, s28  }
0x64: {  	[sflag:s26] =	ssyncadd.s32 $0xFFFFD800;
	s7 =	smov.u32 s2;
	s8 =	sadd.s32 $0x280, s2  }
0x65: {  	[tilespmem:s30], [sflag:$0x2] =	stream.indirect.gather [hbm4b:s0+s29], $0x80, s6, s29, $0xb8;
	[tilespmem:$0x1DE20] =	vst v63  }
0x66: {  	p0 =	sne.s32 s2, $0x9880;
	_ =	swait.ge [sflag:s31], $0x2800  }
0x67: {  	[sflag:s31] =	ssyncset.done $0x0  }
0x68: {  	s2 =	sadd.s32 $0x2710, s28;
	[sflag:s31] =	ssyncadd.s32 $0xFFFFD800  }
0x69: {  	[spmem:s3] =	stream.indirect.scatter.add.f32 [tilespmem:s21], [sflag:$0x3], $0x80, s2, s29, $0xb8;
	[tilespmem:$0x1DE20] =	vst v63  }
0x6a: {  	_ =	swait.ge [sflag:s26], $0x2800  }
0x6b: {  	[sflag:s26] =	ssyncset.done $0x0  }
0x6c: {  	s2 =	sadd.s32 $0xA0, s28;
	[sflag:s26] =	ssyncadd.s32 $0xFFFFD800  }
0x6d: {  	[tilespmem:s21], [sflag:$0x1] =	stream.indirect.gather [hbm4b:s0+s29], $0x80, s2, s29, $0xb8;
	[tilespmem:$0x1DE20] =	vst v63  }
0x6e: {  	_ =	swait.ge [sflag:s1], $0x2800  }
.Ltmp1:
0x6f: {  	[sflag:s1] =	ssyncset.done $0x0;
	(pc) =	sbr.rel @p0 .LBB2_4-.Ltmp1, $4  }
0x70: {  	s2 =	sadd.s32 $0x2760, s28;
	[sflag:s1] =	ssyncadd.s32 $0xFFFFD800  }
0x71: {  	[spmem:s3] =	stream.indirect.scatter.add.f32 [tilespmem:s30], [sflag:$0x3], $0x80, s2, s29, $0xb8;
	[tilespmem:$0x1DE20] =	vst v63  }
0x72: {  	_ =	swait.ge [sflag:s26], $0x2800  }
0x73: {  	s28 =	sshra.s32 s7, $0x2;
	s2 =	smov.u32 s8;
	[sflag:s26] =	ssyncset.done $0x0  }
0x74: {  	s2 =	sadd.s32 $0x50, s28;
	[sflag:s26] =	ssyncadd.s32 $0xFFFFD800  }
0x75: {  	[tilespmem:s30], [sflag:$0x2] =	stream.indirect.gather [hbm4b:s0+s29], $0x80, s2, s29, $0xb8;
	[tilespmem:$0x1DE20] =	vst v63  }
0x76: {  	_ =	swait.ge [sflag:s31], $0x2800  }
0x77: {  	[sflag:s31] =	ssyncset.done $0x0  }
0x78: {  	s8 =	sadd.s32 $0x2710, s28;
	[sflag:s31] =	ssyncadd.s32 $0xFFFFD800  }
0x79: {  	[spmem:s3] =	stream.indirect.scatter.add.f32 [tilespmem:s21], [sflag:$0x3], $0x80, s8, s29, $0xb8;
	[tilespmem:$0x1DE20] =	vst v63  }
0x7a: {  	_ =	swait.ge [sflag:s26], $0x2800  }
0x7b: {  	[sflag:s26] =	ssyncset.done $0x0  }
0x7c: {  	s6 =	sadd.s32 $0xA0, s28;
	[sflag:s26] =	ssyncadd.s32 $0xFFFFD800  }
0x7d: {  	[tilespmem:s21], [sflag:$0x1] =	stream.indirect.gather [hbm4b:s0+s29], $0x80, s6, s29, $0xb8;
	[tilespmem:$0x1DE20] =	vst v63  }
0x7e: {  	_ =	swait.ge [sflag:s1], $0x2800  }
0x7f: {  	[sflag:s1] =	ssyncset.done $0x0  }
0x80: {  	s7 =	sadd.s32 $0x2760, s28;
	[sflag:s1] =	ssyncadd.s32 $0xFFFFD800  }
0x81: {  	[spmem:s3] =	stream.indirect.scatter.add.f32 [tilespmem:s30], [sflag:$0x3], $0x80, s7, s29, $0xb8;
	[tilespmem:$0x1DE20] =	vst v63  }
0x82: {  	_ =	swait.ge [sflag:s26], $0x2800  }
0x83: {  	[sflag:s26] =	ssyncset.done $0x0  }
0x84: {  	[sflag:s26] =	ssyncadd.s32 $0xFFFFD800  }
0x85: {  	_ =	swait.ge [sflag:s31], $0x2800  }
0x86: {  	[sflag:s31] =	ssyncset.done $0x0  }
0x87: {  	s8 =	simm.s32 $0x4DD0;
	[sflag:s31] =	ssyncadd.s32 $0xFFFFD800  }
0x88: {  	[spmem:s3] =	stream.indirect.scatter.add.f32 [tilespmem:s21], [sflag:$0x3], $0x80, s8, s29, $0xb8;
	[tilespmem:$0x1DE20] =	vst v63  }
0x89: {  	_ =	swait.ge [sflag:s26], $0x2800  }
0x8a: {  	s28 =	stileid.u32;
	[sflag:s26] =	ssyncset.done $0x0  }
0x8b: {  	s2 =	sshll.u32 s28, $0x6;
	[sflag:s26] =	ssyncadd.s32 $0xFFFFD800  }
0x8c: {  	s2 =	sor.u32 $0x1C03, s2;
	s6 =	sshrl.u32 s5, $0x3;
	[bflag:$0x0] =	sbarrier.arrive $0xFFFF  }
0x8d: {  	[hbm:s16], [sflag:s2] =	dma.local [spmem:s6], $0x800  }
0x8e: {  	_ =	swait.ge [sflag:s26], $0x800  }
0x8f: {  	[sflag:s26] =	ssyncset.done $0x0  }
0x90: {  	[sflag:s26] =	ssyncadd.s32 $0xFFFFF800  }
0x91: {  	[hbm:s17], [sflag:s2] =	dma.local [spmem:s22], $0x800  }
0x92: {  	_ =	swait.ge [sflag:s26], $0x800  }
0x93: {  	[sflag:s26] =	ssyncset.done $0x0  }
0x94: {  	[sflag:s26] =	ssyncadd.s32 $0xFFFFF800  }
0x95: {  	[hbm:s18], [sflag:s2] =	dma.local [spmem:s23], $0x800  }
0x96: {  	_ =	swait.ge [sflag:s26], $0x800  }
0x97: {  	[sflag:s26] =	ssyncset.done $0x0  }
0x98: {  	[sflag:s26] =	ssyncadd.s32 $0xFFFFF800  }
0x99: {  	[hbm:s19], [sflag:s2] =	dma.local [spmem:s24], $0x800  }
0x9a: {  	s4 =	sadd.s32 $0x1, s4;
	_ =	swait.ge [sflag:s26], $0x800  }
0x9b: {  	p0 =	sne.s32 s4, s15;
	[sflag:s26] =	ssyncset.done $0x0  }
.Ltmp2:
0x9c: {  	[sflag:s26] =	ssyncadd.s32 $0xFFFFF800;
	(pc) =	sbr.rel @p0 .LBB2_1-.Ltmp2, $4  }
0x9d: {  	[hbm:s20], [sflag:s2] =	dma.local [spmem:s25], $0x800  }
0x9e: {  	_ =	swait.ge [sflag:s26], $0x800  }
0x9f: {  	[sflag:s26] =	ssyncset.done $0x0  }
0xa0: {  	[sflag:s26] =	ssyncadd.s32 $0xFFFFF800  }
0xa1: {  	_ =	sfence.sel $0x180000  }
0xa2: {  	[bflag:$0x0] =	sbarrier.arrive $0xFFFF  }
0xa3: {  	_ =	strace $0x9000004D  }
0xa4: {  	s0 =	stileid.u32;
	[bflag:$0x2] =	sbarrier.arrive $0xFFFF  }
0xa5: {  	p0 =	sne.s32 s0, $0x0;
	s0 =	rddreg [dreg:$0x3]  }
0xa6: {  	s0 =	sadd.s32 @!p0 $0x100000, s0  }
0xa7: {  	[sflag:s0] =	ssyncadd.tile.s32 @!p0 $0x1;
	_ =	shalt  }
.Lfunc_end2:
_tile_overlayer_lowered:
.L_overlay_start_2:
0xa8: {  	(tag) =	ssettag $0x2  }
0xa9: {  	s0 =	rddreg [dreg:$0x0];
	s2 =	stileid.u32  }
0xaa: {  	s1 =	rddreg [dreg:$0x1];
	p0 =	sne.s32 s2, $0x0  }
0xab: {  	s3 =	rddreg [dreg:$0x2];
	[bflag:$0x3] =	sbarrier.arrive $0xFFFF;
	s2 =	simm.s32 @!p0 $0x1C03  }
0xac: {  	[timem:s3], [sflag:s2] =	dma.local @!p0 [hbm:s0], s1  }
0xad: {  	s0 =	simm.s32 @!p0 $0x3  }
0xae: {  	_ =	swait.ge @!p0 [sflag:s0], s1  }
0xaf: {  	s1 =	ssub.s32 @!p0 $0x0, s1;
	[sflag:s0] =	ssyncset.done @!p0 $0x0  }
0xb0: {  	[sflag:s0] =	ssyncadd.s32 @!p0 s1  }
0xb1: {  	[bflag:$0x3] =	sbarrier.arrive $0xFFFF  }
0xb2: {  	_ =	shalt  }

// kernel: kernel.19.cloned.1.call-start
scs
__scs_entry_jumppad:
0x0: {  	(pc) =	sbr.rel $0x88, $3  }
0x1: {  	(tag) =	ssettag $0x0;
	lr =	simm.s32 $0x1  }
0x2: {  	[smem:$0x3F96] =	sst lr;
	_ =	strace $0xD0000000  }
0x3: {  	_ = 	snop  }
0x4: {  	_ = 	snop  }
0x5: {  	_ = 	snop  }
0x6: {  	_ = 	snop  }
0x7: {  	_ = 	snop  }
__scs_overlays_trampoline_lowered:
0x8: {  	[smem:$0x3FA5] =	sst s0  }
0x9: {  	[smem:$0x3FA6] =	sst s1  }
0xa: {  	[smem:$0x3FA7] =	sst s2  }
0xb: {  	[smem:$0x3FA8] =	sst s3  }
0xc: {  	[smem:$0x3FA9] =	sst s4  }
0xd: {  	[smem:$0x3FAA] =	sst s5  }
0xe: {  	[smem:$0x3FAB] =	sst s6  }
0xf: {  	[smem:$0x3FAC] =	sst s7  }
0x10: {  	[smem:$0x3FAD] =	sst s8  }
0x11: {  	[smem:$0x3FAE] =	sst s9;
	s0 =	simm.s32 @!p0 $0x0  }
0x12: {  	s1 =	sld [smem:$0x3F94];
	s0 =	simm.s32 @p0 $0x1  }
0x13: {  	[smem:$0x3FAF] =	sst s0;
	s0 =	simm.s32 @!p1 $0x0  }
0x14: {  	s2 =	sld [smem:$0x3F93];
	s0 =	simm.s32 @p1 $0x1  }
0x15: {  	[smem:$0x3FB0] =	sst s0;
	s0 =	simm.s32 @!p2 $0x0  }
0x16: {  	s3 =	sld [smem:$0x3FDB];
	s0 =	simm.s32 @p2 $0x1  }
0x17: {  	s4 =	simm.s32 $0x1BF5;
	[smem:$0x3FB2] =	sst s0  }
0x18: {  	s0 =	sld [smem:$0x3F95];
	_ =	swait.ge [sflag:s4], $0x0  }
0x19: {  	s7 =	sld [smem:$0x3F96]  }
0x1a: {  	s8 =	sadd.s32 $0xFFFFE003, lr  }
0x1b: {  	s9 =	sadd.s32 $0xFFFFFEF7, lr;
	s5 =	simm.s32 $0xFFFFFFFF;
	p2 =	slt.u32 s8, $0xFFFFF086  }
0x1c: {  	p1 =	slt.u32 s9, $0xF7A;
	s5 =	simm.s32 @!p2 $0x0  }
0x1d: {  	s5 =	simm.s32 @p1 $0x1;
	p0 =	seq.s32 s7, s2  }
0x1e: {  	s7 =	smul.u32 @!p0 $0xF7A, s2;
	p2 =	seq.s32 @!p0 s5, $0x0  }
0x1f: {  	s9 =	smul.u32 $0xF7A, s1;
	s8 =	simm.s32 @!p0 $0x1BF5;
	p2 =	por !p2, p0  }
0x20: {  	[sflag:s8] =	ssyncset.s32 @!p0 $0xFFFFF086;
	s6 =	sadd.s32 @!p0 s3, s7;
	s7 =	simm.s32 @!p0 $0x108  }
0x21: {  	s3 =	sadd.s32 s3, s9;
	s6 =	sadd.s32 @!p0 $0x88, s6;
	s7 =	simm.s32 @p2 $0x1082  }
0x22: {  	[simem:s7], [sflag:s8] =	dma.local @!p0 [hbm:s6], $0xF7A  }
0x23: {  	s9 =	sor.u32 $0xD0000000, s2;
	s6 =	simm.s32 $0x108;
	_ =	swait.ge @!p0 [sflag:s8], $0x0  }
0x24: {  	s3 =	sadd.s32 $0x88, s3;
	s6 =	simm.s32 @!p1 $0x1082;
	[sflag:s4] =	ssyncset.s32 $0xFFFFF086  }
0x25: {  	[simem:s6], [sflag:s4] =	dma.local [hbm:s3], $0xF7A  }
0x26: {  	[smem:$0x3F96] =	sst s1;
	(tag) =	ssettag s2;
	_ =	strace s9  }
0x27: {  	s1 =	sld [smem:$0x3FA6]  }
0x28: {  	s2 =	sld [smem:$0x3FA7]  }
0x29: {  	s4 =	sld [smem:$0x3FA9]  }
0x2a: {  	p0 =	seq.s32 s5, $0x0;
	s5 =	sld [smem:$0x3FAA]  }
0x2b: {  	s6 =	sld [smem:$0x3FAB]  }
0x2c: {  	s7 =	sld [smem:$0x3FAC]  }
0x2d: {  	s3 =	simm.s32 $0x108;
	s8 =	sld [smem:$0x3FAD]  }
0x2e: {  	s3 =	simm.s32 @!p0 $0x1082;
	s9 =	sld [smem:$0x3FAE]  }
0x2f: {  	lr =	sadd.s32 s0, s3;
	s0 =	sld [smem:$0x3FA5]  }
0x30: {  	s3 =	sld [smem:$0x3FA8]  }
0x31: {  	[smem:$0x3FB1] =	sst s10  }
0x32: {  	s10 =	sld [smem:$0x3FAF];
	_ =	sdelay $0x3  }
0x33: {  	p0 =	seq.s32 s10, $0x1;
	s10 =	sld [smem:$0x3FB1];
	_ =	sdelay $0x3  }
0x34: {  	[smem:$0x3FB1] =	sst s10  }
0x35: {  	s10 =	sld [smem:$0x3FB0];
	_ =	sdelay $0x3  }
0x36: {  	p1 =	seq.s32 s10, $0x1;
	s10 =	sld [smem:$0x3FB1];
	_ =	sdelay $0x3  }
0x37: {  	[smem:$0x3FB1] =	sst s10  }
0x38: {  	s10 =	sld [smem:$0x3FB2]  }
0x39: {  	_ = 	snop;
	(pc) =	sbr.ind lr, $3  }
0x3a: {  	_ = 	snop  }
0x3b: {  	_ = 	snop  }
0x3c: {  	p2 =	seq.s32 s10, $0x1;
	s10 =	sld [smem:$0x3FB1]  }
0x3d: {  	_ =	shalt  }
0x3e: {  	_ =	shalt  }
0x3f: {  	_ =	shalt  }
0x40: {  	_ =	shalt  }
0x41: {  	_ =	shalt  }
0x42: {  	_ =	shalt  }
0x43: {  	_ =	shalt  }
0x44: {  	_ =	shalt  }
0x45: {  	_ =	shalt  }
0x46: {  	_ =	shalt  }
0x47: {  	_ =	shalt  }
0x48: {  	_ =	shalt  }
0x49: {  	_ =	shalt  }
0x4a: {  	_ =	shalt  }
0x4b: {  	_ =	shalt  }
0x4c: {  	_ =	shalt  }
0x4d: {  	_ =	shalt  }
0x4e: {  	_ =	shalt  }
0x4f: {  	_ =	shalt  }
0x50: {  	_ =	shalt  }
0x51: {  	_ =	shalt  }
0x52: {  	_ =	shalt  }
0x53: {  	_ =	shalt  }
0x54: {  	_ =	shalt  }
0x55: {  	_ =	shalt  }
0x56: {  	_ =	shalt  }
0x57: {  	_ =	shalt  }
0x58: {  	_ =	shalt  }
0x59: {  	_ =	shalt  }
0x5a: {  	_ =	shalt  }
0x5b: {  	_ =	shalt  }
0x5c: {  	_ =	shalt  }
0x5d: {  	_ =	shalt  }
0x5e: {  	_ =	shalt  }
0x5f: {  	_ =	shalt  }
0x60: {  	_ =	shalt  }
0x61: {  	_ =	shalt  }
0x62: {  	_ =	shalt  }
0x63: {  	_ =	shalt  }
0x64: {  	_ =	shalt  }
0x65: {  	_ =	shalt  }
0x66: {  	_ =	shalt  }
0x67: {  	_ =	shalt  }
0x68: {  	_ =	shalt  }
0x69: {  	_ =	shalt  }
0x6a: {  	_ =	shalt  }
0x6b: {  	_ =	shalt  }
0x6c: {  	_ =	shalt  }
0x6d: {  	_ =	shalt  }
0x6e: {  	_ =	shalt  }
0x6f: {  	_ =	shalt  }
0x70: {  	_ =	shalt  }
0x71: {  	_ =	shalt  }
0x72: {  	_ =	shalt  }
0x73: {  	_ =	shalt  }
0x74: {  	_ =	shalt  }
0x75: {  	_ =	shalt  }
0x76: {  	_ =	shalt  }
0x77: {  	_ =	shalt  }
0x78: {  	_ =	shalt  }
0x79: {  	_ =	shalt  }
0x7a: {  	_ =	shalt  }
0x7b: {  	_ =	shalt  }
0x7c: {  	_ =	shalt  }
0x7d: {  	_ =	shalt  }
0x7e: {  	_ =	shalt  }
0x7f: {  	_ =	shalt  }
0x80: {  	_ =	shalt  }
0x81: {  	_ =	shalt  }
0x82: {  	_ =	shalt  }
0x83: {  	_ =	shalt  }
0x84: {  	_ =	shalt  }
0x85: {  	_ =	shalt  }
0x86: {  	_ =	shalt  }
0x87: {  	_ =	shalt  }
.Lfunc_end0:
.L_simem_size_0:
called_computation.3_lowered:
.L_overlay_start_0:
0x88: {  	s2 =	sld [smem:$0x3FD9]  }
0x89: {  	s3 =	sld [smem:$0x3FFE];
	_ =	sdelay $0x1  }
0x8a: {  	s1 =	srdreg.scid  }
0x8b: {  	s0 =	sand.u32 $0x1, s1  }
0x8c: {  	s17 =	sshll.u32 s0, $0xA;
	s2 =	sadd.s32 s3, s2  }
0x8d: {  	s2 =	sadd.s32 s2, s17  }
0x8e: {  	[smem:$0x3FBD] =	sst s2  }
0x8f: {  	_ = 	snop  }
0x90: {  	s2 =	sld [smem:$0x3FD0];
	(tm) =	ssettm $0x1  }
0x91: {  	s18 =	sld [smem:$0x3FFB];
	_ =	sdelay $0x3  }
0x92: {  	_ =	strace s18  }
0x93: {  	s3 =	sld [smem:$0x3FFC];
	_ =	sdelay $0x3  }
0x94: {  	_ =	strace s3  }
0x95: {  	s3 =	sld [smem:$0x3FFD];
	_ =	sdelay $0x3  }
0x96: {  	_ =	strace s3  }
0x97: {  	_ =	strace $0x8FFFFFFF  }
0x98: {  	s19 =	sld [smem:$0x3FDB];
	_ =	sdelay $0x1  }
0x99: {  	s4 =	simm.s32 $_scs_section_size  }
0x9a: {  	s5 =	simm.s32 $_size__tile_overlayer_lowered;
	s6 =	simm.s32 $_tile_overlayer_lowered  }
0x9b: {  	s22 =	simm.s32 $0x1BFF;
	s21 =	sshll.u32 s6, $0x1;
	s3 =	sadd.s32 s4, s19  }
0x9c: {  	s7 =	simm.s32 $0x0;
	s20 =	sshll.u32 s5, $0x1;
	s5 =	sadd.s32 s21, s3  }
0x9d: {  	[timem:s7], [sflag:s22] =	dma.local [hbm:s5], s20  }
0x9e: {  	_ =	swait.ge [sflag:s22], s20  }
0x9f: {  	s4 =	ssub.s32 $0x0, s20;
	[sflag:s22] =	ssyncset.done $0x0  }
0xa0: {  	[sflag:s22] =	ssyncadd.s32 s4;
	_ =	sdelay $0x1  }
0xa1: {  	s23 =	simm.s32 $0x1B8B  }
0xa2: {  	_ =	swait.ge [sflag:s23], $0x1  }
0xa3: {  	[sflag:s23] =	ssyncset.done $0x0  }
0xa4: {  	s25 =	simm.s32 $0x1B8E;
	s24 =	sld [smem:$0x3FFE];
	[sflag:s23] =	ssyncadd.s32 $0xFFFFFFFF  }
0xa5: {  	s26 =	simm.s32 $execute0_lowered;
	[smem:$0x3FD2] =	sst s25  }
0xa6: {  	s5 =	sshll.u32 s26, $0x1;
	_ =	strace $0x8000004F;
	[dreg:$0x1] =	wrdreg $0xFFFFFFFF  }
0xa7: {  	s28 =	simm.s32 $_size_execute0_lowered;
	s3 =	sadd.s32 s3, s5;
	[dreg:$0x0] =	wrdreg $0x0  }
0xa8: {  	s5 =	sshll.u32 s28, $0x1;
	[dreg:$0x2] =	wrdreg s3  }
0xa9: {  	[dreg:$0x3] =	wrdreg s5  }
0xaa: {  	[dreg:$0x4] =	wrdreg $0xC0  }
0xab: {  	_ =	task [dreg:s7], $0x5FFFF  }
0xac: {  	[dreg:$0x1] =	wrdreg $0xFFFFFFFF  }
0xad: {  	[dreg:$0x0] =	wrdreg $0x60  }
0xae: {  	[dreg:$0x2] =	wrdreg s2  }
0xaf: {  	[dreg:$0x3] =	wrdreg s24  }
0xb0: {  	[dreg:$0x4] =	wrdreg $0x9E200  }
0xb1: {  	[dreg:$0x5] =	wrdreg $0x9  }
0xb2: {  	_ =	task.clear_ibuf [dreg:s7], $0x6FFFF;
	_ =	strace $0x9000004F  }
0xb3: {  	s29 =	simm.s32 $0x9;
	_ =	strace $0x80000051  }
0xb4: {  	_ =	swait.ge [sflag:s29], $0x1  }
0xb5: {  	[sflag:s29] =	ssyncadd.s32 $0xFFFFFFFF  }
0xb6: {  	_ =	strace $0x90000051  }
0xb7: {  	_ =	sfence  }
0xb8: {  	s30 =	sld [smem:$0x0];
	_ =	sdelay $0x2  }
0xb9: {  	s31 =	sshll.u32 s1, $0xD;
	s1 =	sshrl.u32 s1, $0x2  }
0xba: {  	s3 =	sand.u32 $0x4000, s31;
	s1 =	sadd.s32 s1, s30  }
0xbb: {  	s0 =	sor.u32 s3, s0;
	s1 =	sshll.u32 s1, $0x11  }
0xbc: {  	s0 =	sor.u32 s1, s0  }
0xbd: {  	s0 =	sadd.s32 $0x8F2B, s0  }
0xbe: {  	[sflag:s0] =	ssyncadd.remote.s32 $0x1  }
0xbf: {  	_ =	sfence.sel $0xFFFF  }
0xc0: {  	[dreg:$0x0] =	wrdreg $0xFFFFFFFF;
	(pc) =	sbr.abs _section_cstart, $3  }
0xc1: {  	[dreg:$0x1] =	wrdreg $0xFFFFFFFF  }
0xc2: {  	_ =	task.clear_ibuf [dreg:s7], $0x2FFFF;
	_ =	strace $0x9FFFFFFF  }
0xc3: {  	(tm) =	ssettm $0x7FFFFFFF  }
tec
execute0_lowered:
.L_overlay_start_1:
0x0: {  	(tag) =	ssettag $0x1  }
0x1: {  	s0 =	rddreg [dreg:$0x0]  }
0x2: {  	s1 =	srdreg.scid;
	s2 =	rddreg [dreg:$0x1]  }
0x3: {  	s3 =	rddreg [dreg:$0x2];
	s8 =	stileid.u32  }
0x4: {  	s4 =	simm.s32 $0x0;
	s29 =	simm.s32 $0x50;
	s30 =	simm.s32 $0x7620  }
0x5: {  	s31 =	simm.s32 $0x1;
	s1 =	sand.u32 $0x1, s1;
	s6 =	smul.u32 $0x50000, s8  }
0x6: {  	[smem:$0x7FF] =	sst s4;
	s15 =	smul.u32 $0x14000, s8;
	s5 =	sshll.u32 s1, $0x4  }
0x7: {  	_ =	strace $0x80000050;
	s23 =	smul.u32 $0x28000, s1;
	s1 =	ssub.s32 $0x2, s1  }
0x8: {  	s5 =	sor.u32 s8, s5;
	s7 =	sshrl.u32 s1, $0x1;
	s6 =	sshrl.u32 s6, $0x2  }
0x9: {  	s16 =	sadd.s32 $0x4000, s15;
	s17 =	sshrl.u32 s15, $0x3;
	s19 =	sadd.s32 $0x8000, s15  }
0xa: {  	s26 =	sadd.s32 $0xC000, s15;
	s5 =	smul.u32 $0x4E2, s5;
	s1 =	ssub.s32 s1, s7  }
0xb: {  	s12 =	sadd.s32 s6, s3;
	s18 =	sshrl.u32 s16, $0x3;
	s22 =	sadd.s32 s16, s3  }
0xc: {  	s20 =	sshrl.u32 s19, $0x3;
	s28 =	sshrl.u32 s26, $0x3;
	s6 =	sadd.s32 $0x2800, s12  }
0xd: {  	s24 =	sadd.s32 $0x5000, s12;
	s25 =	sadd.s32 $0x7800, s12;
	s9 =	sadd.s32 $0xA000, s12  }
0xe: {  	s10 =	sadd.s32 $0xC800, s12;
	s11 =	sadd.s32 $0xF000, s12;
	s12 =	sadd.s32 $0x11800, s12  }
0xf: {  	s22 =	sshrl.u32 s22, $0x3;
	s14 =	sadd.s32 s5, s2;
	[dreg:$0x4] =	wrdreg s6  }
0x10: {  	s2 =	sadd.s32 s23, s2;
	s5 =	sadd.s32 s15, s3;
	[dreg:$0x5] =	wrdreg s24  }
0x11: {  	[dreg:$0x6] =	wrdreg s25;
	s23 =	sadd.s32 s19, s3;
	s15 =	sadd.s32 $0x10000, s15  }
0x12: {  	s24 =	sadd.s32 s26, s3;
	s26 =	simm.s32 $0x3;
	s13 =	sadd.s32 $0xFA00, s14  }
0x13: {  	s14 =	sadd.s32 $0x5C00, s14;
	s2 =	sadd.s32 $0x19800, s2;
	s21 =	sshrl.u32 s15, $0x3  }
0x14: {  	s25 =	sadd.s32 s15, s3;
	s15 =	smax.u32 s1, $0x1;
	s23 =	sshrl.u32 s23, $0x3  }
0x15: {  	s24 =	sshrl.u32 s24, $0x3;
	s1 =	simm.s32 $0x2;
	s16 =	sadd.s32 s17, s2  }
0x16: {  	s17 =	sadd.s32 s18, s2;
	s18 =	sadd.s32 s20, s2;
	s19 =	sadd.s32 s28, s2  }
0x17: {  	v0 =	vimm.f32 $0.0e+00;
	s20 =	sadd.s32 s21, s2;
	s21 =	simm.s32 $0x4E20;
	s25 =	sshrl.u32 s25, $0x3  }
.LBB2_1:
0x18: {  	s28 =	simm.s32 $0x0;
	s2 =	simm.s32 $0x200  }
.LBB2_2:
0x19: {  	p0 =	sne.s32 s2, $0x9E00;
	[tilespmem:s28+$0x4E90] =	vst v0  }
0x1a: {  	[tilespmem:s28+$0x4E20] =	vst v0  }
0x1b: {  	[tilespmem:s28+$0x4E30] =	vst v0  }
.Ltmp0:
0x1c: {  	[tilespmem:s28+$0x4E40] =	vst v0;
	(pc) =	sbr.rel @p0 .LBB2_2-.Ltmp0, $4  }
0x1d: {  	[tilespmem:s28+$0x4E50] =	vst v0  }
0x1e: {  	[tilespmem:s28+$0x4E60] =	vst v0  }
0x1f: {  	[tilespmem:s28+$0x4E70] =	vst v0  }
0x20: {  	[tilespmem:s28+$0x4E80] =	vst v0;
	s28 =	sshra.s32 s2, $0x2;
	s2 =	sadd.s32 $0x200, s2  }
0x21: {  	[tilespmem:s28+$0x4E90] =	vst v0  }
0x22: {  	[tilespmem:s28+$0x4E20] =	vst v0  }
0x23: {  	[tilespmem:s28+$0x4E30] =	vst v0  }
0x24: {  	[tilespmem:s28+$0x4E40] =	vst v0  }
0x25: {  	[tilespmem:s28+$0x4E50] =	vst v0  }
0x26: {  	[tilespmem:s28+$0x4E60] =	vst v0  }
0x27: {  	[tilespmem:s28+$0x4E70] =	vst v0  }
0x28: {  	[tilespmem:s28+$0x4E80] =	vst v0  }
0x29: {  	[spmem:s5] =	stream.linear.scatter [tilespmem:s21], [sflag:$0x3], $0x2800, $0x38;
	[tilespmem:$0x1DE20] =	vst v63  }
0x2a: {  	_ =	swait.ge [sflag:s26], $0x2800  }
0x2b: {  	[sflag:s26] =	ssyncset.done $0x0  }
0x2c: {  	s2 =	rddreg [dreg:$0x4];
	[sflag:s26] =	ssyncadd.s32 $0xFFFFD800  }
0x2d: {  	[spmem:s2] =	stream.linear.scatter [tilespmem:s21], [sflag:$0x3], $0x2800, $0x38;
	[tilespmem:$0x1DE20] =	vst v63  }
0x2e: {  	_ =	swait.ge [sflag:s26], $0x2800  }
0x2f: {  	[sflag:s26] =	ssyncset.done $0x0  }
0x30: {  	s8 =	rddreg [dreg:$0x5];
	[sflag:s26] =	ssyncadd.s32 $0xFFFFD800  }
0x31: {  	[spmem:s8] =	stream.linear.scatter [tilespmem:s21], [sflag:$0x3], $0x2800, $0x38;
	[tilespmem:$0x1DE20] =	vst v63  }
0x32: {  	_ =	swait.ge [sflag:s26], $0x2800  }
0x33: {  	[sflag:s26] =	ssyncset.done $0x0  }
0x34: {  	s6 =	rddreg [dreg:$0x6];
	[sflag:s26] =	ssyncadd.s32 $0xFFFFD800  }
0x35: {  	[spmem:s6] =	stream.linear.scatter [tilespmem:s21], [sflag:$0x3], $0x2800, $0x38;
	[tilespmem:$0x1DE20] =	vst v63  }
0x36: {  	_ =	swait.ge [sflag:s26], $0x2800  }
0x37: {  	[sflag:s26] =	ssyncset.done $0x0  }
0x38: {  	[sflag:s26] =	ssyncadd.s32 $0xFFFFD800  }
0x39: {  	[spmem:s9] =	stream.linear.scatter [tilespmem:s21], [sflag:$0x3], $0x2800, $0x38;
	[tilespmem:$0x1DE20] =	vst v63  }
0x3a: {  	_ =	swait.ge [sflag:s26], $0x2800  }
0x3b: {  	[sflag:s26] =	ssyncset.done $0x0  }
0x3c: {  	[sflag:s26] =	ssyncadd.s32 $0xFFFFD800  }
0x3d: {  	[spmem:s10] =	stream.linear.scatter [tilespmem:s21], [sflag:$0x3], $0x2800, $0x38;
	[tilespmem:$0x1DE20] =	vst v63  }
0x3e: {  	_ =	swait.ge [sflag:s26], $0x2800  }
0x3f: {  	[sflag:s26] =	ssyncset.done $0x0  }
0x40: {  	[sflag:s26] =	ssyncadd.s32 $0xFFFFD800  }
0x41: {  	[spmem:s11] =	stream.linear.scatter [tilespmem:s21], [sflag:$0x3], $0x2800, $0x38;
	[tilespmem:$0x1DE20] =	vst v63  }
0x42: {  	_ =	swait.ge [sflag:s26], $0x2800  }
0x43: {  	[sflag:s26] =	ssyncset.done $0x0  }
0x44: {  	[sflag:s26] =	ssyncadd.s32 $0xFFFFD800  }
0x45: {  	[spmem:s12] =	stream.linear.scatter [tilespmem:s21], [sflag:$0x3], $0x2800, $0x38;
	[tilespmem:$0x1DE20] =	vst v63  }
0x46: {  	_ =	swait.ge [sflag:s26], $0x2800  }
0x47: {  	[sflag:s26] =	ssyncset.done $0x0  }
0x48: {  	s7 =	simm.s32 $0x0;
	[sflag:s26] =	ssyncadd.s32 $0xFFFFD800  }
0x49: {  	[tilespmem:s7], [sflag:$0x3] =	stream.linear.gather [hbm4b:s13+s7], $0x2710, $0x38;
	[tilespmem:$0x1DE20] =	vst v63  }
0x4a: {  	_ =	swait.ge [sflag:s26], $0x2710  }
0x4b: {  	[sflag:s26] =	ssyncset.done $0x0  }
0x4c: {  	s6 =	simm.s32 $0x2710;
	[sflag:s26] =	ssyncadd.s32 $0xFFFFD8F0  }
0x4d: {  	[tilespmem:s6], [sflag:$0x3] =	stream.linear.gather [hbm4b:s14+s7], $0x2710, $0x38;
	[tilespmem:$0x1DE20] =	vst v63  }
0x4e: {  	_ =	swait.ge [sflag:s26], $0x2710  }
0x4f: {  	[sflag:s26] =	ssyncset.done $0x0  }
0x50: {  	[sflag:s26] =	ssyncadd.s32 $0xFFFFD8F0  }
0x51: {  	[bflag:$0x0] =	sbarrier.arrive $0xFFFF  }
0x52: {  	[tilespmem:s21], [sflag:$0x1] =	stream.indirect.gather [hbm4b:s0+s29], $0x80, s7, s29, $0xb8;
	[tilespmem:$0x1DE20] =	vst v63  }
0x53: {  	s8 =	simm.s32 $0x50  }
0x54: {  	[tilespmem:s30], [sflag:$0x2] =	stream.indirect.gather [hbm4b:s0+s29], $0x80, s8, s29, $0xb8;
	[tilespmem:$0x1DE20] =	vst v63  }
0x55: {  	_ =	swait.ge [sflag:s31], $0x2800  }
0x56: {  	[sflag:s31] =	ssyncset.done $0x0  }
0x57: {  	s6 =	simm.s32 $0x2710;
	[sflag:s31] =	ssyncadd.s32 $0xFFFFD800  }
0x58: {  	[spmem:s3] =	stream.indirect.scatter.add.f32 [tilespmem:s21], [sflag:$0x3], $0x80, s6, s29, $0xb8;
	[tilespmem:$0x1DE20] =	vst v63  }
0x59: {  	_ =	swait.ge [sflag:s26], $0x2800  }
0x5a: {  	[sflag:s26] =	ssyncset.done $0x0  }
0x5b: {  	s7 =	simm.s32 $0xA0;
	[sflag:s26] =	ssyncadd.s32 $0xFFFFD800  }
0x5c: {  	[tilespmem:s21], [sflag:$0x1] =	stream.indirect.gather [hbm4b:s0+s29], $0x80, s7, s29, $0xb8;
	[tilespmem:$0x1DE20] =	vst v63  }
0x5d: {  	_ =	swait.ge [sflag:s1], $0x2800  }
0x5e: {  	[sflag:s1] =	ssyncset.done $0x0  }
0x5f: {  	s8 =	simm.s32 $0x2760;
	[sflag:s1] =	ssyncadd.s32 $0xFFFFD800  }
0x60: {  	[spmem:s3] =	stream.indirect.scatter.add.f32 [tilespmem:s30], [sflag:$0x3], $0x80, s8, s29, $0xb8;
	[tilespmem:$0x1DE20] =	vst v63  }
0x61: {  	_ =	swait.ge [sflag:s26], $0x2800  }
0x62: {  	s28 =	simm.s32 $0xA0;
	s2 =	simm.s32 $0x500;
	[sflag:s26] =	ssyncset.done $0x0  }
.LBB2_4:
0x63: {  	s6 =	sadd.s32 $0x50, s28  }
0x64: {  	[sflag:s26] =	ssyncadd.s32 $0xFFFFD800;
	s7 =	smov.u32 s2;
	s8 =	sadd.s32 $0x280, s2  }
0x65: {  	[tilespmem:s30], [sflag:$0x2] =	stream.indirect.gather [hbm4b:s0+s29], $0x80, s6, s29, $0xb8;
	[tilespmem:$0x1DE20] =	vst v63  }
0x66: {  	p0 =	sne.s32 s2, $0x9880;
	_ =	swait.ge [sflag:s31], $0x2800  }
0x67: {  	[sflag:s31] =	ssyncset.done $0x0  }
0x68: {  	s2 =	sadd.s32 $0x2710, s28;
	[sflag:s31] =	ssyncadd.s32 $0xFFFFD800  }
0x69: {  	[spmem:s3] =	stream.indirect.scatter.add.f32 [tilespmem:s21], [sflag:$0x3], $0x80, s2, s29, $0xb8;
	[tilespmem:$0x1DE20] =	vst v63  }
0x6a: {  	_ =	swait.ge [sflag:s26], $0x2800  }
0x6b: {  	[sflag:s26] =	ssyncset.done $0x0  }
0x6c: {  	s2 =	sadd.s32 $0xA0, s28;
	[sflag:s26] =	ssyncadd.s32 $0xFFFFD800  }
0x6d: {  	[tilespmem:s21], [sflag:$0x1] =	stream.indirect.gather [hbm4b:s0+s29], $0x80, s2, s29, $0xb8;
	[tilespmem:$0x1DE20] =	vst v63  }
0x6e: {  	_ =	swait.ge [sflag:s1], $0x2800  }
.Ltmp1:
0x6f: {  	[sflag:s1] =	ssyncset.done $0x0;
	(pc) =	sbr.rel @p0 .LBB2_4-.Ltmp1, $4  }
0x70: {  	s2 =	sadd.s32 $0x2760, s28;
	[sflag:s1] =	ssyncadd.s32 $0xFFFFD800  }
0x71: {  	[spmem:s3] =	stream.indirect.scatter.add.f32 [tilespmem:s30], [sflag:$0x3], $0x80, s2, s29, $0xb8;
	[tilespmem:$0x1DE20] =	vst v63  }
0x72: {  	_ =	swait.ge [sflag:s26], $0x2800  }
0x73: {  	s28 =	sshra.s32 s7, $0x2;
	s2 =	smov.u32 s8;
	[sflag:s26] =	ssyncset.done $0x0  }
0x74: {  	s2 =	sadd.s32 $0x50, s28;
	[sflag:s26] =	ssyncadd.s32 $0xFFFFD800  }
0x75: {  	[tilespmem:s30], [sflag:$0x2] =	stream.indirect.gather [hbm4b:s0+s29], $0x80, s2, s29, $0xb8;
	[tilespmem:$0x1DE20] =	vst v63  }
0x76: {  	_ =	swait.ge [sflag:s31], $0x2800  }
0x77: {  	[sflag:s31] =	ssyncset.done $0x0  }
0x78: {  	s8 =	sadd.s32 $0x2710, s28;
	[sflag:s31] =	ssyncadd.s32 $0xFFFFD800  }
0x79: {  	[spmem:s3] =	stream.indirect.scatter.add.f32 [tilespmem:s21], [sflag:$0x3], $0x80, s8, s29, $0xb8;
	[tilespmem:$0x1DE20] =	vst v63  }
0x7a: {  	_ =	swait.ge [sflag:s26], $0x2800  }
0x7b: {  	[sflag:s26] =	ssyncset.done $0x0  }
0x7c: {  	s6 =	sadd.s32 $0xA0, s28;
	[sflag:s26] =	ssyncadd.s32 $0xFFFFD800  }
0x7d: {  	[tilespmem:s21], [sflag:$0x1] =	stream.indirect.gather [hbm4b:s0+s29], $0x80, s6, s29, $0xb8;
	[tilespmem:$0x1DE20] =	vst v63  }
0x7e: {  	_ =	swait.ge [sflag:s1], $0x2800  }
0x7f: {  	[sflag:s1] =	ssyncset.done $0x0  }
0x80: {  	s7 =	sadd.s32 $0x2760, s28;
	[sflag:s1] =	ssyncadd.s32 $0xFFFFD800  }
0x81: {  	[spmem:s3] =	stream.indirect.scatter.add.f32 [tilespmem:s30], [sflag:$0x3], $0x80, s7, s29, $0xb8;
	[tilespmem:$0x1DE20] =	vst v63  }
0x82: {  	_ =	swait.ge [sflag:s26], $0x2800  }
0x83: {  	[sflag:s26] =	ssyncset.done $0x0  }
0x84: {  	[sflag:s26] =	ssyncadd.s32 $0xFFFFD800  }
0x85: {  	_ =	swait.ge [sflag:s31], $0x2800  }
0x86: {  	[sflag:s31] =	ssyncset.done $0x0  }
0x87: {  	s8 =	simm.s32 $0x4DD0;
	[sflag:s31] =	ssyncadd.s32 $0xFFFFD800  }
0x88: {  	[spmem:s3] =	stream.indirect.scatter.add.f32 [tilespmem:s21], [sflag:$0x3], $0x80, s8, s29, $0xb8;
	[tilespmem:$0x1DE20] =	vst v63  }
0x89: {  	_ =	swait.ge [sflag:s26], $0x2800  }
0x8a: {  	s28 =	stileid.u32;
	[sflag:s26] =	ssyncset.done $0x0  }
0x8b: {  	s2 =	sshll.u32 s28, $0x6;
	[sflag:s26] =	ssyncadd.s32 $0xFFFFD800  }
0x8c: {  	s2 =	sor.u32 $0x1C03, s2;
	s6 =	sshrl.u32 s5, $0x3;
	[bflag:$0x0] =	sbarrier.arrive $0xFFFF  }
0x8d: {  	[hbm:s16], [sflag:s2] =	dma.local [spmem:s6], $0x800  }
0x8e: {  	_ =	swait.ge [sflag:s26], $0x800  }
0x8f: {  	[sflag:s26] =	ssyncset.done $0x0  }
0x90: {  	[sflag:s26] =	ssyncadd.s32 $0xFFFFF800  }
0x91: {  	[hbm:s17], [sflag:s2] =	dma.local [spmem:s22], $0x800  }
0x92: {  	_ =	swait.ge [sflag:s26], $0x800  }
0x93: {  	[sflag:s26] =	ssyncset.done $0x0  }
0x94: {  	[sflag:s26] =	ssyncadd.s32 $0xFFFFF800  }
0x95: {  	[hbm:s18], [sflag:s2] =	dma.local [spmem:s23], $0x800  }
0x96: {  	_ =	swait.ge [sflag:s26], $0x800  }
0x97: {  	[sflag:s26] =	ssyncset.done $0x0  }
0x98: {  	[sflag:s26] =	ssyncadd.s32 $0xFFFFF800  }
0x99: {  	[hbm:s19], [sflag:s2] =	dma.local [spmem:s24], $0x800  }
0x9a: {  	s4 =	sadd.s32 $0x1, s4;
	_ =	swait.ge [sflag:s26], $0x800  }
0x9b: {  	p0 =	sne.s32 s4, s15;
	[sflag:s26] =	ssyncset.done $0x0  }
.Ltmp2:
0x9c: {  	[sflag:s26] =	ssyncadd.s32 $0xFFFFF800;
	(pc) =	sbr.rel @p0 .LBB2_1-.Ltmp2, $4  }
0x9d: {  	[hbm:s20], [sflag:s2] =	dma.local [spmem:s25], $0x800  }
0x9e: {  	_ =	swait.ge [sflag:s26], $0x800  }
0x9f: {  	[sflag:s26] =	ssyncset.done $0x0  }
0xa0: {  	[sflag:s26] =	ssyncadd.s32 $0xFFFFF800  }
0xa1: {  	_ =	sfence.sel $0x180000  }
0xa2: {  	[bflag:$0x0] =	sbarrier.arrive $0xFFFF  }
0xa3: {  	_ =	strace $0x90000050  }
0xa4: {  	s0 =	stileid.u32;
	[bflag:$0x2] =	sbarrier.arrive $0xFFFF  }
0xa5: {  	p0 =	sne.s32 s0, $0x0;
	s0 =	rddreg [dreg:$0x3]  }
0xa6: {  	s0 =	sadd.s32 @!p0 $0x100000, s0  }
0xa7: {  	[sflag:s0] =	ssyncadd.tile.s32 @!p0 $0x1;
	_ =	shalt  }
.Lfunc_end2:
_tile_overlayer_lowered:
.L_overlay_start_2:
0xa8: {  	(tag) =	ssettag $0x2  }
0xa9: {  	s0 =	rddreg [dreg:$0x0];
	s2 =	stileid.u32  }
0xaa: {  	s1 =	rddreg [dreg:$0x1];
	p0 =	sne.s32 s2, $0x0  }
0xab: {  	s3 =	rddreg [dreg:$0x2];
	[bflag:$0x3] =	sbarrier.arrive $0xFFFF;
	s2 =	simm.s32 @!p0 $0x1C03  }
0xac: {  	[timem:s3], [sflag:s2] =	dma.local @!p0 [hbm:s0], s1  }
0xad: {  	s0 =	simm.s32 @!p0 $0x3  }
0xae: {  	_ =	swait.ge @!p0 [sflag:s0], s1  }
0xaf: {  	s1 =	ssub.s32 @!p0 $0x0, s1;
	[sflag:s0] =	ssyncset.done @!p0 $0x0  }
0xb0: {  	[sflag:s0] =	ssyncadd.s32 @!p0 s1  }
0xb1: {  	[bflag:$0x3] =	sbarrier.arrive $0xFFFF  }
0xb2: {  	_ =	shalt  }

</sc_bundles>
